<compile_context>
chip_gen: v7x
topology: tpu7x:2x2x1
jax: 0.10.2.dev20260603
libtpu: 0.0.44.dev20260713+nightly
codegen_flags: <defaults>
</compile_context>

<pallas_src>
import jax
import jax.numpy as jnp
from jax import lax
from jax.experimental import pallas as pl
from jax.experimental.pallas import tpu as pltpu
from jax.experimental.pallas import tpu_sc as plsc

_F32 = jnp.float32
_PROPOSALS = 1000
_PRE = 6000
_TAU = 0.7
_K = 256
_S = 6144
_NB = _S // _K
_P = 1024
_STD = (0.1, 0.1, 0.2, 0.2)

_DN = (((1,), (0,)), ((), ()))


def _colT(v):
    return jnp.swapaxes(v, 0, 1)


def _suppress_ind(cols, rows):
    cy1, cx1, cy2, cx2, car = cols
    ry1, rx1, ry2, rx2, rar = rows
    yy1 = jnp.maximum(ry1, cy1)
    xx1 = jnp.maximum(rx1, cx1)
    yy2 = jnp.minimum(ry2, cy2)
    xx2 = jnp.minimum(rx2, cx2)
    inter = jnp.maximum(yy2 - yy1, 0.0) * jnp.maximum(xx2 - xx1, 0.0)
    iou = inter / (rar + car - inter + 1e-8)
    return iou > _TAU


def _nms_body(at_ref, dt_ref, out_ref, crd, keeps):
    a = at_ref[0]
    d = dt_ref[0]
    a0, a1, a2, a3 = a[0:1], a[1:2], a[2:3], a[3:4]
    d0, d1, d2, d3 = (d[0:1] * _STD[0], d[1:2] * _STD[1],
                      d[2:3] * _STD[2], d[3:4] * _STD[3])
    h = a2 - a0
    w = a3 - a1
    cy = (a0 + 0.5 * h) + d0 * h
    cx = (a1 + 0.5 * w) + d1 * w
    he = h * jnp.exp(d2)
    we = w * jnp.exp(d3)
    y1 = cy - 0.5 * he
    x1 = cx - 0.5 * we
    y2 = y1 + he
    x2 = x1 + we
    y1 = jnp.clip(y1, 0.0, 1.0)
    x1 = jnp.clip(x1, 0.0, 1.0)
    y2 = jnp.clip(y2, 0.0, 1.0)
    x2 = jnp.clip(x2, 0.0, 1.0)
    ar = (y2 - y1) * (x2 - x1)
    crd[0:1, :] = y1
    crd[1:2, :] = x1
    crd[2:3, :] = y2
    crd[3:4, :] = x2
    crd[4:5, :] = ar

    out_ref[0] = jnp.zeros((4, _P), _F32)

    io_s = lax.broadcasted_iota(jnp.int32, (_K, _K), 0)
    io_l = lax.broadcasted_iota(jnp.int32, (_K, _K), 1)
    lt = (io_l < io_s).astype(_F32)
    p_row = lax.broadcasted_iota(jnp.int32, (1, _P), 1)
    blk_iota = lax.broadcasted_iota(jnp.int32, (_K, 1), 0)

    def get_rows(base):
        sl = pl.ds(base, _K)
        return (crd[0:1, sl], crd[1:2, sl], crd[2:3, sl], crd[3:4, sl],
                crd[4:5, sl])

    def process(b, kc):
        base = pl.multiple_of(b * _K, _K)
        rows_b = get_rows(base)
        cols_b = tuple(_colT(r) for r in rows_b)

        def cross(c, acc):
            cb = pl.multiple_of(c * _K, _K)
            ind = _suppress_ind(cols_b, get_rows(cb)).astype(_F32)
            kcol = keeps[pl.ds(cb, _K), :]
            return acc + lax.dot_general(ind, kcol, _DN,
                                         preferred_element_type=_F32)

        sup = lax.fori_loop(0, b, cross, jnp.zeros((_K, 1), _F32))
        cand = ((blk_iota + base) < _PRE).astype(_F32)
        base_keep = cand * (sup < 0.5).astype(_F32)

        mb = _suppress_ind(cols_b, rows_b).astype(_F32) * lt

        def fix_cond(st):
            return st[1]

        def fix_body(st):
            k = st[0]
            s = lax.dot_general(mb, k, _DN, preferred_element_type=_F32)
            nk = base_keep * (s < 0.5).astype(_F32)
            return nk, jnp.any(nk != k)

        keep_b, _ = lax.while_loop(fix_cond, fix_body, (base_keep, True))
        keeps[pl.ds(base, _K), :] = keep_b

        rank = lax.dot_general(lt, keep_b, _DN, preferred_element_type=_F32)
        pos = (kc + rank).astype(jnp.int32)
        sel = ((pos == p_row) & (keep_b > 0.5)).astype(_F32)
        boxr = jnp.concatenate(rows_b[:4], axis=0)
        out_ref[0] += lax.dot_general(boxr, sel, _DN,
                                      preferred_element_type=_F32)
        return kc + jnp.sum(keep_b)

    def blk(b, kc):
        return lax.cond(kc < float(_PROPOSALS), process,
                        lambda b_, k_: k_, b, kc)

    lax.fori_loop(0, _NB, blk, 0.0)


_NP = 20480
_NV = _NP // 16
_RAD = 1024
_KEYTOP = 0x3FFFFFFF


def _sc_sort_gather_body(s_hbm, a_hbm, d_hbm, aout, dout, k0, i0, k1,
                         i1, hist, offs, idxh, rows, sem):
    cid = lax.axis_index("c")
    sid = lax.axis_index("s")
    io16 = lax.iota(jnp.int32, 16)

    @pl.when(sid == 0)
    def _():
        b = cid
        pltpu.sync_copy(s_hbm.at[b], k0)

        def zero(i, _):
            hist[pl.ds(i * 16, 16)] = jnp.zeros((16,), jnp.int32)
            return 0

        lax.fori_loop(0, _RAD // 16, zero, 0)

        def histo_top(i, _):
            k = k0[pl.ds(i * 16, 16)]
            dg = lax.shift_right_logical(k, 20) & (_RAD - 1)
            occ, last = plsc.scan_count(dg)
            plsc.addupdate_scatter(hist, [dg], occ, mask=last)
            return 0

        lax.fori_loop(0, _NV, histo_top, 0, unroll=4)

        def scan(i, carry):
            h = hist[pl.ds(i * 16, 16)]
            inc = plsc.cumsum(h)
            offs[pl.ds(i * 16, 16)] = (inc - h) + carry
            return carry + jnp.sum(h)

        lax.fori_loop(0, _RAD // 16, scan, 0)

        def cutoff(i, g):
            o = i * 16
            ex = offs[pl.ds(o, 16)]
            h = hist[pl.ds(o, 16)]
            m = (ex < _S) & ((ex + h) >= _S)
            cand = jnp.where(m, io16 + o, _RAD)
            return jnp.minimum(g, jnp.min(cand))

        gstar = lax.fori_loop(0, _RAD // 16, cutoff, _RAD)

        def compact(i, w):
            o = i * 16
            k = k0[pl.ds(o, 16)]
            dg = lax.shift_right_logical(k, 20) & (_RAD - 1)
            m = dg <= gstar
            mi = jnp.where(m, 1, 0)
            slot = w + plsc.cumsum(mi) - 1
            plsc.store_scatter(k1, [slot], k, mask=m)
            plsc.store_scatter(i1, [slot], io16 + o, mask=m)
            return w + jnp.sum(mi)

        mcnt = lax.fori_loop(0, _NV, compact, 0, unroll=4)
        nv = (mcnt + 15) // 16
        tail = io16 + (nv - 1) * 16
        plsc.store_scatter(k1, [tail], jnp.full((16,), 0x7FFFFFFF,
                                                jnp.int32),
                           mask=tail >= mcnt)

        for p, (kin, iin, kout, iout) in enumerate(
                ((k1, i1, k0, i0), (k0, i0, k1, i1), (k1, i1, k0, i0))):
            shift = 10 * p

            lax.fori_loop(0, _RAD // 16, zero, 0)

            def histo(i, _):
                k = kin[pl.ds(i * 16, 16)]
                dg = lax.shift_right_logical(k, shift) & (_RAD - 1)
                occ, last = plsc.scan_count(dg)
                plsc.addupdate_scatter(hist, [dg], occ, mask=last)
                return 0

            lax.fori_loop(0, _S // 16, histo, 0, unroll=4)
            lax.fori_loop(_S // 16, nv, histo, 0)

            lax.fori_loop(0, _RAD // 16, scan, 0)

            def permute(i, _):
                o = i * 16
                k = kin[pl.ds(o, 16)]
                v = iin[pl.ds(o, 16)]
                dg = lax.shift_right_logical(k, shift) & (_RAD - 1)
                occ, last = plsc.scan_count(dg)
                base = plsc.load_gather(offs, [dg])
                slot = base + occ - 1
                plsc.store_scatter(kout, [slot], k)
                plsc.store_scatter(iout, [slot], v)
                plsc.addupdate_scatter(offs, [dg], occ, mask=last)
                return 0

            lax.fori_loop(0, _S // 16, permute, 0, unroll=4)
            lax.fori_loop(_S // 16, nv, permute, 0)

        def cp(i, _):
            i16 = i * 16
            idxh[pl.ds(i16, 16)] = i0[pl.ds(i16, 16)]
            return 0

        lax.fori_loop(0, _S // 16, cp, 0, unroll=8)
        for src_hbm, dst_hbm in ((a_hbm, aout), (d_hbm, dout)):
            copies = [
                pltpu.async_copy(src_hbm.at[b].at[c].at[idxh], rows[c], sem)
                for c in range(4)
            ]
            for c in range(4):
                copies[c].wait()
                pltpu.sync_copy(rows[c], dst_hbm.at[b].at[c])


def _sc_sort_gather(fg_pad, anchors, deltas):
    B = fg_pad.shape[0]
    f = pl.kernel(
        _sc_sort_gather_body,
        out_type=(
            jax.ShapeDtypeStruct((B, 4, _S), _F32),
            jax.ShapeDtypeStruct((B, 4, _S), _F32),
        ),
        mesh=plsc.VectorSubcoreMesh(core_axis_name="c", subcore_axis_name="s"),
        scratch_types=[
            pltpu.VMEM((_NP,), jnp.int32),
            pltpu.VMEM((_NP,), jnp.int32),
            pltpu.VMEM((_NP,), jnp.int32),
            pltpu.VMEM((_NP,), jnp.int32),
            pltpu.VMEM((_RAD,), jnp.int32),
            pltpu.VMEM((_RAD,), jnp.int32),
            pltpu.VMEM((_S,), jnp.int32),
            [pltpu.VMEM((_S,), _F32)] * 4,
            pltpu.SemaphoreType.DMA,
        ],
        compiler_params=pltpu.CompilerParams(needs_layout_passes=False,
                                             use_tc_tiling_on_sc=False),
    )
    return f(fg_pad, anchors, deltas)


def kernel(scores, deltas, anchors):
    B, N, _ = scores.shape
    fg = jnp.pad(scores[:, :, 1], ((0, 0), (0, _NP - N)))
    keys = _KEYTOP - lax.bitcast_convert_type(fg, jnp.int32)
    at, dt = _sc_sort_gather(keys, jnp.transpose(anchors, (0, 2, 1)),
                             jnp.transpose(deltas, (0, 2, 1)))

    out = pl.pallas_call(
        _nms_body,
        grid=(B,),
        in_specs=[
            pl.BlockSpec((1, 4, _S), lambda b: (b, 0, 0)),
            pl.BlockSpec((1, 4, _S), lambda b: (b, 0, 0)),
        ],
        out_specs=pl.BlockSpec((1, 4, _P), lambda b: (b, 0, 0)),
        out_shape=jax.ShapeDtypeStruct((B, 4, _P), _F32),
        scratch_shapes=[
            pltpu.VMEM((8, _S), _F32),
            pltpu.VMEM((_S, 1), _F32),
        ],
    )(at, dt)
    return jnp.transpose(out, (0, 2, 1))[:, :_PROPOSALS, :]

# --- scband reference (transcript-rebuilt; emitter-appended) ---
"""Pipeline reference for scband-proposal-layer-1717986918799 (READ-ONLY COPY).

The authoritative reference and input builder live on the scoring server;
editing this copy changes nothing except your own understanding.
"""

import jax, jax.numpy as jnp
import numpy as np

PROPOSAL_COUNT = 1000
NMS_THRESHOLD = 0.7
PRE_NMS_LIMIT = 6000
RPN_BBOX_STD_DEV = np.array([0.1, 0.1, 0.2, 0.2], dtype=np.float32)


def setup_inputs(seed: int = 0) -> dict:
    key = jax.random.key(seed)
    k1, k2, k3, k4 = jax.random.split(key, 4)
    B, N = 2, 20000
    scores = jax.random.uniform(k1, (B, N, 2), dtype=jnp.float32)
    deltas = jax.random.normal(k2, (B, N, 4), dtype=jnp.float32) * 0.5
    yx = jax.random.uniform(k3, (B, N, 2), minval=0.0, maxval=0.85)
    hw = jax.random.uniform(k4, (B, N, 2), minval=0.02, maxval=0.15)
    anchors = jnp.concatenate([yx, yx + hw], axis=-1).astype(jnp.float32)
    return {"scores": scores, "deltas": deltas, "anchors": anchors}


def apply_box_deltas_single(boxes, deltas):
    height = boxes[:, 2] - boxes[:, 0]
    width = boxes[:, 3] - boxes[:, 1]
    center_y = boxes[:, 0] + 0.5 * height
    center_x = boxes[:, 1] + 0.5 * width
    center_y = center_y + deltas[:, 0] * height
    center_x = center_x + deltas[:, 1] * width
    height = height * jnp.exp(deltas[:, 2])
    width = width * jnp.exp(deltas[:, 3])
    y1 = center_y - 0.5 * height
    x1 = center_x - 0.5 * width
    y2 = y1 + height
    x2 = x1 + width
    return jnp.stack([y1, x1, y2, x2], axis=1)


def nms_single(boxes, scores):
    n = boxes.shape[0]
    areas = (boxes[:, 2] - boxes[:, 0]) * (boxes[:, 3] - boxes[:, 1])
    idx_range = jnp.arange(n)

    def step(scores_work, _):
        idx = jnp.argmax(scores_work)
        valid = scores_work[idx] > -1e9
        box = boxes[idx]
        yy1 = jnp.maximum(box[0], boxes[:, 0])
        xx1 = jnp.maximum(box[1], boxes[:, 1])
        yy2 = jnp.minimum(box[2], boxes[:, 2])
        xx2 = jnp.minimum(box[3], boxes[:, 3])
        inter = jnp.maximum(yy2 - yy1, 0.0) * jnp.maximum(xx2 - xx1, 0.0)
        iou = inter / (areas[idx] + areas - inter + 1e-8)
        suppress = (iou > NMS_THRESHOLD) | (idx_range == idx)
        new_scores = jnp.where(suppress & valid, -1e10, scores_work)
        return new_scores, (idx, valid)

    _, (idxs, valids) = jax.lax.scan(step, scores, None, length=PROPOSAL_COUNT)
    proposals = boxes[idxs]
    proposals = jnp.where(valids[:, None], proposals, 0.0)
    return proposals


def reference(scores, deltas, anchors):
    fg_scores = scores[:, :, 1]
    deltas = deltas * RPN_BBOX_STD_DEV.reshape(1, 1, 4)
    pre_nms_limit = min(PRE_NMS_LIMIT, anchors.shape[1])
    top_scores, top_idx = jax.lax.top_k(fg_scores, pre_nms_limit)
    d = jnp.take_along_axis(deltas, top_idx[:, :, None], axis=1)
    a = jnp.take_along_axis(anchors, top_idx[:, :, None], axis=1)
    boxes = jax.vmap(apply_box_deltas_single)(a, d)
    boxes = jnp.clip(boxes, 0.0, 1.0)
    proposals = jax.vmap(nms_single)(boxes, top_scores)
    return proposals

if __name__ == "__main__":
    import jax
    _d = setup_inputs()
    print(jax.jit(kernel)(*tuple(_d.values())))

</pallas_src>

<mosaic_0001>
#map = affine_map<(d0, d1) -> (0, 0)>
#map1 = affine_map<(d0, d1) -> (0, 0, 0)>
module attributes {stable_mosaic.version = 14 : i64} {
  func.func @_sc_sort_gather_body(%arg0: i32, %arg1: i32, %arg2: memref<2x20480xi32, #tpu.memory_space<hbm>>, %arg3: memref<2x4x20000xf32, #tpu.memory_space<hbm>>, %arg4: memref<2x4x20000xf32, #tpu.memory_space<hbm>>, %arg5: memref<2x4x6144xf32, #tpu.memory_space<hbm>>, %arg6: memref<2x4x6144xf32, #tpu.memory_space<hbm>>, %arg7: memref<20480xi32, #tpu.memory_space<vmem>>, %arg8: memref<20480xi32, #tpu.memory_space<vmem>>, %arg9: memref<20480xi32, #tpu.memory_space<vmem>>, %arg10: memref<20480xi32, #tpu.memory_space<vmem>>, %arg11: memref<1024xi32, #tpu.memory_space<vmem>>, %arg12: memref<1024xi32, #tpu.memory_space<vmem>>, %arg13: memref<6144xi32, #tpu.memory_space<vmem>>, %arg14: memref<6144xf32, #tpu.memory_space<vmem>>, %arg15: memref<6144xf32, #tpu.memory_space<vmem>>, %arg16: memref<6144xf32, #tpu.memory_space<vmem>>, %arg17: memref<6144xf32, #tpu.memory_space<vmem>>, %arg18: memref<!tpu.dma_semaphore, #tpu.memory_space<semaphore_mem>>) attributes {dimension_semantics = [#tpu.dimension_semantics<core_parallel>, #tpu.dimension_semantics<subcore_parallel>], iteration_bounds = array<i64: 2, 16>, scalar_prefetch = 0 : i64, scratch_operands = 12 : i64, tpu.core_type = #tpu.core_type<sc_vector_subcore>, window_params = [{transform_indices = #map}, {transform_indices = #map1}, {transform_indices = #map1}, {transform_indices = #map1}, {transform_indices = #map1}]} {
    %iota3A = tpu.iota {dimensions = array<i32: 0>} : vector<16xi32>
    %eq3A = arith.constant 0 : i32
    %eq3A_0 = arith.cmpi eq, %arg1, %eq3A : i32
    %convert_element_type3A = arith.extui %eq3A_0 : i1 to i32
    %cond3A = arith.constant 0 : i32
    %cond3A_1 = arith.cmpi ne, %convert_element_type3A, %cond3A : i32
    scf.if %cond3A_1 {
      "tpu.region"() ({
        %run_scoped3A_387 = tpu.sem_alloc : memref<!tpu.dma_semaphore, #tpu.memory_space<semaphore_mem>>
        %dma_start3A_388 = arith.constant 0 : i32
        %dma_start3A_389 = tpu.memref_slice %arg2[%arg0, %dma_start3A_388] : memref<2x20480xi32, #tpu.memory_space<hbm>> -> memref<1x20480xi32, #tpu.memory_space<hbm>>
        %dma_start3A_390 = tpu.memref_squeeze %dma_start3A_389 : memref<1x20480xi32, #tpu.memory_space<hbm>> -> memref<20480xi32, #tpu.memory_space<hbm>>
        %dma_start3A_391 = arith.constant 0 : i32
        %dma_start3A_392 = tpu.memref_slice %arg2[%arg0, %dma_start3A_391] : memref<2x20480xi32, #tpu.memory_space<hbm>> -> memref<1x20480xi32, #tpu.memory_space<hbm>>
        %dma_start3A_393 = tpu.memref_squeeze %dma_start3A_392 : memref<1x20480xi32, #tpu.memory_space<hbm>> -> memref<20480xi32, #tpu.memory_space<hbm>>
        tpu.enqueue_dma source(%dma_start3A_393 : memref<20480xi32, #tpu.memory_space<hbm>>) target(%arg7 : memref<20480xi32, #tpu.memory_space<vmem>>) target_semaphore(%run_scoped3A_387 : memref<!tpu.dma_semaphore, #tpu.memory_space<semaphore_mem>>)
        %dma_wait3A_394 = arith.constant 0 : i32
        %dma_wait3A_395 = tpu.memref_slice %arg2[%arg0, %dma_wait3A_394] : memref<2x20480xi32, #tpu.memory_space<hbm>> -> memref<1x20480xi32, #tpu.memory_space<hbm>>
        %dma_wait3A_396 = tpu.memref_squeeze %dma_wait3A_395 : memref<1x20480xi32, #tpu.memory_space<hbm>> -> memref<20480xi32, #tpu.memory_space<hbm>>
        %dma_wait3A_397 = arith.constant 0 : i32
        %dma_wait3A_398 = tpu.memref_slice %arg2[%arg0, %dma_wait3A_397] : memref<2x20480xi32, #tpu.memory_space<hbm>> -> memref<1x20480xi32, #tpu.memory_space<hbm>>
        %dma_wait3A_399 = tpu.memref_squeeze %dma_wait3A_398 : memref<1x20480xi32, #tpu.memory_space<hbm>> -> memref<20480xi32, #tpu.memory_space<hbm>>
        tpu.wait_dma2 semaphore(%run_scoped3A_387 : memref<!tpu.dma_semaphore, #tpu.memory_space<semaphore_mem>>) src(%dma_wait3A_399 : memref<20480xi32, #tpu.memory_space<hbm>>) dst(%arg7 : memref<20480xi32, #tpu.memory_space<vmem>>)
        tpu.yield
      }) : () -> ()
      %scan3A = arith.constant 0 : i32
      %scan3A_2 = arith.constant 0 : i32
      %scan3A_3 = arith.constant 64 : i32
      %scan3A_4 = arith.addi %scan3A_2, %scan3A_3 : i32
      %scan3A_5 = arith.constant 1 : i32
      %scan3A_6 = scf.for %scan3A_387 = %scan3A_2 to %scan3A_4 step %scan3A_5 iter_args(%scan3A_388 = %scan3A) -> (i32)  : i32 {
        %broadcast_in_dim3A_389 = arith.constant 0 : i32
        %broadcast_in_dim3A_390 = vector.broadcast %broadcast_in_dim3A_389 : i32 to vector<16xi32>
        %mul3A_391 = arith.constant 16 : i32
        %mul3A_392 = arith.muli %scan3A_387, %mul3A_391 : i32
        %swap3A = arith.index_cast %mul3A_392 : i32 to index
        %swap3A_393 = tpu.vector_load %arg11[%swap3A] {strides = array<i32>} : memref<1024xi32, #tpu.memory_space<vmem>>, vector<16xi32>,
        tpu.vector_store %arg11[%swap3A], %broadcast_in_dim3A_390 {strides = array<i32>} : memref<1024xi32, #tpu.memory_space<vmem>>, vector<16xi32>,
        %scan3A_394 = arith.constant 0 : i32
        scf.yield %scan3A_394 : i32
      }
      %scan3A_7 = arith.constant 64 : i32
      %scan3A_8 = arith.constant 0 : i32
      %scan3A_9 = arith.constant 0 : i32
      %scan3A_10 = arith.constant 1280 : i32
      %scan3A_11 = arith.addi %scan3A_9, %scan3A_10 : i32
      %scan3A_12 = arith.constant 4 : i32
      %scan3A_13 = scf.for %scan3A_387 = %scan3A_9 to %scan3A_11 step %scan3A_12 iter_args(%scan3A_388 = %scan3A_8) -> (i32)  : i32 {
        %mul3A_389 = arith.constant 16 : i32
        %mul3A_390 = arith.muli %scan3A_387, %mul3A_389 : i32
        %get3A = arith.index_cast %mul3A_390 : i32 to index
        %get3A_391 = tpu.vector_load %arg7[%get3A] {strides = array<i32>} : memref<20480xi32, #tpu.memory_space<vmem>>, vector<16xi32>,
        %shift_right_logical3A = arith.constant 20 : i32
        %shift_right_logical3A_392 = vector.broadcast %shift_right_logical3A : i32 to vector<16xi32>
        %shift_right_logical3A_393 = arith.shrui %get3A_391, %shift_right_logical3A_392 : vector<16xi32>
        %and3A_394 = arith.constant 1023 : i32
        %and3A_395 = vector.broadcast %and3A_394 : i32 to vector<16xi32>
        %and3A_396 = arith.andi %shift_right_logical3A_393, %and3A_395 : vector<16xi32>
        %broadcast_in_dim3A_397 = arith.constant true
        %broadcast_in_dim3A_398 = vector.broadcast %broadcast_in_dim3A_397 : i1 to vector<16xi1>
        %unique3A, %unique3A_399 = tpu.scan_count mask(%broadcast_in_dim3A_398 : vector<16xi1>) value(%and3A_396 : vector<16xi32>) : vector<16xi1>, vector<16xi32>
        tpu.vector_store_idx %arg11[%and3A_396], %unique3A_399 masked %unique3A {add = true} : memref<1024xi32, #tpu.memory_space<vmem>>[vector<16xi32>], vector<16xi32>, vector<16xi1>
        %scan3A_400 = arith.constant 0 : i32
        %scan3A_401 = arith.constant 1 : i32
        %scan3A_402 = arith.addi %scan3A_387, %scan3A_401 : i32
        %mul3A_403 = arith.constant 16 : i32
        %mul3A_404 = arith.muli %scan3A_402, %mul3A_403 : i32
        %get3A_405 = arith.index_cast %mul3A_404 : i32 to index
        %get3A_406 = tpu.vector_load %arg7[%get3A_405] {strides = array<i32>} : memref<20480xi32, #tpu.memory_space<vmem>>, vector<16xi32>,
        %shift_right_logical3A_407 = arith.constant 20 : i32
        %shift_right_logical3A_408 = vector.broadcast %shift_right_logical3A_407 : i32 to vector<16xi32>
        %shift_right_logical3A_409 = arith.shrui %get3A_406, %shift_right_logical3A_408 : vector<16xi32>
        %and3A_410 = arith.constant 1023 : i32
        %and3A_411 = vector.broadcast %and3A_410 : i32 to vector<16xi32>
        %and3A_412 = arith.andi %shift_right_logical3A_409, %and3A_411 : vector<16xi32>
        %broadcast_in_dim3A_413 = arith.constant true
        %broadcast_in_dim3A_414 = vector.broadcast %broadcast_in_dim3A_413 : i1 to vector<16xi1>
        %unique3A_415, %unique3A_416 = tpu.scan_count mask(%broadcast_in_dim3A_414 : vector<16xi1>) value(%and3A_412 : vector<16xi32>) : vector<16xi1>, vector<16xi32>
        tpu.vector_store_idx %arg11[%and3A_412], %unique3A_416 masked %unique3A_415 {add = true} : memref<1024xi32, #tpu.memory_space<vmem>>[vector<16xi32>], vector<16xi32>, vector<16xi1>
        %scan3A_417 = arith.constant 0 : i32
        %scan3A_418 = arith.constant 2 : i32
        %scan3A_419 = arith.addi %scan3A_387, %scan3A_418 : i32
        %mul3A_420 = arith.constant 16 : i32
        %mul3A_421 = arith.muli %scan3A_419, %mul3A_420 : i32
        %get3A_422 = arith.index_cast %mul3A_421 : i32 to index
        %get3A_423 = tpu.vector_load %arg7[%get3A_422] {strides = array<i32>} : memref<20480xi32, #tpu.memory_space<vmem>>, vector<16xi32>,
        %shift_right_logical3A_424 = arith.constant 20 : i32
        %shift_right_logical3A_425 = vector.broadcast %shift_right_logical3A_424 : i32 to vector<16xi32>
        %shift_right_logical3A_426 = arith.shrui %get3A_423, %shift_right_logical3A_425 : vector<16xi32>
        %and3A_427 = arith.constant 1023 : i32
        %and3A_428 = vector.broadcast %and3A_427 : i32 to vector<16xi32>
        %and3A_429 = arith.andi %shift_right_logical3A_426, %and3A_428 : vector<16xi32>
        %broadcast_in_dim3A_430 = arith.constant true
        %broadcast_in_dim3A_431 = vector.broadcast %broadcast_in_dim3A_430 : i1 to vector<16xi1>
        %unique3A_432, %unique3A_433 = tpu.scan_count mask(%broadcast_in_dim3A_431 : vector<16xi1>) value(%and3A_429 : vector<16xi32>) : vector<16xi1>, vector<16xi32>
        tpu.vector_store_idx %arg11[%and3A_429], %unique3A_433 masked %unique3A_432 {add = true} : memref<1024xi32, #tpu.memory_space<vmem>>[vector<16xi32>], vector<16xi32>, vector<16xi1>
        %scan3A_434 = arith.constant 0 : i32
        %scan3A_435 = arith.constant 3 : i32
        %scan3A_436 = arith.addi %scan3A_387, %scan3A_435 : i32
        %mul3A_437 = arith.constant 16 : i32
        %mul3A_438 = arith.muli %scan3A_436, %mul3A_437 : i32
        %get3A_439 = arith.index_cast %mul3A_438 : i32 to index
        %get3A_440 = tpu.vector_load %arg7[%get3A_439] {strides = array<i32>} : memref<20480xi32, #tpu.memory_space<vmem>>, vector<16xi32>,
        %shift_right_logical3A_441 = arith.constant 20 : i32
        %shift_right_logical3A_442 = vector.broadcast %shift_right_logical3A_441 : i32 to vector<16xi32>
        %shift_right_logical3A_443 = arith.shrui %get3A_440, %shift_right_logical3A_442 : vector<16xi32>
        %and3A_444 = arith.constant 1023 : i32
        %and3A_445 = vector.broadcast %and3A_444 : i32 to vector<16xi32>
        %and3A_446 = arith.andi %shift_right_logical3A_443, %and3A_445 : vector<16xi32>
        %broadcast_in_dim3A_447 = arith.constant true
        %broadcast_in_dim3A_448 = vector.broadcast %broadcast_in_dim3A_447 : i1 to vector<16xi1>
        %unique3A_449, %unique3A_450 = tpu.scan_count mask(%broadcast_in_dim3A_448 : vector<16xi1>) value(%and3A_446 : vector<16xi32>) : vector<16xi1>, vector<16xi32>
        tpu.vector_store_idx %arg11[%and3A_446], %unique3A_450 masked %unique3A_449 {add = true} : memref<1024xi32, #tpu.memory_space<vmem>>[vector<16xi32>], vector<16xi32>, vector<16xi1>
        %scan3A_451 = arith.constant 0 : i32
        scf.yield %scan3A_451 : i32
      }
      %scan3A_14 = arith.constant 1280 : i32
      %scan3A_15 = arith.constant 0 : i32
      %scan3A_16 = arith.constant 0 : i32
      %scan3A_17 = arith.constant 64 : i32
      %scan3A_18 = arith.addi %scan3A_16, %scan3A_17 : i32
      %scan3A_19 = arith.constant 1 : i32
      %scan3A_20 = scf.for %scan3A_387 = %scan3A_16 to %scan3A_18 step %scan3A_19 iter_args(%scan3A_388 = %scan3A_15) -> (i32)  : i32 {
        %mul3A_389 = arith.constant 16 : i32
        %mul3A_390 = arith.muli %scan3A_387, %mul3A_389 : i32
        %get3A = arith.index_cast %mul3A_390 : i32 to index
        %get3A_391 = tpu.vector_load %arg11[%get3A] {strides = array<i32>} : memref<1024xi32, #tpu.memory_space<vmem>>, vector<16xi32>,
        %broadcast_in_dim3A_392 = arith.constant true
        %broadcast_in_dim3A_393 = vector.broadcast %broadcast_in_dim3A_392 : i1 to vector<16xi1>
        %masked_cumsum3A = tpu.scan <sum>, %get3A_391 masked %broadcast_in_dim3A_393 : vector<16xi32>, vector<16xi1> -> vector<16xi32>
        %sub3A_394 = arith.subi %masked_cumsum3A, %get3A_391 : vector<16xi32>
        %add3A_395 = vector.broadcast %scan3A_388 : i32 to vector<16xi32>
        %add3A_396 = arith.addi %sub3A_394, %add3A_395 : vector<16xi32>
        %mul3A_397 = arith.constant 16 : i32
        %mul3A_398 = arith.muli %scan3A_387, %mul3A_397 : i32
        %swap3A = arith.index_cast %mul3A_398 : i32 to index
        %swap3A_399 = tpu.vector_load %arg12[%swap3A] {strides = array<i32>} : memref<1024xi32, #tpu.memory_space<vmem>>, vector<16xi32>,
        tpu.vector_store %arg12[%swap3A], %add3A_396 {strides = array<i32>} : memref<1024xi32, #tpu.memory_space<vmem>>, vector<16xi32>,
        %reduce_sum3A = arith.constant true
        %reduce_sum3A_400 = vector.broadcast %reduce_sum3A : i1 to vector<16xi1>
        %reduce_sum3A_401 = tpu.scan <sum>, %get3A_391 masked %reduce_sum3A_400 : vector<16xi32>, vector<16xi1> -> vector<16xi32>
        %reduce_sum3A_402 = vector.extract %reduce_sum3A_401[15] : i32 from vector<16xi32>
        %add3A_403 = arith.addi %scan3A_388, %reduce_sum3A_402 : i32
        scf.yield %add3A_403 : i32
      }
      %scan3A_21 = arith.constant 64 : i32
      %scan3A_22 = arith.constant 1024 : i32
      %scan3A_23 = arith.constant 0 : i32
      %scan3A_24 = arith.constant 64 : i32
      %scan3A_25 = arith.addi %scan3A_23, %scan3A_24 : i32
      %scan3A_26 = arith.constant 1 : i32
      %scan3A_27 = scf.for %scan3A_387 = %scan3A_23 to %scan3A_25 step %scan3A_26 iter_args(%scan3A_388 = %scan3A_22) -> (i32)  : i32 {
        %mul3A_389 = arith.constant 16 : i32
        %mul3A_390 = arith.muli %scan3A_387, %mul3A_389 : i32
        %get3A = arith.index_cast %mul3A_390 : i32 to index
        %get3A_391 = tpu.vector_load %arg12[%get3A] {strides = array<i32>} : memref<1024xi32, #tpu.memory_space<vmem>>, vector<16xi32>,
        %get3A_392 = arith.index_cast %mul3A_390 : i32 to index
        %get3A_393 = tpu.vector_load %arg11[%get3A_392] {strides = array<i32>} : memref<1024xi32, #tpu.memory_space<vmem>>, vector<16xi32>,
        %lt3A = arith.constant 6144 : i32
        %lt3A_394 = vector.broadcast %lt3A : i32 to vector<16xi32>
        %lt3A_395 = arith.cmpi slt, %get3A_391, %lt3A_394 : vector<16xi32>
        %add3A_396 = arith.addi %get3A_391, %get3A_393 : vector<16xi32>
        %ge3A_397 = arith.constant 6144 : i32
        %ge3A_398 = vector.broadcast %ge3A_397 : i32 to vector<16xi32>
        %ge3A_399 = arith.cmpi sge, %add3A_396, %ge3A_398 : vector<16xi32>
        %and3A_400 = arith.andi %lt3A_395, %ge3A_399 : vector<16xi1>
        %add3A_401 = vector.broadcast %mul3A_390 : i32 to vector<16xi32>
        %add3A_402 = arith.addi %iota3A, %add3A_401 : vector<16xi32>
        %jit3A_403 = arith.constant 1024 : i32
        %broadcast_in_dim3A_404 = vector.broadcast %jit3A_403 : i32 to vector<16xi32>
        %select_n3A_405 = arith.select %and3A_400, %add3A_402, %broadcast_in_dim3A_404 : vector<16xi1>, vector<16xi32>
        %reduce_min3A = arith.constant true
        %reduce_min3A_406 = vector.broadcast %reduce_min3A : i1 to vector<16xi1>
        %reduce_min3A_407 = arith.constant -2147483648 : i32
        %reduce_min3A_408 = vector.broadcast %reduce_min3A_407 : i32 to vector<16xi32>
        %reduce_min3A_409 = arith.xori %select_n3A_405, %reduce_min3A_408 : vector<16xi32>
        %reduce_min3A_410 = tpu.scan <min>, %reduce_min3A_409 masked %reduce_min3A_406 : vector<16xi32>, vector<16xi1> -> vector<16xi32>
        %reduce_min3A_411 = arith.xori %reduce_min3A_410, %reduce_min3A_408 : vector<16xi32>
        %reduce_min3A_412 = vector.extract %reduce_min3A_411[15] : i32 from vector<16xi32>
        %min3A = arith.minsi %scan3A_388, %reduce_min3A_412 : i32
        scf.yield %min3A : i32
      }
      %scan3A_28 = arith.constant 64 : i32
      %scan3A_29 = arith.constant 0 : i32
      %scan3A_30 = arith.constant 0 : i32
      %scan3A_31 = arith.constant 1280 : i32
      %scan3A_32 = arith.addi %scan3A_30, %scan3A_31 : i32
      %scan3A_33 = arith.constant 4 : i32
      %scan3A_34 = scf.for %scan3A_387 = %scan3A_30 to %scan3A_32 step %scan3A_33 iter_args(%scan3A_388 = %scan3A_29) -> (i32)  : i32 {
        %mul3A_389 = arith.constant 16 : i32
        %mul3A_390 = arith.muli %scan3A_387, %mul3A_389 : i32
        %get3A = arith.index_cast %mul3A_390 : i32 to index
        %get3A_391 = tpu.vector_load %arg7[%get3A] {strides = array<i32>} : memref<20480xi32, #tpu.memory_space<vmem>>, vector<16xi32>,
        %shift_right_logical3A = arith.constant 20 : i32
        %shift_right_logical3A_392 = vector.broadcast %shift_right_logical3A : i32 to vector<16xi32>
        %shift_right_logical3A_393 = arith.shrui %get3A_391, %shift_right_logical3A_392 : vector<16xi32>
        %and3A_394 = arith.constant 1023 : i32
        %and3A_395 = vector.broadcast %and3A_394 : i32 to vector<16xi32>
        %and3A_396 = arith.andi %shift_right_logical3A_393, %and3A_395 : vector<16xi32>
        %le3A = vector.broadcast %scan3A_27 : i32 to vector<16xi32>
        %le3A_397 = arith.cmpi sle, %and3A_396, %le3A : vector<16xi32>
        %jit3A_398 = arith.constant 1 : i32
        %jit3A_399 = arith.constant 0 : i32
        %broadcast_in_dim3A_400 = vector.broadcast %jit3A_398 : i32 to vector<16xi32>
        %broadcast_in_dim3A_401 = vector.broadcast %jit3A_399 : i32 to vector<16xi32>
        %select_n3A_402 = arith.select %le3A_397, %broadcast_in_dim3A_400, %broadcast_in_dim3A_401 : vector<16xi1>, vector<16xi32>
        %broadcast_in_dim3A_403 = arith.constant true
        %broadcast_in_dim3A_404 = vector.broadcast %broadcast_in_dim3A_403 : i1 to vector<16xi1>
        %masked_cumsum3A = tpu.scan <sum>, %select_n3A_402 masked %broadcast_in_dim3A_404 : vector<16xi32>, vector<16xi1> -> vector<16xi32>
        %add3A_405 = vector.broadcast %scan3A_388 : i32 to vector<16xi32>
        %add3A_406 = arith.addi %add3A_405, %masked_cumsum3A : vector<16xi32>
        %sub3A_407 = arith.constant 1 : i32
        %sub3A_408 = vector.broadcast %sub3A_407 : i32 to vector<16xi32>
        %sub3A_409 = arith.subi %add3A_406, %sub3A_408 : vector<16xi32>
        tpu.vector_store_idx %arg9[%sub3A_409], %get3A_391 masked %le3A_397 : memref<20480xi32, #tpu.memory_space<vmem>>[vector<16xi32>], vector<16xi32>, vector<16xi1>
        %add3A_410 = vector.broadcast %mul3A_390 : i32 to vector<16xi32>
        %add3A_411 = arith.addi %iota3A, %add3A_410 : vector<16xi32>
        tpu.vector_store_idx %arg10[%sub3A_409], %add3A_411 masked %le3A_397 : memref<20480xi32, #tpu.memory_space<vmem>>[vector<16xi32>], vector<16xi32>, vector<16xi1>
        %reduce_sum3A = arith.constant true
        %reduce_sum3A_412 = vector.broadcast %reduce_sum3A : i1 to vector<16xi1>
        %reduce_sum3A_413 = tpu.scan <sum>, %select_n3A_402 masked %reduce_sum3A_412 : vector<16xi32>, vector<16xi1> -> vector<16xi32>
        %reduce_sum3A_414 = vector.extract %reduce_sum3A_413[15] : i32 from vector<16xi32>
        %add3A_415 = arith.addi %scan3A_388, %reduce_sum3A_414 : i32
        %scan3A_416 = arith.constant 1 : i32
        %scan3A_417 = arith.addi %scan3A_387, %scan3A_416 : i32
        %mul3A_418 = arith.constant 16 : i32
        %mul3A_419 = arith.muli %scan3A_417, %mul3A_418 : i32
        %get3A_420 = arith.index_cast %mul3A_419 : i32 to index
        %get3A_421 = tpu.vector_load %arg7[%get3A_420] {strides = array<i32>} : memref<20480xi32, #tpu.memory_space<vmem>>, vector<16xi32>,
        %shift_right_logical3A_422 = arith.constant 20 : i32
        %shift_right_logical3A_423 = vector.broadcast %shift_right_logical3A_422 : i32 to vector<16xi32>
        %shift_right_logical3A_424 = arith.shrui %get3A_421, %shift_right_logical3A_423 : vector<16xi32>
        %and3A_425 = arith.constant 1023 : i32
        %and3A_426 = vector.broadcast %and3A_425 : i32 to vector<16xi32>
        %and3A_427 = arith.andi %shift_right_logical3A_424, %and3A_426 : vector<16xi32>
        %le3A_428 = vector.broadcast %scan3A_27 : i32 to vector<16xi32>
        %le3A_429 = arith.cmpi sle, %and3A_427, %le3A_428 : vector<16xi32>
        %jit3A_430 = arith.constant 1 : i32
        %jit3A_431 = arith.constant 0 : i32
        %broadcast_in_dim3A_432 = vector.broadcast %jit3A_430 : i32 to vector<16xi32>
        %broadcast_in_dim3A_433 = vector.broadcast %jit3A_431 : i32 to vector<16xi32>
        %select_n3A_434 = arith.select %le3A_429, %broadcast_in_dim3A_432, %broadcast_in_dim3A_433 : vector<16xi1>, vector<16xi32>
        %broadcast_in_dim3A_435 = arith.constant true
        %broadcast_in_dim3A_436 = vector.broadcast %broadcast_in_dim3A_435 : i1 to vector<16xi1>
        %masked_cumsum3A_437 = tpu.scan <sum>, %select_n3A_434 masked %broadcast_in_dim3A_436 : vector<16xi32>, vector<16xi1> -> vector<16xi32>
        %add3A_438 = vector.broadcast %add3A_415 : i32 to vector<16xi32>
        %add3A_439 = arith.addi %add3A_438, %masked_cumsum3A_437 : vector<16xi32>
        %sub3A_440 = arith.constant 1 : i32
        %sub3A_441 = vector.broadcast %sub3A_440 : i32 to vector<16xi32>
        %sub3A_442 = arith.subi %add3A_439, %sub3A_441 : vector<16xi32>
        tpu.vector_store_idx %arg9[%sub3A_442], %get3A_421 masked %le3A_429 : memref<20480xi32, #tpu.memory_space<vmem>>[vector<16xi32>], vector<16xi32>, vector<16xi1>
        %add3A_443 = vector.broadcast %mul3A_419 : i32 to vector<16xi32>
        %add3A_444 = arith.addi %iota3A, %add3A_443 : vector<16xi32>
        tpu.vector_store_idx %arg10[%sub3A_442], %add3A_444 masked %le3A_429 : memref<20480xi32, #tpu.memory_space<vmem>>[vector<16xi32>], vector<16xi32>, vector<16xi1>
        %reduce_sum3A_445 = arith.constant true
        %reduce_sum3A_446 = vector.broadcast %reduce_sum3A_445 : i1 to vector<16xi1>
        %reduce_sum3A_447 = tpu.scan <sum>, %select_n3A_434 masked %reduce_sum3A_446 : vector<16xi32>, vector<16xi1> -> vector<16xi32>
        %reduce_sum3A_448 = vector.extract %reduce_sum3A_447[15] : i32 from vector<16xi32>
        %add3A_449 = arith.addi %add3A_415, %reduce_sum3A_448 : i32
        %scan3A_450 = arith.constant 2 : i32
        %scan3A_451 = arith.addi %scan3A_387, %scan3A_450 : i32
        %mul3A_452 = arith.constant 16 : i32
        %mul3A_453 = arith.muli %scan3A_451, %mul3A_452 : i32
        %get3A_454 = arith.index_cast %mul3A_453 : i32 to index
        %get3A_455 = tpu.vector_load %arg7[%get3A_454] {strides = array<i32>} : memref<20480xi32, #tpu.memory_space<vmem>>, vector<16xi32>,
        %shift_right_logical3A_456 = arith.constant 20 : i32
        %shift_right_logical3A_457 = vector.broadcast %shift_right_logical3A_456 : i32 to vector<16xi32>
        %shift_right_logical3A_458 = arith.shrui %get3A_455, %shift_right_logical3A_457 : vector<16xi32>
        %and3A_459 = arith.constant 1023 : i32
        %and3A_460 = vector.broadcast %and3A_459 : i32 to vector<16xi32>
        %and3A_461 = arith.andi %shift_right_logical3A_458, %and3A_460 : vector<16xi32>
        %le3A_462 = vector.broadcast %scan3A_27 : i32 to vector<16xi32>
        %le3A_463 = arith.cmpi sle, %and3A_461, %le3A_462 : vector<16xi32>
        %jit3A_464 = arith.constant 1 : i32
        %jit3A_465 = arith.constant 0 : i32
        %broadcast_in_dim3A_466 = vector.broadcast %jit3A_464 : i32 to vector<16xi32>
        %broadcast_in_dim3A_467 = vector.broadcast %jit3A_465 : i32 to vector<16xi32>
        %select_n3A_468 = arith.select %le3A_463, %broadcast_in_dim3A_466, %broadcast_in_dim3A_467 : vector<16xi1>, vector<16xi32>
        %broadcast_in_dim3A_469 = arith.constant true
        %broadcast_in_dim3A_470 = vector.broadcast %broadcast_in_dim3A_469 : i1 to vector<16xi1>
        %masked_cumsum3A_471 = tpu.scan <sum>, %select_n3A_468 masked %broadcast_in_dim3A_470 : vector<16xi32>, vector<16xi1> -> vector<16xi32>
        %add3A_472 = vector.broadcast %add3A_449 : i32 to vector<16xi32>
        %add3A_473 = arith.addi %add3A_472, %masked_cumsum3A_471 : vector<16xi32>
        %sub3A_474 = arith.constant 1 : i32
        %sub3A_475 = vector.broadcast %sub3A_474 : i32 to vector<16xi32>
        %sub3A_476 = arith.subi %add3A_473, %sub3A_475 : vector<16xi32>
        tpu.vector_store_idx %arg9[%sub3A_476], %get3A_455 masked %le3A_463 : memref<20480xi32, #tpu.memory_space<vmem>>[vector<16xi32>], vector<16xi32>, vector<16xi1>
        %add3A_477 = vector.broadcast %mul3A_453 : i32 to vector<16xi32>
        %add3A_478 = arith.addi %iota3A, %add3A_477 : vector<16xi32>
        tpu.vector_store_idx %arg10[%sub3A_476], %add3A_478 masked %le3A_463 : memref<20480xi32, #tpu.memory_space<vmem>>[vector<16xi32>], vector<16xi32>, vector<16xi1>
        %reduce_sum3A_479 = arith.constant true
        %reduce_sum3A_480 = vector.broadcast %reduce_sum3A_479 : i1 to vector<16xi1>
        %reduce_sum3A_481 = tpu.scan <sum>, %select_n3A_468 masked %reduce_sum3A_480 : vector<16xi32>, vector<16xi1> -> vector<16xi32>
        %reduce_sum3A_482 = vector.extract %reduce_sum3A_481[15] : i32 from vector<16xi32>
        %add3A_483 = arith.addi %add3A_449, %reduce_sum3A_482 : i32
        %scan3A_484 = arith.constant 3 : i32
        %scan3A_485 = arith.addi %scan3A_387, %scan3A_484 : i32
        %mul3A_486 = arith.constant 16 : i32
        %mul3A_487 = arith.muli %scan3A_485, %mul3A_486 : i32
        %get3A_488 = arith.index_cast %mul3A_487 : i32 to index
        %get3A_489 = tpu.vector_load %arg7[%get3A_488] {strides = array<i32>} : memref<20480xi32, #tpu.memory_space<vmem>>, vector<16xi32>,
        %shift_right_logical3A_490 = arith.constant 20 : i32
        %shift_right_logical3A_491 = vector.broadcast %shift_right_logical3A_490 : i32 to vector<16xi32>
        %shift_right_logical3A_492 = arith.shrui %get3A_489, %shift_right_logical3A_491 : vector<16xi32>
        %and3A_493 = arith.constant 1023 : i32
        %and3A_494 = vector.broadcast %and3A_493 : i32 to vector<16xi32>
        %and3A_495 = arith.andi %shift_right_logical3A_492, %and3A_494 : vector<16xi32>
        %le3A_496 = vector.broadcast %scan3A_27 : i32 to vector<16xi32>
        %le3A_497 = arith.cmpi sle, %and3A_495, %le3A_496 : vector<16xi32>
        %jit3A_498 = arith.constant 1 : i32
        %jit3A_499 = arith.constant 0 : i32
        %broadcast_in_dim3A_500 = vector.broadcast %jit3A_498 : i32 to vector<16xi32>
        %broadcast_in_dim3A_501 = vector.broadcast %jit3A_499 : i32 to vector<16xi32>
        %select_n3A_502 = arith.select %le3A_497, %broadcast_in_dim3A_500, %broadcast_in_dim3A_501 : vector<16xi1>, vector<16xi32>
        %broadcast_in_dim3A_503 = arith.constant true
        %broadcast_in_dim3A_504 = vector.broadcast %broadcast_in_dim3A_503 : i1 to vector<16xi1>
        %masked_cumsum3A_505 = tpu.scan <sum>, %select_n3A_502 masked %broadcast_in_dim3A_504 : vector<16xi32>, vector<16xi1> -> vector<16xi32>
        %add3A_506 = vector.broadcast %add3A_483 : i32 to vector<16xi32>
        %add3A_507 = arith.addi %add3A_506, %masked_cumsum3A_505 : vector<16xi32>
        %sub3A_508 = arith.constant 1 : i32
        %sub3A_509 = vector.broadcast %sub3A_508 : i32 to vector<16xi32>
        %sub3A_510 = arith.subi %add3A_507, %sub3A_509 : vector<16xi32>
        tpu.vector_store_idx %arg9[%sub3A_510], %get3A_489 masked %le3A_497 : memref<20480xi32, #tpu.memory_space<vmem>>[vector<16xi32>], vector<16xi32>, vector<16xi1>
        %add3A_511 = vector.broadcast %mul3A_487 : i32 to vector<16xi32>
        %add3A_512 = arith.addi %iota3A, %add3A_511 : vector<16xi32>
        tpu.vector_store_idx %arg10[%sub3A_510], %add3A_512 masked %le3A_497 : memref<20480xi32, #tpu.memory_space<vmem>>[vector<16xi32>], vector<16xi32>, vector<16xi1>
        %reduce_sum3A_513 = arith.constant true
        %reduce_sum3A_514 = vector.broadcast %reduce_sum3A_513 : i1 to vector<16xi1>
        %reduce_sum3A_515 = tpu.scan <sum>, %select_n3A_502 masked %reduce_sum3A_514 : vector<16xi32>, vector<16xi1> -> vector<16xi32>
        %reduce_sum3A_516 = vector.extract %reduce_sum3A_515[15] : i32 from vector<16xi32>
        %add3A_517 = arith.addi %add3A_483, %reduce_sum3A_516 : i32
        scf.yield %add3A_517 : i32
      }
      %scan3A_35 = arith.constant 1280 : i32
      %add3A = arith.constant 15 : i32
      %add3A_36 = arith.addi %scan3A_34, %add3A : i32
      %jit3A = arith.constant 16 : i32
      %div3A = arith.divsi %add3A_36, %jit3A : i32
      %sign3A = arith.constant 0 : i32
      %sign3A_37 = arith.cmpi sgt, %add3A_36, %sign3A : i32
      %sign3A_38 = arith.extui %sign3A_37 : i1 to i32
      %sign3A_39 = arith.constant 0 : i32
      %sign3A_40 = arith.cmpi slt, %add3A_36, %sign3A_39 : i32
      %sign3A_41 = arith.extui %sign3A_40 : i1 to i32
      %sign3A_42 = arith.subi %sign3A_38, %sign3A_41 : i32
      %sign3A_43 = arith.constant 0 : i32
      %sign3A_44 = arith.cmpi sgt, %jit3A, %sign3A_43 : i32
      %sign3A_45 = arith.extui %sign3A_44 : i1 to i32
      %sign3A_46 = arith.constant 0 : i32
      %sign3A_47 = arith.cmpi slt, %jit3A, %sign3A_46 : i32
      %sign3A_48 = arith.extui %sign3A_47 : i1 to i32
      %sign3A_49 = arith.subi %sign3A_45, %sign3A_48 : i32
      %ne3A = arith.cmpi ne, %sign3A_42, %sign3A_49 : i32
      %rem3A = arith.remsi %add3A_36, %jit3A : i32
      %ne3A_50 = arith.constant 0 : i32
      %ne3A_51 = arith.cmpi ne, %rem3A, %ne3A_50 : i32
      %and3A = arith.andi %ne3A, %ne3A_51 : i1
      %sub3A = arith.constant 1 : i32
      %sub3A_52 = arith.subi %div3A, %sub3A : i32
      %select_n3A = arith.select %and3A, %sub3A_52, %div3A : i32
      %sub3A_53 = arith.constant 1 : i32
      %sub3A_54 = arith.subi %select_n3A, %sub3A_53 : i32
      %mul3A = arith.constant 16 : i32
      %mul3A_55 = arith.muli %sub3A_54, %mul3A : i32
      %add3A_56 = vector.broadcast %mul3A_55 : i32 to vector<16xi32>
      %add3A_57 = arith.addi %iota3A, %add3A_56 : vector<16xi32>
      %broadcast_in_dim3A = arith.constant 2147483647 : i32
      %broadcast_in_dim3A_58 = vector.broadcast %broadcast_in_dim3A : i32 to vector<16xi32>
      %ge3A = vector.broadcast %scan3A_34 : i32 to vector<16xi32>
      %ge3A_59 = arith.cmpi sge, %add3A_57, %ge3A : vector<16xi32>
      tpu.vector_store_idx %arg9[%add3A_57], %broadcast_in_dim3A_58 masked %ge3A_59 : memref<20480xi32, #tpu.memory_space<vmem>>[vector<16xi32>], vector<16xi32>, vector<16xi1>
      %scan3A_60 = arith.constant 0 : i32
      %scan3A_61 = arith.constant 0 : i32
      %scan3A_62 = arith.constant 64 : i32
      %scan3A_63 = arith.addi %scan3A_61, %scan3A_62 : i32
      %scan3A_64 = arith.constant 1 : i32
      %scan3A_65 = scf.for %scan3A_387 = %scan3A_61 to %scan3A_63 step %scan3A_64 iter_args(%scan3A_388 = %scan3A_60) -> (i32)  : i32 {
        %broadcast_in_dim3A_389 = arith.constant 0 : i32
        %broadcast_in_dim3A_390 = vector.broadcast %broadcast_in_dim3A_389 : i32 to vector<16xi32>
        %mul3A_391 = arith.constant 16 : i32
        %mul3A_392 = arith.muli %scan3A_387, %mul3A_391 : i32
        %swap3A = arith.index_cast %mul3A_392 : i32 to index
        %swap3A_393 = tpu.vector_load %arg11[%swap3A] {strides = array<i32>} : memref<1024xi32, #tpu.memory_space<vmem>>, vector<16xi32>,
        tpu.vector_store %arg11[%swap3A], %broadcast_in_dim3A_390 {strides = array<i32>} : memref<1024xi32, #tpu.memory_space<vmem>>, vector<16xi32>,
        %scan3A_394 = arith.constant 0 : i32
        scf.yield %scan3A_394 : i32
      }
      %scan3A_66 = arith.constant 64 : i32
      %scan3A_67 = arith.constant 0 : i32
      %scan3A_68 = arith.constant 0 : i32
      %scan3A_69 = arith.constant 384 : i32
      %scan3A_70 = arith.addi %scan3A_68, %scan3A_69 : i32
      %scan3A_71 = arith.constant 4 : i32
      %scan3A_72 = scf.for %scan3A_387 = %scan3A_68 to %scan3A_70 step %scan3A_71 iter_args(%scan3A_388 = %scan3A_67) -> (i32)  : i32 {
        %mul3A_389 = arith.constant 16 : i32
        %mul3A_390 = arith.muli %scan3A_387, %mul3A_389 : i32
        %get3A = arith.index_cast %mul3A_390 : i32 to index
        %get3A_391 = tpu.vector_load %arg9[%get3A] {strides = array<i32>} : memref<20480xi32, #tpu.memory_space<vmem>>, vector<16xi32>,
        %shift_right_logical3A = arith.constant 0 : i32
        %shift_right_logical3A_392 = vector.broadcast %shift_right_logical3A : i32 to vector<16xi32>
        %shift_right_logical3A_393 = arith.shrui %get3A_391, %shift_right_logical3A_392 : vector<16xi32>
        %and3A_394 = arith.constant 1023 : i32
        %and3A_395 = vector.broadcast %and3A_394 : i32 to vector<16xi32>
        %and3A_396 = arith.andi %shift_right_logical3A_393, %and3A_395 : vector<16xi32>
        %broadcast_in_dim3A_397 = arith.constant true
        %broadcast_in_dim3A_398 = vector.broadcast %broadcast_in_dim3A_397 : i1 to vector<16xi1>
        %unique3A, %unique3A_399 = tpu.scan_count mask(%broadcast_in_dim3A_398 : vector<16xi1>) value(%and3A_396 : vector<16xi32>) : vector<16xi1>, vector<16xi32>
        tpu.vector_store_idx %arg11[%and3A_396], %unique3A_399 masked %unique3A {add = true} : memref<1024xi32, #tpu.memory_space<vmem>>[vector<16xi32>], vector<16xi32>, vector<16xi1>
        %scan3A_400 = arith.constant 0 : i32
        %scan3A_401 = arith.constant 1 : i32
        %scan3A_402 = arith.addi %scan3A_387, %scan3A_401 : i32
        %mul3A_403 = arith.constant 16 : i32
        %mul3A_404 = arith.muli %scan3A_402, %mul3A_403 : i32
        %get3A_405 = arith.index_cast %mul3A_404 : i32 to index
        %get3A_406 = tpu.vector_load %arg9[%get3A_405] {strides = array<i32>} : memref<20480xi32, #tpu.memory_space<vmem>>, vector<16xi32>,
        %shift_right_logical3A_407 = arith.constant 0 : i32
        %shift_right_logical3A_408 = vector.broadcast %shift_right_logical3A_407 : i32 to vector<16xi32>
        %shift_right_logical3A_409 = arith.shrui %get3A_406, %shift_right_logical3A_408 : vector<16xi32>
        %and3A_410 = arith.constant 1023 : i32
        %and3A_411 = vector.broadcast %and3A_410 : i32 to vector<16xi32>
        %and3A_412 = arith.andi %shift_right_logical3A_409, %and3A_411 : vector<16xi32>
        %broadcast_in_dim3A_413 = arith.constant true
        %broadcast_in_dim3A_414 = vector.broadcast %broadcast_in_dim3A_413 : i1 to vector<16xi1>
        %unique3A_415, %unique3A_416 = tpu.scan_count mask(%broadcast_in_dim3A_414 : vector<16xi1>) value(%and3A_412 : vector<16xi32>) : vector<16xi1>, vector<16xi32>
        tpu.vector_store_idx %arg11[%and3A_412], %unique3A_416 masked %unique3A_415 {add = true} : memref<1024xi32, #tpu.memory_space<vmem>>[vector<16xi32>], vector<16xi32>, vector<16xi1>
        %scan3A_417 = arith.constant 0 : i32
        %scan3A_418 = arith.constant 2 : i32
        %scan3A_419 = arith.addi %scan3A_387, %scan3A_418 : i32
        %mul3A_420 = arith.constant 16 : i32
        %mul3A_421 = arith.muli %scan3A_419, %mul3A_420 : i32
        %get3A_422 = arith.index_cast %mul3A_421 : i32 to index
        %get3A_423 = tpu.vector_load %arg9[%get3A_422] {strides = array<i32>} : memref<20480xi32, #tpu.memory_space<vmem>>, vector<16xi32>,
        %shift_right_logical3A_424 = arith.constant 0 : i32
        %shift_right_logical3A_425 = vector.broadcast %shift_right_logical3A_424 : i32 to vector<16xi32>
        %shift_right_logical3A_426 = arith.shrui %get3A_423, %shift_right_logical3A_425 : vector<16xi32>
        %and3A_427 = arith.constant 1023 : i32
        %and3A_428 = vector.broadcast %and3A_427 : i32 to vector<16xi32>
        %and3A_429 = arith.andi %shift_right_logical3A_426, %and3A_428 : vector<16xi32>
        %broadcast_in_dim3A_430 = arith.constant true
        %broadcast_in_dim3A_431 = vector.broadcast %broadcast_in_dim3A_430 : i1 to vector<16xi1>
        %unique3A_432, %unique3A_433 = tpu.scan_count mask(%broadcast_in_dim3A_431 : vector<16xi1>) value(%and3A_429 : vector<16xi32>) : vector<16xi1>, vector<16xi32>
        tpu.vector_store_idx %arg11[%and3A_429], %unique3A_433 masked %unique3A_432 {add = true} : memref<1024xi32, #tpu.memory_space<vmem>>[vector<16xi32>], vector<16xi32>, vector<16xi1>
        %scan3A_434 = arith.constant 0 : i32
        %scan3A_435 = arith.constant 3 : i32
        %scan3A_436 = arith.addi %scan3A_387, %scan3A_435 : i32
        %mul3A_437 = arith.constant 16 : i32
        %mul3A_438 = arith.muli %scan3A_436, %mul3A_437 : i32
        %get3A_439 = arith.index_cast %mul3A_438 : i32 to index
        %get3A_440 = tpu.vector_load %arg9[%get3A_439] {strides = array<i32>} : memref<20480xi32, #tpu.memory_space<vmem>>, vector<16xi32>,
        %shift_right_logical3A_441 = arith.constant 0 : i32
        %shift_right_logical3A_442 = vector.broadcast %shift_right_logical3A_441 : i32 to vector<16xi32>
        %shift_right_logical3A_443 = arith.shrui %get3A_440, %shift_right_logical3A_442 : vector<16xi32>
        %and3A_444 = arith.constant 1023 : i32
        %and3A_445 = vector.broadcast %and3A_444 : i32 to vector<16xi32>
        %and3A_446 = arith.andi %shift_right_logical3A_443, %and3A_445 : vector<16xi32>
        %broadcast_in_dim3A_447 = arith.constant true
        %broadcast_in_dim3A_448 = vector.broadcast %broadcast_in_dim3A_447 : i1 to vector<16xi1>
        %unique3A_449, %unique3A_450 = tpu.scan_count mask(%broadcast_in_dim3A_448 : vector<16xi1>) value(%and3A_446 : vector<16xi32>) : vector<16xi1>, vector<16xi32>
        tpu.vector_store_idx %arg11[%and3A_446], %unique3A_450 masked %unique3A_449 {add = true} : memref<1024xi32, #tpu.memory_space<vmem>>[vector<16xi32>], vector<16xi32>, vector<16xi1>
        %scan3A_451 = arith.constant 0 : i32
        scf.yield %scan3A_451 : i32
      }
      %scan3A_73 = arith.constant 384 : i32
      %while3A = arith.constant 384 : i32
      %while3A_74 = arith.constant 0 : i32
      %while3A_75 = arith.subi %select_n3A, %while3A : i32
      %while3A_76 = arith.addi %while3A, %while3A_75 : i32
      %while3A_77 = arith.constant 1 : i32
      %while3A_78 = arith.divsi %while3A_75, %while3A_77 : i32
      %while3A_79 = arith.muli %while3A_78, %while3A_77 : i32
      %while3A_80 = arith.addi %while3A, %while3A_79 : i32
      %while3A_81 = arith.constant 1 : i32
      %while3A_82 = scf.for %while3A_387 = %while3A to %while3A_80 step %while3A_81 iter_args(%while3A_388 = %while3A_74) -> (i32)  : i32 {
        %mul3A_389 = arith.constant 16 : i32
        %mul3A_390 = arith.muli %while3A_387, %mul3A_389 : i32
        %get3A = arith.index_cast %mul3A_390 : i32 to index
        %get3A_391 = tpu.vector_load %arg9[%get3A] {strides = array<i32>} : memref<20480xi32, #tpu.memory_space<vmem>>, vector<16xi32>,
        %shift_right_logical3A = arith.constant 0 : i32
        %shift_right_logical3A_392 = vector.broadcast %shift_right_logical3A : i32 to vector<16xi32>
        %shift_right_logical3A_393 = arith.shrui %get3A_391, %shift_right_logical3A_392 : vector<16xi32>
        %and3A_394 = arith.constant 1023 : i32
        %and3A_395 = vector.broadcast %and3A_394 : i32 to vector<16xi32>
        %and3A_396 = arith.andi %shift_right_logical3A_393, %and3A_395 : vector<16xi32>
        %broadcast_in_dim3A_397 = arith.constant true
        %broadcast_in_dim3A_398 = vector.broadcast %broadcast_in_dim3A_397 : i1 to vector<16xi1>
        %unique3A, %unique3A_399 = tpu.scan_count mask(%broadcast_in_dim3A_398 : vector<16xi1>) value(%and3A_396 : vector<16xi32>) : vector<16xi1>, vector<16xi32>
        tpu.vector_store_idx %arg11[%and3A_396], %unique3A_399 masked %unique3A {add = true} : memref<1024xi32, #tpu.memory_space<vmem>>[vector<16xi32>], vector<16xi32>, vector<16xi1>
        %while3A_400 = arith.constant 0 : i32
        scf.yield %while3A_400 : i32
      }
      %while3A_83 = arith.constant 1 : i32
      %while3A_84 = scf.for %while3A_387 = %while3A_80 to %while3A_76 step %while3A_83 iter_args(%while3A_388 = %while3A_82) -> (i32)  : i32 {
        %mul3A_389 = arith.constant 16 : i32
        %mul3A_390 = arith.muli %while3A_387, %mul3A_389 : i32
        %get3A = arith.index_cast %mul3A_390 : i32 to index
        %get3A_391 = tpu.vector_load %arg9[%get3A] {strides = array<i32>} : memref<20480xi32, #tpu.memory_space<vmem>>, vector<16xi32>,
        %shift_right_logical3A = arith.constant 0 : i32
        %shift_right_logical3A_392 = vector.broadcast %shift_right_logical3A : i32 to vector<16xi32>
        %shift_right_logical3A_393 = arith.shrui %get3A_391, %shift_right_logical3A_392 : vector<16xi32>
        %and3A_394 = arith.constant 1023 : i32
        %and3A_395 = vector.broadcast %and3A_394 : i32 to vector<16xi32>
        %and3A_396 = arith.andi %shift_right_logical3A_393, %and3A_395 : vector<16xi32>
        %broadcast_in_dim3A_397 = arith.constant true
        %broadcast_in_dim3A_398 = vector.broadcast %broadcast_in_dim3A_397 : i1 to vector<16xi1>
        %unique3A, %unique3A_399 = tpu.scan_count mask(%broadcast_in_dim3A_398 : vector<16xi1>) value(%and3A_396 : vector<16xi32>) : vector<16xi1>, vector<16xi32>
        tpu.vector_store_idx %arg11[%and3A_396], %unique3A_399 masked %unique3A {add = true} : memref<1024xi32, #tpu.memory_space<vmem>>[vector<16xi32>], vector<16xi32>, vector<16xi1>
        %while3A_400 = arith.constant 0 : i32
        scf.yield %while3A_400 : i32
      }
      %scan3A_85 = arith.constant 0 : i32
      %scan3A_86 = arith.constant 0 : i32
      %scan3A_87 = arith.constant 64 : i32
      %scan3A_88 = arith.addi %scan3A_86, %scan3A_87 : i32
      %scan3A_89 = arith.constant 1 : i32
      %scan3A_90 = scf.for %scan3A_387 = %scan3A_86 to %scan3A_88 step %scan3A_89 iter_args(%scan3A_388 = %scan3A_85) -> (i32)  : i32 {
        %mul3A_389 = arith.constant 16 : i32
        %mul3A_390 = arith.muli %scan3A_387, %mul3A_389 : i32
        %get3A = arith.index_cast %mul3A_390 : i32 to index
        %get3A_391 = tpu.vector_load %arg11[%get3A] {strides = array<i32>} : memref<1024xi32, #tpu.memory_space<vmem>>, vector<16xi32>,
        %broadcast_in_dim3A_392 = arith.constant true
        %broadcast_in_dim3A_393 = vector.broadcast %broadcast_in_dim3A_392 : i1 to vector<16xi1>
        %masked_cumsum3A = tpu.scan <sum>, %get3A_391 masked %broadcast_in_dim3A_393 : vector<16xi32>, vector<16xi1> -> vector<16xi32>
        %sub3A_394 = arith.subi %masked_cumsum3A, %get3A_391 : vector<16xi32>
        %add3A_395 = vector.broadcast %scan3A_388 : i32 to vector<16xi32>
        %add3A_396 = arith.addi %sub3A_394, %add3A_395 : vector<16xi32>
        %mul3A_397 = arith.constant 16 : i32
        %mul3A_398 = arith.muli %scan3A_387, %mul3A_397 : i32
        %swap3A = arith.index_cast %mul3A_398 : i32 to index
        %swap3A_399 = tpu.vector_load %arg12[%swap3A] {strides = array<i32>} : memref<1024xi32, #tpu.memory_space<vmem>>, vector<16xi32>,
        tpu.vector_store %arg12[%swap3A], %add3A_396 {strides = array<i32>} : memref<1024xi32, #tpu.memory_space<vmem>>, vector<16xi32>,
        %reduce_sum3A = arith.constant true
        %reduce_sum3A_400 = vector.broadcast %reduce_sum3A : i1 to vector<16xi1>
        %reduce_sum3A_401 = tpu.scan <sum>, %get3A_391 masked %reduce_sum3A_400 : vector<16xi32>, vector<16xi1> -> vector<16xi32>
        %reduce_sum3A_402 = vector.extract %reduce_sum3A_401[15] : i32 from vector<16xi32>
        %add3A_403 = arith.addi %scan3A_388, %reduce_sum3A_402 : i32
        scf.yield %add3A_403 : i32
      }
      %scan3A_91 = arith.constant 64 : i32
      %scan3A_92 = arith.constant 0 : i32
      %scan3A_93 = arith.constant 0 : i32
      %scan3A_94 = arith.constant 384 : i32
      %scan3A_95 = arith.addi %scan3A_93, %scan3A_94 : i32
      %scan3A_96 = arith.constant 4 : i32
      %scan3A_97 = scf.for %scan3A_387 = %scan3A_93 to %scan3A_95 step %scan3A_96 iter_args(%scan3A_388 = %scan3A_92) -> (i32)  : i32 {
        %mul3A_389 = arith.constant 16 : i32
        %mul3A_390 = arith.muli %scan3A_387, %mul3A_389 : i32
        %get3A = arith.index_cast %mul3A_390 : i32 to index
        %get3A_391 = tpu.vector_load %arg9[%get3A] {strides = array<i32>} : memref<20480xi32, #tpu.memory_space<vmem>>, vector<16xi32>,
        %get3A_392 = arith.index_cast %mul3A_390 : i32 to index
        %get3A_393 = tpu.vector_load %arg10[%get3A_392] {strides = array<i32>} : memref<20480xi32, #tpu.memory_space<vmem>>, vector<16xi32>,
        %shift_right_logical3A = arith.constant 0 : i32
        %shift_right_logical3A_394 = vector.broadcast %shift_right_logical3A : i32 to vector<16xi32>
        %shift_right_logical3A_395 = arith.shrui %get3A_391, %shift_right_logical3A_394 : vector<16xi32>
        %and3A_396 = arith.constant 1023 : i32
        %and3A_397 = vector.broadcast %and3A_396 : i32 to vector<16xi32>
        %and3A_398 = arith.andi %shift_right_logical3A_395, %and3A_397 : vector<16xi32>
        %broadcast_in_dim3A_399 = arith.constant true
        %broadcast_in_dim3A_400 = vector.broadcast %broadcast_in_dim3A_399 : i1 to vector<16xi1>
        %unique3A, %unique3A_401 = tpu.scan_count mask(%broadcast_in_dim3A_400 : vector<16xi1>) value(%and3A_398 : vector<16xi32>) : vector<16xi1>, vector<16xi32>
        %gather3A = tpu.vector_load_idx %arg12[%and3A_398] : memref<1024xi32, #tpu.memory_space<vmem>>[vector<16xi32>], vector<16xi32>,
        %add3A_402 = arith.addi %gather3A, %unique3A_401 : vector<16xi32>
        %sub3A_403 = arith.constant 1 : i32
        %sub3A_404 = vector.broadcast %sub3A_403 : i32 to vector<16xi32>
        %sub3A_405 = arith.subi %add3A_402, %sub3A_404 : vector<16xi32>
        tpu.vector_store_idx %arg7[%sub3A_405], %get3A_391 : memref<20480xi32, #tpu.memory_space<vmem>>[vector<16xi32>], vector<16xi32>,
        tpu.vector_store_idx %arg8[%sub3A_405], %get3A_393 : memref<20480xi32, #tpu.memory_space<vmem>>[vector<16xi32>], vector<16xi32>,
        tpu.vector_store_idx %arg12[%and3A_398], %unique3A_401 masked %unique3A {add = true} : memref<1024xi32, #tpu.memory_space<vmem>>[vector<16xi32>], vector<16xi32>, vector<16xi1>
        %scan3A_406 = arith.constant 0 : i32
        %scan3A_407 = arith.constant 1 : i32
        %scan3A_408 = arith.addi %scan3A_387, %scan3A_407 : i32
        %mul3A_409 = arith.constant 16 : i32
        %mul3A_410 = arith.muli %scan3A_408, %mul3A_409 : i32
        %get3A_411 = arith.index_cast %mul3A_410 : i32 to index
        %get3A_412 = tpu.vector_load %arg9[%get3A_411] {strides = array<i32>} : memref<20480xi32, #tpu.memory_space<vmem>>, vector<16xi32>,
        %get3A_413 = arith.index_cast %mul3A_410 : i32 to index
        %get3A_414 = tpu.vector_load %arg10[%get3A_413] {strides = array<i32>} : memref<20480xi32, #tpu.memory_space<vmem>>, vector<16xi32>,
        %shift_right_logical3A_415 = arith.constant 0 : i32
        %shift_right_logical3A_416 = vector.broadcast %shift_right_logical3A_415 : i32 to vector<16xi32>
        %shift_right_logical3A_417 = arith.shrui %get3A_412, %shift_right_logical3A_416 : vector<16xi32>
        %and3A_418 = arith.constant 1023 : i32
        %and3A_419 = vector.broadcast %and3A_418 : i32 to vector<16xi32>
        %and3A_420 = arith.andi %shift_right_logical3A_417, %and3A_419 : vector<16xi32>
        %broadcast_in_dim3A_421 = arith.constant true
        %broadcast_in_dim3A_422 = vector.broadcast %broadcast_in_dim3A_421 : i1 to vector<16xi1>
        %unique3A_423, %unique3A_424 = tpu.scan_count mask(%broadcast_in_dim3A_422 : vector<16xi1>) value(%and3A_420 : vector<16xi32>) : vector<16xi1>, vector<16xi32>
        %gather3A_425 = tpu.vector_load_idx %arg12[%and3A_420] : memref<1024xi32, #tpu.memory_space<vmem>>[vector<16xi32>], vector<16xi32>,
        %add3A_426 = arith.addi %gather3A_425, %unique3A_424 : vector<16xi32>
        %sub3A_427 = arith.constant 1 : i32
        %sub3A_428 = vector.broadcast %sub3A_427 : i32 to vector<16xi32>
        %sub3A_429 = arith.subi %add3A_426, %sub3A_428 : vector<16xi32>
        tpu.vector_store_idx %arg7[%sub3A_429], %get3A_412 : memref<20480xi32, #tpu.memory_space<vmem>>[vector<16xi32>], vector<16xi32>,
        tpu.vector_store_idx %arg8[%sub3A_429], %get3A_414 : memref<20480xi32, #tpu.memory_space<vmem>>[vector<16xi32>], vector<16xi32>,
        tpu.vector_store_idx %arg12[%and3A_420], %unique3A_424 masked %unique3A_423 {add = true} : memref<1024xi32, #tpu.memory_space<vmem>>[vector<16xi32>], vector<16xi32>, vector<16xi1>
        %scan3A_430 = arith.constant 0 : i32
        %scan3A_431 = arith.constant 2 : i32
        %scan3A_432 = arith.addi %scan3A_387, %scan3A_431 : i32
        %mul3A_433 = arith.constant 16 : i32
        %mul3A_434 = arith.muli %scan3A_432, %mul3A_433 : i32
        %get3A_435 = arith.index_cast %mul3A_434 : i32 to index
        %get3A_436 = tpu.vector_load %arg9[%get3A_435] {strides = array<i32>} : memref<20480xi32, #tpu.memory_space<vmem>>, vector<16xi32>,
        %get3A_437 = arith.index_cast %mul3A_434 : i32 to index
        %get3A_438 = tpu.vector_load %arg10[%get3A_437] {strides = array<i32>} : memref<20480xi32, #tpu.memory_space<vmem>>, vector<16xi32>,
        %shift_right_logical3A_439 = arith.constant 0 : i32
        %shift_right_logical3A_440 = vector.broadcast %shift_right_logical3A_439 : i32 to vector<16xi32>
        %shift_right_logical3A_441 = arith.shrui %get3A_436, %shift_right_logical3A_440 : vector<16xi32>
        %and3A_442 = arith.constant 1023 : i32
        %and3A_443 = vector.broadcast %and3A_442 : i32 to vector<16xi32>
        %and3A_444 = arith.andi %shift_right_logical3A_441, %and3A_443 : vector<16xi32>
        %broadcast_in_dim3A_445 = arith.constant true
        %broadcast_in_dim3A_446 = vector.broadcast %broadcast_in_dim3A_445 : i1 to vector<16xi1>
        %unique3A_447, %unique3A_448 = tpu.scan_count mask(%broadcast_in_dim3A_446 : vector<16xi1>) value(%and3A_444 : vector<16xi32>) : vector<16xi1>, vector<16xi32>
        %gather3A_449 = tpu.vector_load_idx %arg12[%and3A_444] : memref<1024xi32, #tpu.memory_space<vmem>>[vector<16xi32>], vector<16xi32>,
        %add3A_450 = arith.addi %gather3A_449, %unique3A_448 : vector<16xi32>
        %sub3A_451 = arith.constant 1 : i32
        %sub3A_452 = vector.broadcast %sub3A_451 : i32 to vector<16xi32>
        %sub3A_453 = arith.subi %add3A_450, %sub3A_452 : vector<16xi32>
        tpu.vector_store_idx %arg7[%sub3A_453], %get3A_436 : memref<20480xi32, #tpu.memory_space<vmem>>[vector<16xi32>], vector<16xi32>,
        tpu.vector_store_idx %arg8[%sub3A_453], %get3A_438 : memref<20480xi32, #tpu.memory_space<vmem>>[vector<16xi32>], vector<16xi32>,
        tpu.vector_store_idx %arg12[%and3A_444], %unique3A_448 masked %unique3A_447 {add = true} : memref<1024xi32, #tpu.memory_space<vmem>>[vector<16xi32>], vector<16xi32>, vector<16xi1>
        %scan3A_454 = arith.constant 0 : i32
        %scan3A_455 = arith.constant 3 : i32
        %scan3A_456 = arith.addi %scan3A_387, %scan3A_455 : i32
        %mul3A_457 = arith.constant 16 : i32
        %mul3A_458 = arith.muli %scan3A_456, %mul3A_457 : i32
        %get3A_459 = arith.index_cast %mul3A_458 : i32 to index
        %get3A_460 = tpu.vector_load %arg9[%get3A_459] {strides = array<i32>} : memref<20480xi32, #tpu.memory_space<vmem>>, vector<16xi32>,
        %get3A_461 = arith.index_cast %mul3A_458 : i32 to index
        %get3A_462 = tpu.vector_load %arg10[%get3A_461] {strides = array<i32>} : memref<20480xi32, #tpu.memory_space<vmem>>, vector<16xi32>,
        %shift_right_logical3A_463 = arith.constant 0 : i32
        %shift_right_logical3A_464 = vector.broadcast %shift_right_logical3A_463 : i32 to vector<16xi32>
        %shift_right_logical3A_465 = arith.shrui %get3A_460, %shift_right_logical3A_464 : vector<16xi32>
        %and3A_466 = arith.constant 1023 : i32
        %and3A_467 = vector.broadcast %and3A_466 : i32 to vector<16xi32>
        %and3A_468 = arith.andi %shift_right_logical3A_465, %and3A_467 : vector<16xi32>
        %broadcast_in_dim3A_469 = arith.constant true
        %broadcast_in_dim3A_470 = vector.broadcast %broadcast_in_dim3A_469 : i1 to vector<16xi1>
        %unique3A_471, %unique3A_472 = tpu.scan_count mask(%broadcast_in_dim3A_470 : vector<16xi1>) value(%and3A_468 : vector<16xi32>) : vector<16xi1>, vector<16xi32>
        %gather3A_473 = tpu.vector_load_idx %arg12[%and3A_468] : memref<1024xi32, #tpu.memory_space<vmem>>[vector<16xi32>], vector<16xi32>,
        %add3A_474 = arith.addi %gather3A_473, %unique3A_472 : vector<16xi32>
        %sub3A_475 = arith.constant 1 : i32
        %sub3A_476 = vector.broadcast %sub3A_475 : i32 to vector<16xi32>
        %sub3A_477 = arith.subi %add3A_474, %sub3A_476 : vector<16xi32>
        tpu.vector_store_idx %arg7[%sub3A_477], %get3A_460 : memref<20480xi32, #tpu.memory_space<vmem>>[vector<16xi32>], vector<16xi32>,
        tpu.vector_store_idx %arg8[%sub3A_477], %get3A_462 : memref<20480xi32, #tpu.memory_space<vmem>>[vector<16xi32>], vector<16xi32>,
        tpu.vector_store_idx %arg12[%and3A_468], %unique3A_472 masked %unique3A_471 {add = true} : memref<1024xi32, #tpu.memory_space<vmem>>[vector<16xi32>], vector<16xi32>, vector<16xi1>
        %scan3A_478 = arith.constant 0 : i32
        scf.yield %scan3A_478 : i32
      }
      %scan3A_98 = arith.constant 384 : i32
      %while3A_99 = arith.constant 384 : i32
      %while3A_100 = arith.constant 0 : i32
      %while3A_101 = arith.subi %select_n3A, %while3A_99 : i32
      %while3A_102 = arith.addi %while3A_99, %while3A_101 : i32
      %while3A_103 = arith.constant 1 : i32
      %while3A_104 = arith.divsi %while3A_101, %while3A_103 : i32
      %while3A_105 = arith.muli %while3A_104, %while3A_103 : i32
      %while3A_106 = arith.addi %while3A_99, %while3A_105 : i32
      %while3A_107 = arith.constant 1 : i32
      %while3A_108 = scf.for %while3A_387 = %while3A_99 to %while3A_106 step %while3A_107 iter_args(%while3A_388 = %while3A_100) -> (i32)  : i32 {
        %mul3A_389 = arith.constant 16 : i32
        %mul3A_390 = arith.muli %while3A_387, %mul3A_389 : i32
        %get3A = arith.index_cast %mul3A_390 : i32 to index
        %get3A_391 = tpu.vector_load %arg9[%get3A] {strides = array<i32>} : memref<20480xi32, #tpu.memory_space<vmem>>, vector<16xi32>,
        %get3A_392 = arith.index_cast %mul3A_390 : i32 to index
        %get3A_393 = tpu.vector_load %arg10[%get3A_392] {strides = array<i32>} : memref<20480xi32, #tpu.memory_space<vmem>>, vector<16xi32>,
        %shift_right_logical3A = arith.constant 0 : i32
        %shift_right_logical3A_394 = vector.broadcast %shift_right_logical3A : i32 to vector<16xi32>
        %shift_right_logical3A_395 = arith.shrui %get3A_391, %shift_right_logical3A_394 : vector<16xi32>
        %and3A_396 = arith.constant 1023 : i32
        %and3A_397 = vector.broadcast %and3A_396 : i32 to vector<16xi32>
        %and3A_398 = arith.andi %shift_right_logical3A_395, %and3A_397 : vector<16xi32>
        %broadcast_in_dim3A_399 = arith.constant true
        %broadcast_in_dim3A_400 = vector.broadcast %broadcast_in_dim3A_399 : i1 to vector<16xi1>
        %unique3A, %unique3A_401 = tpu.scan_count mask(%broadcast_in_dim3A_400 : vector<16xi1>) value(%and3A_398 : vector<16xi32>) : vector<16xi1>, vector<16xi32>
        %gather3A = tpu.vector_load_idx %arg12[%and3A_398] : memref<1024xi32, #tpu.memory_space<vmem>>[vector<16xi32>], vector<16xi32>,
        %add3A_402 = arith.addi %gather3A, %unique3A_401 : vector<16xi32>
        %sub3A_403 = arith.constant 1 : i32
        %sub3A_404 = vector.broadcast %sub3A_403 : i32 to vector<16xi32>
        %sub3A_405 = arith.subi %add3A_402, %sub3A_404 : vector<16xi32>
        tpu.vector_store_idx %arg7[%sub3A_405], %get3A_391 : memref<20480xi32, #tpu.memory_space<vmem>>[vector<16xi32>], vector<16xi32>,
        tpu.vector_store_idx %arg8[%sub3A_405], %get3A_393 : memref<20480xi32, #tpu.memory_space<vmem>>[vector<16xi32>], vector<16xi32>,
        tpu.vector_store_idx %arg12[%and3A_398], %unique3A_401 masked %unique3A {add = true} : memref<1024xi32, #tpu.memory_space<vmem>>[vector<16xi32>], vector<16xi32>, vector<16xi1>
        %while3A_406 = arith.constant 0 : i32
        scf.yield %while3A_406 : i32
      }
      %while3A_109 = arith.constant 1 : i32
      %while3A_110 = scf.for %while3A_387 = %while3A_106 to %while3A_102 step %while3A_109 iter_args(%while3A_388 = %while3A_108) -> (i32)  : i32 {
        %mul3A_389 = arith.constant 16 : i32
        %mul3A_390 = arith.muli %while3A_387, %mul3A_389 : i32
        %get3A = arith.index_cast %mul3A_390 : i32 to index
        %get3A_391 = tpu.vector_load %arg9[%get3A] {strides = array<i32>} : memref<20480xi32, #tpu.memory_space<vmem>>, vector<16xi32>,
        %get3A_392 = arith.index_cast %mul3A_390 : i32 to index
        %get3A_393 = tpu.vector_load %arg10[%get3A_392] {strides = array<i32>} : memref<20480xi32, #tpu.memory_space<vmem>>, vector<16xi32>,
        %shift_right_logical3A = arith.constant 0 : i32
        %shift_right_logical3A_394 = vector.broadcast %shift_right_logical3A : i32 to vector<16xi32>
        %shift_right_logical3A_395 = arith.shrui %get3A_391, %shift_right_logical3A_394 : vector<16xi32>
        %and3A_396 = arith.constant 1023 : i32
        %and3A_397 = vector.broadcast %and3A_396 : i32 to vector<16xi32>
        %and3A_398 = arith.andi %shift_right_logical3A_395, %and3A_397 : vector<16xi32>
        %broadcast_in_dim3A_399 = arith.constant true
        %broadcast_in_dim3A_400 = vector.broadcast %broadcast_in_dim3A_399 : i1 to vector<16xi1>
        %unique3A, %unique3A_401 = tpu.scan_count mask(%broadcast_in_dim3A_400 : vector<16xi1>) value(%and3A_398 : vector<16xi32>) : vector<16xi1>, vector<16xi32>
        %gather3A = tpu.vector_load_idx %arg12[%and3A_398] : memref<1024xi32, #tpu.memory_space<vmem>>[vector<16xi32>], vector<16xi32>,
        %add3A_402 = arith.addi %gather3A, %unique3A_401 : vector<16xi32>
        %sub3A_403 = arith.constant 1 : i32
        %sub3A_404 = vector.broadcast %sub3A_403 : i32 to vector<16xi32>
        %sub3A_405 = arith.subi %add3A_402, %sub3A_404 : vector<16xi32>
        tpu.vector_store_idx %arg7[%sub3A_405], %get3A_391 : memref<20480xi32, #tpu.memory_space<vmem>>[vector<16xi32>], vector<16xi32>,
        tpu.vector_store_idx %arg8[%sub3A_405], %get3A_393 : memref<20480xi32, #tpu.memory_space<vmem>>[vector<16xi32>], vector<16xi32>,
        tpu.vector_store_idx %arg12[%and3A_398], %unique3A_401 masked %unique3A {add = true} : memref<1024xi32, #tpu.memory_space<vmem>>[vector<16xi32>], vector<16xi32>, vector<16xi1>
        %while3A_406 = arith.constant 0 : i32
        scf.yield %while3A_406 : i32
      }
      %scan3A_111 = arith.constant 0 : i32
      %scan3A_112 = arith.constant 0 : i32
      %scan3A_113 = arith.constant 64 : i32
      %scan3A_114 = arith.addi %scan3A_112, %scan3A_113 : i32
      %scan3A_115 = arith.constant 1 : i32
      %scan3A_116 = scf.for %scan3A_387 = %scan3A_112 to %scan3A_114 step %scan3A_115 iter_args(%scan3A_388 = %scan3A_111) -> (i32)  : i32 {
        %broadcast_in_dim3A_389 = arith.constant 0 : i32
        %broadcast_in_dim3A_390 = vector.broadcast %broadcast_in_dim3A_389 : i32 to vector<16xi32>
        %mul3A_391 = arith.constant 16 : i32
        %mul3A_392 = arith.muli %scan3A_387, %mul3A_391 : i32
        %swap3A = arith.index_cast %mul3A_392 : i32 to index
        %swap3A_393 = tpu.vector_load %arg11[%swap3A] {strides = array<i32>} : memref<1024xi32, #tpu.memory_space<vmem>>, vector<16xi32>,
        tpu.vector_store %arg11[%swap3A], %broadcast_in_dim3A_390 {strides = array<i32>} : memref<1024xi32, #tpu.memory_space<vmem>>, vector<16xi32>,
        %scan3A_394 = arith.constant 0 : i32
        scf.yield %scan3A_394 : i32
      }
      %scan3A_117 = arith.constant 64 : i32
      %scan3A_118 = arith.constant 0 : i32
      %scan3A_119 = arith.constant 0 : i32
      %scan3A_120 = arith.constant 384 : i32
      %scan3A_121 = arith.addi %scan3A_119, %scan3A_120 : i32
      %scan3A_122 = arith.constant 4 : i32
      %scan3A_123 = scf.for %scan3A_387 = %scan3A_119 to %scan3A_121 step %scan3A_122 iter_args(%scan3A_388 = %scan3A_118) -> (i32)  : i32 {
        %mul3A_389 = arith.constant 16 : i32
        %mul3A_390 = arith.muli %scan3A_387, %mul3A_389 : i32
        %get3A = arith.index_cast %mul3A_390 : i32 to index
        %get3A_391 = tpu.vector_load %arg7[%get3A] {strides = array<i32>} : memref<20480xi32, #tpu.memory_space<vmem>>, vector<16xi32>,
        %shift_right_logical3A = arith.constant 10 : i32
        %shift_right_logical3A_392 = vector.broadcast %shift_right_logical3A : i32 to vector<16xi32>
        %shift_right_logical3A_393 = arith.shrui %get3A_391, %shift_right_logical3A_392 : vector<16xi32>
        %and3A_394 = arith.constant 1023 : i32
        %and3A_395 = vector.broadcast %and3A_394 : i32 to vector<16xi32>
        %and3A_396 = arith.andi %shift_right_logical3A_393, %and3A_395 : vector<16xi32>
        %broadcast_in_dim3A_397 = arith.constant true
        %broadcast_in_dim3A_398 = vector.broadcast %broadcast_in_dim3A_397 : i1 to vector<16xi1>
        %unique3A, %unique3A_399 = tpu.scan_count mask(%broadcast_in_dim3A_398 : vector<16xi1>) value(%and3A_396 : vector<16xi32>) : vector<16xi1>, vector<16xi32>
        tpu.vector_store_idx %arg11[%and3A_396], %unique3A_399 masked %unique3A {add = true} : memref<1024xi32, #tpu.memory_space<vmem>>[vector<16xi32>], vector<16xi32>, vector<16xi1>
        %scan3A_400 = arith.constant 0 : i32
        %scan3A_401 = arith.constant 1 : i32
        %scan3A_402 = arith.addi %scan3A_387, %scan3A_401 : i32
        %mul3A_403 = arith.constant 16 : i32
        %mul3A_404 = arith.muli %scan3A_402, %mul3A_403 : i32
        %get3A_405 = arith.index_cast %mul3A_404 : i32 to index
        %get3A_406 = tpu.vector_load %arg7[%get3A_405] {strides = array<i32>} : memref<20480xi32, #tpu.memory_space<vmem>>, vector<16xi32>,
        %shift_right_logical3A_407 = arith.constant 10 : i32
        %shift_right_logical3A_408 = vector.broadcast %shift_right_logical3A_407 : i32 to vector<16xi32>
        %shift_right_logical3A_409 = arith.shrui %get3A_406, %shift_right_logical3A_408 : vector<16xi32>
        %and3A_410 = arith.constant 1023 : i32
        %and3A_411 = vector.broadcast %and3A_410 : i32 to vector<16xi32>
        %and3A_412 = arith.andi %shift_right_logical3A_409, %and3A_411 : vector<16xi32>
        %broadcast_in_dim3A_413 = arith.constant true
        %broadcast_in_dim3A_414 = vector.broadcast %broadcast_in_dim3A_413 : i1 to vector<16xi1>
        %unique3A_415, %unique3A_416 = tpu.scan_count mask(%broadcast_in_dim3A_414 : vector<16xi1>) value(%and3A_412 : vector<16xi32>) : vector<16xi1>, vector<16xi32>
        tpu.vector_store_idx %arg11[%and3A_412], %unique3A_416 masked %unique3A_415 {add = true} : memref<1024xi32, #tpu.memory_space<vmem>>[vector<16xi32>], vector<16xi32>, vector<16xi1>
        %scan3A_417 = arith.constant 0 : i32
        %scan3A_418 = arith.constant 2 : i32
        %scan3A_419 = arith.addi %scan3A_387, %scan3A_418 : i32
        %mul3A_420 = arith.constant 16 : i32
        %mul3A_421 = arith.muli %scan3A_419, %mul3A_420 : i32
        %get3A_422 = arith.index_cast %mul3A_421 : i32 to index
        %get3A_423 = tpu.vector_load %arg7[%get3A_422] {strides = array<i32>} : memref<20480xi32, #tpu.memory_space<vmem>>, vector<16xi32>,
        %shift_right_logical3A_424 = arith.constant 10 : i32
        %shift_right_logical3A_425 = vector.broadcast %shift_right_logical3A_424 : i32 to vector<16xi32>
        %shift_right_logical3A_426 = arith.shrui %get3A_423, %shift_right_logical3A_425 : vector<16xi32>
        %and3A_427 = arith.constant 1023 : i32
        %and3A_428 = vector.broadcast %and3A_427 : i32 to vector<16xi32>
        %and3A_429 = arith.andi %shift_right_logical3A_426, %and3A_428 : vector<16xi32>
        %broadcast_in_dim3A_430 = arith.constant true
        %broadcast_in_dim3A_431 = vector.broadcast %broadcast_in_dim3A_430 : i1 to vector<16xi1>
        %unique3A_432, %unique3A_433 = tpu.scan_count mask(%broadcast_in_dim3A_431 : vector<16xi1>) value(%and3A_429 : vector<16xi32>) : vector<16xi1>, vector<16xi32>
        tpu.vector_store_idx %arg11[%and3A_429], %unique3A_433 masked %unique3A_432 {add = true} : memref<1024xi32, #tpu.memory_space<vmem>>[vector<16xi32>], vector<16xi32>, vector<16xi1>
        %scan3A_434 = arith.constant 0 : i32
        %scan3A_435 = arith.constant 3 : i32
        %scan3A_436 = arith.addi %scan3A_387, %scan3A_435 : i32
        %mul3A_437 = arith.constant 16 : i32
        %mul3A_438 = arith.muli %scan3A_436, %mul3A_437 : i32
        %get3A_439 = arith.index_cast %mul3A_438 : i32 to index
        %get3A_440 = tpu.vector_load %arg7[%get3A_439] {strides = array<i32>} : memref<20480xi32, #tpu.memory_space<vmem>>, vector<16xi32>,
        %shift_right_logical3A_441 = arith.constant 10 : i32
        %shift_right_logical3A_442 = vector.broadcast %shift_right_logical3A_441 : i32 to vector<16xi32>
        %shift_right_logical3A_443 = arith.shrui %get3A_440, %shift_right_logical3A_442 : vector<16xi32>
        %and3A_444 = arith.constant 1023 : i32
        %and3A_445 = vector.broadcast %and3A_444 : i32 to vector<16xi32>
        %and3A_446 = arith.andi %shift_right_logical3A_443, %and3A_445 : vector<16xi32>
        %broadcast_in_dim3A_447 = arith.constant true
        %broadcast_in_dim3A_448 = vector.broadcast %broadcast_in_dim3A_447 : i1 to vector<16xi1>
        %unique3A_449, %unique3A_450 = tpu.scan_count mask(%broadcast_in_dim3A_448 : vector<16xi1>) value(%and3A_446 : vector<16xi32>) : vector<16xi1>, vector<16xi32>
        tpu.vector_store_idx %arg11[%and3A_446], %unique3A_450 masked %unique3A_449 {add = true} : memref<1024xi32, #tpu.memory_space<vmem>>[vector<16xi32>], vector<16xi32>, vector<16xi1>
        %scan3A_451 = arith.constant 0 : i32
        scf.yield %scan3A_451 : i32
      }
      %scan3A_124 = arith.constant 384 : i32
      %while3A_125 = arith.constant 384 : i32
      %while3A_126 = arith.constant 0 : i32
      %while3A_127 = arith.subi %select_n3A, %while3A_125 : i32
      %while3A_128 = arith.addi %while3A_125, %while3A_127 : i32
      %while3A_129 = arith.constant 1 : i32
      %while3A_130 = arith.divsi %while3A_127, %while3A_129 : i32
      %while3A_131 = arith.muli %while3A_130, %while3A_129 : i32
      %while3A_132 = arith.addi %while3A_125, %while3A_131 : i32
      %while3A_133 = arith.constant 1 : i32
      %while3A_134 = scf.for %while3A_387 = %while3A_125 to %while3A_132 step %while3A_133 iter_args(%while3A_388 = %while3A_126) -> (i32)  : i32 {
        %mul3A_389 = arith.constant 16 : i32
        %mul3A_390 = arith.muli %while3A_387, %mul3A_389 : i32
        %get3A = arith.index_cast %mul3A_390 : i32 to index
        %get3A_391 = tpu.vector_load %arg7[%get3A] {strides = array<i32>} : memref<20480xi32, #tpu.memory_space<vmem>>, vector<16xi32>,
        %shift_right_logical3A = arith.constant 10 : i32
        %shift_right_logical3A_392 = vector.broadcast %shift_right_logical3A : i32 to vector<16xi32>
        %shift_right_logical3A_393 = arith.shrui %get3A_391, %shift_right_logical3A_392 : vector<16xi32>
        %and3A_394 = arith.constant 1023 : i32
        %and3A_395 = vector.broadcast %and3A_394 : i32 to vector<16xi32>
        %and3A_396 = arith.andi %shift_right_logical3A_393, %and3A_395 : vector<16xi32>
        %broadcast_in_dim3A_397 = arith.constant true
        %broadcast_in_dim3A_398 = vector.broadcast %broadcast_in_dim3A_397 : i1 to vector<16xi1>
        %unique3A, %unique3A_399 = tpu.scan_count mask(%broadcast_in_dim3A_398 : vector<16xi1>) value(%and3A_396 : vector<16xi32>) : vector<16xi1>, vector<16xi32>
        tpu.vector_store_idx %arg11[%and3A_396], %unique3A_399 masked %unique3A {add = true} : memref<1024xi32, #tpu.memory_space<vmem>>[vector<16xi32>], vector<16xi32>, vector<16xi1>
        %while3A_400 = arith.constant 0 : i32
        scf.yield %while3A_400 : i32
      }
      %while3A_135 = arith.constant 1 : i32
      %while3A_136 = scf.for %while3A_387 = %while3A_132 to %while3A_128 step %while3A_135 iter_args(%while3A_388 = %while3A_134) -> (i32)  : i32 {
        %mul3A_389 = arith.constant 16 : i32
        %mul3A_390 = arith.muli %while3A_387, %mul3A_389 : i32
        %get3A = arith.index_cast %mul3A_390 : i32 to index
        %get3A_391 = tpu.vector_load %arg7[%get3A] {strides = array<i32>} : memref<20480xi32, #tpu.memory_space<vmem>>, vector<16xi32>,
        %shift_right_logical3A = arith.constant 10 : i32
        %shift_right_logical3A_392 = vector.broadcast %shift_right_logical3A : i32 to vector<16xi32>
        %shift_right_logical3A_393 = arith.shrui %get3A_391, %shift_right_logical3A_392 : vector<16xi32>
        %and3A_394 = arith.constant 1023 : i32
        %and3A_395 = vector.broadcast %and3A_394 : i32 to vector<16xi32>
        %and3A_396 = arith.andi %shift_right_logical3A_393, %and3A_395 : vector<16xi32>
        %broadcast_in_dim3A_397 = arith.constant true
        %broadcast_in_dim3A_398 = vector.broadcast %broadcast_in_dim3A_397 : i1 to vector<16xi1>
        %unique3A, %unique3A_399 = tpu.scan_count mask(%broadcast_in_dim3A_398 : vector<16xi1>) value(%and3A_396 : vector<16xi32>) : vector<16xi1>, vector<16xi32>
        tpu.vector_store_idx %arg11[%and3A_396], %unique3A_399 masked %unique3A {add = true} : memref<1024xi32, #tpu.memory_space<vmem>>[vector<16xi32>], vector<16xi32>, vector<16xi1>
        %while3A_400 = arith.constant 0 : i32
        scf.yield %while3A_400 : i32
      }
      %scan3A_137 = arith.constant 0 : i32
      %scan3A_138 = arith.constant 0 : i32
      %scan3A_139 = arith.constant 64 : i32
      %scan3A_140 = arith.addi %scan3A_138, %scan3A_139 : i32
      %scan3A_141 = arith.constant 1 : i32
      %scan3A_142 = scf.for %scan3A_387 = %scan3A_138 to %scan3A_140 step %scan3A_141 iter_args(%scan3A_388 = %scan3A_137) -> (i32)  : i32 {
        %mul3A_389 = arith.constant 16 : i32
        %mul3A_390 = arith.muli %scan3A_387, %mul3A_389 : i32
        %get3A = arith.index_cast %mul3A_390 : i32 to index
        %get3A_391 = tpu.vector_load %arg11[%get3A] {strides = array<i32>} : memref<1024xi32, #tpu.memory_space<vmem>>, vector<16xi32>,
        %broadcast_in_dim3A_392 = arith.constant true
        %broadcast_in_dim3A_393 = vector.broadcast %broadcast_in_dim3A_392 : i1 to vector<16xi1>
        %masked_cumsum3A = tpu.scan <sum>, %get3A_391 masked %broadcast_in_dim3A_393 : vector<16xi32>, vector<16xi1> -> vector<16xi32>
        %sub3A_394 = arith.subi %masked_cumsum3A, %get3A_391 : vector<16xi32>
        %add3A_395 = vector.broadcast %scan3A_388 : i32 to vector<16xi32>
        %add3A_396 = arith.addi %sub3A_394, %add3A_395 : vector<16xi32>
        %mul3A_397 = arith.constant 16 : i32
        %mul3A_398 = arith.muli %scan3A_387, %mul3A_397 : i32
        %swap3A = arith.index_cast %mul3A_398 : i32 to index
        %swap3A_399 = tpu.vector_load %arg12[%swap3A] {strides = array<i32>} : memref<1024xi32, #tpu.memory_space<vmem>>, vector<16xi32>,
        tpu.vector_store %arg12[%swap3A], %add3A_396 {strides = array<i32>} : memref<1024xi32, #tpu.memory_space<vmem>>, vector<16xi32>,
        %reduce_sum3A = arith.constant true
        %reduce_sum3A_400 = vector.broadcast %reduce_sum3A : i1 to vector<16xi1>
        %reduce_sum3A_401 = tpu.scan <sum>, %get3A_391 masked %reduce_sum3A_400 : vector<16xi32>, vector<16xi1> -> vector<16xi32>
        %reduce_sum3A_402 = vector.extract %reduce_sum3A_401[15] : i32 from vector<16xi32>
        %add3A_403 = arith.addi %scan3A_388, %reduce_sum3A_402 : i32
        scf.yield %add3A_403 : i32
      }
      %scan3A_143 = arith.constant 64 : i32
      %scan3A_144 = arith.constant 0 : i32
      %scan3A_145 = arith.constant 0 : i32
      %scan3A_146 = arith.constant 384 : i32
      %scan3A_147 = arith.addi %scan3A_145, %scan3A_146 : i32
      %scan3A_148 = arith.constant 4 : i32
      %scan3A_149 = scf.for %scan3A_387 = %scan3A_145 to %scan3A_147 step %scan3A_148 iter_args(%scan3A_388 = %scan3A_144) -> (i32)  : i32 {
        %mul3A_389 = arith.constant 16 : i32
        %mul3A_390 = arith.muli %scan3A_387, %mul3A_389 : i32
        %get3A = arith.index_cast %mul3A_390 : i32 to index
        %get3A_391 = tpu.vector_load %arg7[%get3A] {strides = array<i32>} : memref<20480xi32, #tpu.memory_space<vmem>>, vector<16xi32>,
        %get3A_392 = arith.index_cast %mul3A_390 : i32 to index
        %get3A_393 = tpu.vector_load %arg8[%get3A_392] {strides = array<i32>} : memref<20480xi32, #tpu.memory_space<vmem>>, vector<16xi32>,
        %shift_right_logical3A = arith.constant 10 : i32
        %shift_right_logical3A_394 = vector.broadcast %shift_right_logical3A : i32 to vector<16xi32>
        %shift_right_logical3A_395 = arith.shrui %get3A_391, %shift_right_logical3A_394 : vector<16xi32>
        %and3A_396 = arith.constant 1023 : i32
        %and3A_397 = vector.broadcast %and3A_396 : i32 to vector<16xi32>
        %and3A_398 = arith.andi %shift_right_logical3A_395, %and3A_397 : vector<16xi32>
        %broadcast_in_dim3A_399 = arith.constant true
        %broadcast_in_dim3A_400 = vector.broadcast %broadcast_in_dim3A_399 : i1 to vector<16xi1>
        %unique3A, %unique3A_401 = tpu.scan_count mask(%broadcast_in_dim3A_400 : vector<16xi1>) value(%and3A_398 : vector<16xi32>) : vector<16xi1>, vector<16xi32>
        %gather3A = tpu.vector_load_idx %arg12[%and3A_398] : memref<1024xi32, #tpu.memory_space<vmem>>[vector<16xi32>], vector<16xi32>,
        %add3A_402 = arith.addi %gather3A, %unique3A_401 : vector<16xi32>
        %sub3A_403 = arith.constant 1 : i32
        %sub3A_404 = vector.broadcast %sub3A_403 : i32 to vector<16xi32>
        %sub3A_405 = arith.subi %add3A_402, %sub3A_404 : vector<16xi32>
        tpu.vector_store_idx %arg9[%sub3A_405], %get3A_391 : memref<20480xi32, #tpu.memory_space<vmem>>[vector<16xi32>], vector<16xi32>,
        tpu.vector_store_idx %arg10[%sub3A_405], %get3A_393 : memref<20480xi32, #tpu.memory_space<vmem>>[vector<16xi32>], vector<16xi32>,
        tpu.vector_store_idx %arg12[%and3A_398], %unique3A_401 masked %unique3A {add = true} : memref<1024xi32, #tpu.memory_space<vmem>>[vector<16xi32>], vector<16xi32>, vector<16xi1>
        %scan3A_406 = arith.constant 0 : i32
        %scan3A_407 = arith.constant 1 : i32
        %scan3A_408 = arith.addi %scan3A_387, %scan3A_407 : i32
        %mul3A_409 = arith.constant 16 : i32
        %mul3A_410 = arith.muli %scan3A_408, %mul3A_409 : i32
        %get3A_411 = arith.index_cast %mul3A_410 : i32 to index
        %get3A_412 = tpu.vector_load %arg7[%get3A_411] {strides = array<i32>} : memref<20480xi32, #tpu.memory_space<vmem>>, vector<16xi32>,
        %get3A_413 = arith.index_cast %mul3A_410 : i32 to index
        %get3A_414 = tpu.vector_load %arg8[%get3A_413] {strides = array<i32>} : memref<20480xi32, #tpu.memory_space<vmem>>, vector<16xi32>,
        %shift_right_logical3A_415 = arith.constant 10 : i32
        %shift_right_logical3A_416 = vector.broadcast %shift_right_logical3A_415 : i32 to vector<16xi32>
        %shift_right_logical3A_417 = arith.shrui %get3A_412, %shift_right_logical3A_416 : vector<16xi32>
        %and3A_418 = arith.constant 1023 : i32
        %and3A_419 = vector.broadcast %and3A_418 : i32 to vector<16xi32>
        %and3A_420 = arith.andi %shift_right_logical3A_417, %and3A_419 : vector<16xi32>
        %broadcast_in_dim3A_421 = arith.constant true
        %broadcast_in_dim3A_422 = vector.broadcast %broadcast_in_dim3A_421 : i1 to vector<16xi1>
        %unique3A_423, %unique3A_424 = tpu.scan_count mask(%broadcast_in_dim3A_422 : vector<16xi1>) value(%and3A_420 : vector<16xi32>) : vector<16xi1>, vector<16xi32>
        %gather3A_425 = tpu.vector_load_idx %arg12[%and3A_420] : memref<1024xi32, #tpu.memory_space<vmem>>[vector<16xi32>], vector<16xi32>,
        %add3A_426 = arith.addi %gather3A_425, %unique3A_424 : vector<16xi32>
        %sub3A_427 = arith.constant 1 : i32
        %sub3A_428 = vector.broadcast %sub3A_427 : i32 to vector<16xi32>
        %sub3A_429 = arith.subi %add3A_426, %sub3A_428 : vector<16xi32>
        tpu.vector_store_idx %arg9[%sub3A_429], %get3A_412 : memref<20480xi32, #tpu.memory_space<vmem>>[vector<16xi32>], vector<16xi32>,
        tpu.vector_store_idx %arg10[%sub3A_429], %get3A_414 : memref<20480xi32, #tpu.memory_space<vmem>>[vector<16xi32>], vector<16xi32>,
        tpu.vector_store_idx %arg12[%and3A_420], %unique3A_424 masked %unique3A_423 {add = true} : memref<1024xi32, #tpu.memory_space<vmem>>[vector<16xi32>], vector<16xi32>, vector<16xi1>
        %scan3A_430 = arith.constant 0 : i32
        %scan3A_431 = arith.constant 2 : i32
        %scan3A_432 = arith.addi %scan3A_387, %scan3A_431 : i32
        %mul3A_433 = arith.constant 16 : i32
        %mul3A_434 = arith.muli %scan3A_432, %mul3A_433 : i32
        %get3A_435 = arith.index_cast %mul3A_434 : i32 to index
        %get3A_436 = tpu.vector_load %arg7[%get3A_435] {strides = array<i32>} : memref<20480xi32, #tpu.memory_space<vmem>>, vector<16xi32>,
        %get3A_437 = arith.index_cast %mul3A_434 : i32 to index
        %get3A_438 = tpu.vector_load %arg8[%get3A_437] {strides = array<i32>} : memref<20480xi32, #tpu.memory_space<vmem>>, vector<16xi32>,
        %shift_right_logical3A_439 = arith.constant 10 : i32
        %shift_right_logical3A_440 = vector.broadcast %shift_right_logical3A_439 : i32 to vector<16xi32>
        %shift_right_logical3A_441 = arith.shrui %get3A_436, %shift_right_logical3A_440 : vector<16xi32>
        %and3A_442 = arith.constant 1023 : i32
        %and3A_443 = vector.broadcast %and3A_442 : i32 to vector<16xi32>
        %and3A_444 = arith.andi %shift_right_logical3A_441, %and3A_443 : vector<16xi32>
        %broadcast_in_dim3A_445 = arith.constant true
        %broadcast_in_dim3A_446 = vector.broadcast %broadcast_in_dim3A_445 : i1 to vector<16xi1>
        %unique3A_447, %unique3A_448 = tpu.scan_count mask(%broadcast_in_dim3A_446 : vector<16xi1>) value(%and3A_444 : vector<16xi32>) : vector<16xi1>, vector<16xi32>
        %gather3A_449 = tpu.vector_load_idx %arg12[%and3A_444] : memref<1024xi32, #tpu.memory_space<vmem>>[vector<16xi32>], vector<16xi32>,
        %add3A_450 = arith.addi %gather3A_449, %unique3A_448 : vector<16xi32>
        %sub3A_451 = arith.constant 1 : i32
        %sub3A_452 = vector.broadcast %sub3A_451 : i32 to vector<16xi32>
        %sub3A_453 = arith.subi %add3A_450, %sub3A_452 : vector<16xi32>
        tpu.vector_store_idx %arg9[%sub3A_453], %get3A_436 : memref<20480xi32, #tpu.memory_space<vmem>>[vector<16xi32>], vector<16xi32>,
        tpu.vector_store_idx %arg10[%sub3A_453], %get3A_438 : memref<20480xi32, #tpu.memory_space<vmem>>[vector<16xi32>], vector<16xi32>,
        tpu.vector_store_idx %arg12[%and3A_444], %unique3A_448 masked %unique3A_447 {add = true} : memref<1024xi32, #tpu.memory_space<vmem>>[vector<16xi32>], vector<16xi32>, vector<16xi1>
        %scan3A_454 = arith.constant 0 : i32
        %scan3A_455 = arith.constant 3 : i32
        %scan3A_456 = arith.addi %scan3A_387, %scan3A_455 : i32
        %mul3A_457 = arith.constant 16 : i32
        %mul3A_458 = arith.muli %scan3A_456, %mul3A_457 : i32
        %get3A_459 = arith.index_cast %mul3A_458 : i32 to index
        %get3A_460 = tpu.vector_load %arg7[%get3A_459] {strides = array<i32>} : memref<20480xi32, #tpu.memory_space<vmem>>, vector<16xi32>,
        %get3A_461 = arith.index_cast %mul3A_458 : i32 to index
        %get3A_462 = tpu.vector_load %arg8[%get3A_461] {strides = array<i32>} : memref<20480xi32, #tpu.memory_space<vmem>>, vector<16xi32>,
        %shift_right_logical3A_463 = arith.constant 10 : i32
        %shift_right_logical3A_464 = vector.broadcast %shift_right_logical3A_463 : i32 to vector<16xi32>
        %shift_right_logical3A_465 = arith.shrui %get3A_460, %shift_right_logical3A_464 : vector<16xi32>
        %and3A_466 = arith.constant 1023 : i32
        %and3A_467 = vector.broadcast %and3A_466 : i32 to vector<16xi32>
        %and3A_468 = arith.andi %shift_right_logical3A_465, %and3A_467 : vector<16xi32>
        %broadcast_in_dim3A_469 = arith.constant true
        %broadcast_in_dim3A_470 = vector.broadcast %broadcast_in_dim3A_469 : i1 to vector<16xi1>
        %unique3A_471, %unique3A_472 = tpu.scan_count mask(%broadcast_in_dim3A_470 : vector<16xi1>) value(%and3A_468 : vector<16xi32>) : vector<16xi1>, vector<16xi32>
        %gather3A_473 = tpu.vector_load_idx %arg12[%and3A_468] : memref<1024xi32, #tpu.memory_space<vmem>>[vector<16xi32>], vector<16xi32>,
        %add3A_474 = arith.addi %gather3A_473, %unique3A_472 : vector<16xi32>
        %sub3A_475 = arith.constant 1 : i32
        %sub3A_476 = vector.broadcast %sub3A_475 : i32 to vector<16xi32>
        %sub3A_477 = arith.subi %add3A_474, %sub3A_476 : vector<16xi32>
        tpu.vector_store_idx %arg9[%sub3A_477], %get3A_460 : memref<20480xi32, #tpu.memory_space<vmem>>[vector<16xi32>], vector<16xi32>,
        tpu.vector_store_idx %arg10[%sub3A_477], %get3A_462 : memref<20480xi32, #tpu.memory_space<vmem>>[vector<16xi32>], vector<16xi32>,
        tpu.vector_store_idx %arg12[%and3A_468], %unique3A_472 masked %unique3A_471 {add = true} : memref<1024xi32, #tpu.memory_space<vmem>>[vector<16xi32>], vector<16xi32>, vector<16xi1>
        %scan3A_478 = arith.constant 0 : i32
        scf.yield %scan3A_478 : i32
      }
      %scan3A_150 = arith.constant 384 : i32
      %while3A_151 = arith.constant 384 : i32
      %while3A_152 = arith.constant 0 : i32
      %while3A_153 = arith.subi %select_n3A, %while3A_151 : i32
      %while3A_154 = arith.addi %while3A_151, %while3A_153 : i32
      %while3A_155 = arith.constant 1 : i32
      %while3A_156 = arith.divsi %while3A_153, %while3A_155 : i32
      %while3A_157 = arith.muli %while3A_156, %while3A_155 : i32
      %while3A_158 = arith.addi %while3A_151, %while3A_157 : i32
      %while3A_159 = arith.constant 1 : i32
      %while3A_160 = scf.for %while3A_387 = %while3A_151 to %while3A_158 step %while3A_159 iter_args(%while3A_388 = %while3A_152) -> (i32)  : i32 {
        %mul3A_389 = arith.constant 16 : i32
        %mul3A_390 = arith.muli %while3A_387, %mul3A_389 : i32
        %get3A = arith.index_cast %mul3A_390 : i32 to index
        %get3A_391 = tpu.vector_load %arg7[%get3A] {strides = array<i32>} : memref<20480xi32, #tpu.memory_space<vmem>>, vector<16xi32>,
        %get3A_392 = arith.index_cast %mul3A_390 : i32 to index
        %get3A_393 = tpu.vector_load %arg8[%get3A_392] {strides = array<i32>} : memref<20480xi32, #tpu.memory_space<vmem>>, vector<16xi32>,
        %shift_right_logical3A = arith.constant 10 : i32
        %shift_right_logical3A_394 = vector.broadcast %shift_right_logical3A : i32 to vector<16xi32>
        %shift_right_logical3A_395 = arith.shrui %get3A_391, %shift_right_logical3A_394 : vector<16xi32>
        %and3A_396 = arith.constant 1023 : i32
        %and3A_397 = vector.broadcast %and3A_396 : i32 to vector<16xi32>
        %and3A_398 = arith.andi %shift_right_logical3A_395, %and3A_397 : vector<16xi32>
        %broadcast_in_dim3A_399 = arith.constant true
        %broadcast_in_dim3A_400 = vector.broadcast %broadcast_in_dim3A_399 : i1 to vector<16xi1>
        %unique3A, %unique3A_401 = tpu.scan_count mask(%broadcast_in_dim3A_400 : vector<16xi1>) value(%and3A_398 : vector<16xi32>) : vector<16xi1>, vector<16xi32>
        %gather3A = tpu.vector_load_idx %arg12[%and3A_398] : memref<1024xi32, #tpu.memory_space<vmem>>[vector<16xi32>], vector<16xi32>,
        %add3A_402 = arith.addi %gather3A, %unique3A_401 : vector<16xi32>
        %sub3A_403 = arith.constant 1 : i32
        %sub3A_404 = vector.broadcast %sub3A_403 : i32 to vector<16xi32>
        %sub3A_405 = arith.subi %add3A_402, %sub3A_404 : vector<16xi32>
        tpu.vector_store_idx %arg9[%sub3A_405], %get3A_391 : memref<20480xi32, #tpu.memory_space<vmem>>[vector<16xi32>], vector<16xi32>,
        tpu.vector_store_idx %arg10[%sub3A_405], %get3A_393 : memref<20480xi32, #tpu.memory_space<vmem>>[vector<16xi32>], vector<16xi32>,
        tpu.vector_store_idx %arg12[%and3A_398], %unique3A_401 masked %unique3A {add = true} : memref<1024xi32, #tpu.memory_space<vmem>>[vector<16xi32>], vector<16xi32>, vector<16xi1>
        %while3A_406 = arith.constant 0 : i32
        scf.yield %while3A_406 : i32
      }
      %while3A_161 = arith.constant 1 : i32
      %while3A_162 = scf.for %while3A_387 = %while3A_158 to %while3A_154 step %while3A_161 iter_args(%while3A_388 = %while3A_160) -> (i32)  : i32 {
        %mul3A_389 = arith.constant 16 : i32
        %mul3A_390 = arith.muli %while3A_387, %mul3A_389 : i32
        %get3A = arith.index_cast %mul3A_390 : i32 to index
        %get3A_391 = tpu.vector_load %arg7[%get3A] {strides = array<i32>} : memref<20480xi32, #tpu.memory_space<vmem>>, vector<16xi32>,
        %get3A_392 = arith.index_cast %mul3A_390 : i32 to index
        %get3A_393 = tpu.vector_load %arg8[%get3A_392] {strides = array<i32>} : memref<20480xi32, #tpu.memory_space<vmem>>, vector<16xi32>,
        %shift_right_logical3A = arith.constant 10 : i32
        %shift_right_logical3A_394 = vector.broadcast %shift_right_logical3A : i32 to vector<16xi32>
        %shift_right_logical3A_395 = arith.shrui %get3A_391, %shift_right_logical3A_394 : vector<16xi32>
        %and3A_396 = arith.constant 1023 : i32
        %and3A_397 = vector.broadcast %and3A_396 : i32 to vector<16xi32>
        %and3A_398 = arith.andi %shift_right_logical3A_395, %and3A_397 : vector<16xi32>
        %broadcast_in_dim3A_399 = arith.constant true
        %broadcast_in_dim3A_400 = vector.broadcast %broadcast_in_dim3A_399 : i1 to vector<16xi1>
        %unique3A, %unique3A_401 = tpu.scan_count mask(%broadcast_in_dim3A_400 : vector<16xi1>) value(%and3A_398 : vector<16xi32>) : vector<16xi1>, vector<16xi32>
        %gather3A = tpu.vector_load_idx %arg12[%and3A_398] : memref<1024xi32, #tpu.memory_space<vmem>>[vector<16xi32>], vector<16xi32>,
        %add3A_402 = arith.addi %gather3A, %unique3A_401 : vector<16xi32>
        %sub3A_403 = arith.constant 1 : i32
        %sub3A_404 = vector.broadcast %sub3A_403 : i32 to vector<16xi32>
        %sub3A_405 = arith.subi %add3A_402, %sub3A_404 : vector<16xi32>
        tpu.vector_store_idx %arg9[%sub3A_405], %get3A_391 : memref<20480xi32, #tpu.memory_space<vmem>>[vector<16xi32>], vector<16xi32>,
        tpu.vector_store_idx %arg10[%sub3A_405], %get3A_393 : memref<20480xi32, #tpu.memory_space<vmem>>[vector<16xi32>], vector<16xi32>,
        tpu.vector_store_idx %arg12[%and3A_398], %unique3A_401 masked %unique3A {add = true} : memref<1024xi32, #tpu.memory_space<vmem>>[vector<16xi32>], vector<16xi32>, vector<16xi1>
        %while3A_406 = arith.constant 0 : i32
        scf.yield %while3A_406 : i32
      }
      %scan3A_163 = arith.constant 0 : i32
      %scan3A_164 = arith.constant 0 : i32
      %scan3A_165 = arith.constant 64 : i32
      %scan3A_166 = arith.addi %scan3A_164, %scan3A_165 : i32
      %scan3A_167 = arith.constant 1 : i32
      %scan3A_168 = scf.for %scan3A_387 = %scan3A_164 to %scan3A_166 step %scan3A_167 iter_args(%scan3A_388 = %scan3A_163) -> (i32)  : i32 {
        %broadcast_in_dim3A_389 = arith.constant 0 : i32
        %broadcast_in_dim3A_390 = vector.broadcast %broadcast_in_dim3A_389 : i32 to vector<16xi32>
        %mul3A_391 = arith.constant 16 : i32
        %mul3A_392 = arith.muli %scan3A_387, %mul3A_391 : i32
        %swap3A = arith.index_cast %mul3A_392 : i32 to index
        %swap3A_393 = tpu.vector_load %arg11[%swap3A] {strides = array<i32>} : memref<1024xi32, #tpu.memory_space<vmem>>, vector<16xi32>,
        tpu.vector_store %arg11[%swap3A], %broadcast_in_dim3A_390 {strides = array<i32>} : memref<1024xi32, #tpu.memory_space<vmem>>, vector<16xi32>,
        %scan3A_394 = arith.constant 0 : i32
        scf.yield %scan3A_394 : i32
      }
      %scan3A_169 = arith.constant 64 : i32
      %scan3A_170 = arith.constant 0 : i32
      %scan3A_171 = arith.constant 0 : i32
      %scan3A_172 = arith.constant 384 : i32
      %scan3A_173 = arith.addi %scan3A_171, %scan3A_172 : i32
      %scan3A_174 = arith.constant 4 : i32
      %scan3A_175 = scf.for %scan3A_387 = %scan3A_171 to %scan3A_173 step %scan3A_174 iter_args(%scan3A_388 = %scan3A_170) -> (i32)  : i32 {
        %mul3A_389 = arith.constant 16 : i32
        %mul3A_390 = arith.muli %scan3A_387, %mul3A_389 : i32
        %get3A = arith.index_cast %mul3A_390 : i32 to index
        %get3A_391 = tpu.vector_load %arg9[%get3A] {strides = array<i32>} : memref<20480xi32, #tpu.memory_space<vmem>>, vector<16xi32>,
        %shift_right_logical3A = arith.constant 20 : i32
        %shift_right_logical3A_392 = vector.broadcast %shift_right_logical3A : i32 to vector<16xi32>
        %shift_right_logical3A_393 = arith.shrui %get3A_391, %shift_right_logical3A_392 : vector<16xi32>
        %and3A_394 = arith.constant 1023 : i32
        %and3A_395 = vector.broadcast %and3A_394 : i32 to vector<16xi32>
        %and3A_396 = arith.andi %shift_right_logical3A_393, %and3A_395 : vector<16xi32>
        %broadcast_in_dim3A_397 = arith.constant true
        %broadcast_in_dim3A_398 = vector.broadcast %broadcast_in_dim3A_397 : i1 to vector<16xi1>
        %unique3A, %unique3A_399 = tpu.scan_count mask(%broadcast_in_dim3A_398 : vector<16xi1>) value(%and3A_396 : vector<16xi32>) : vector<16xi1>, vector<16xi32>
        tpu.vector_store_idx %arg11[%and3A_396], %unique3A_399 masked %unique3A {add = true} : memref<1024xi32, #tpu.memory_space<vmem>>[vector<16xi32>], vector<16xi32>, vector<16xi1>
        %scan3A_400 = arith.constant 0 : i32
        %scan3A_401 = arith.constant 1 : i32
        %scan3A_402 = arith.addi %scan3A_387, %scan3A_401 : i32
        %mul3A_403 = arith.constant 16 : i32
        %mul3A_404 = arith.muli %scan3A_402, %mul3A_403 : i32
        %get3A_405 = arith.index_cast %mul3A_404 : i32 to index
        %get3A_406 = tpu.vector_load %arg9[%get3A_405] {strides = array<i32>} : memref<20480xi32, #tpu.memory_space<vmem>>, vector<16xi32>,
        %shift_right_logical3A_407 = arith.constant 20 : i32
        %shift_right_logical3A_408 = vector.broadcast %shift_right_logical3A_407 : i32 to vector<16xi32>
        %shift_right_logical3A_409 = arith.shrui %get3A_406, %shift_right_logical3A_408 : vector<16xi32>
        %and3A_410 = arith.constant 1023 : i32
        %and3A_411 = vector.broadcast %and3A_410 : i32 to vector<16xi32>
        %and3A_412 = arith.andi %shift_right_logical3A_409, %and3A_411 : vector<16xi32>
        %broadcast_in_dim3A_413 = arith.constant true
        %broadcast_in_dim3A_414 = vector.broadcast %broadcast_in_dim3A_413 : i1 to vector<16xi1>
        %unique3A_415, %unique3A_416 = tpu.scan_count mask(%broadcast_in_dim3A_414 : vector<16xi1>) value(%and3A_412 : vector<16xi32>) : vector<16xi1>, vector<16xi32>
        tpu.vector_store_idx %arg11[%and3A_412], %unique3A_416 masked %unique3A_415 {add = true} : memref<1024xi32, #tpu.memory_space<vmem>>[vector<16xi32>], vector<16xi32>, vector<16xi1>
        %scan3A_417 = arith.constant 0 : i32
        %scan3A_418 = arith.constant 2 : i32
        %scan3A_419 = arith.addi %scan3A_387, %scan3A_418 : i32
        %mul3A_420 = arith.constant 16 : i32
        %mul3A_421 = arith.muli %scan3A_419, %mul3A_420 : i32
        %get3A_422 = arith.index_cast %mul3A_421 : i32 to index
        %get3A_423 = tpu.vector_load %arg9[%get3A_422] {strides = array<i32>} : memref<20480xi32, #tpu.memory_space<vmem>>, vector<16xi32>,
        %shift_right_logical3A_424 = arith.constant 20 : i32
        %shift_right_logical3A_425 = vector.broadcast %shift_right_logical3A_424 : i32 to vector<16xi32>
        %shift_right_logical3A_426 = arith.shrui %get3A_423, %shift_right_logical3A_425 : vector<16xi32>
        %and3A_427 = arith.constant 1023 : i32
        %and3A_428 = vector.broadcast %and3A_427 : i32 to vector<16xi32>
        %and3A_429 = arith.andi %shift_right_logical3A_426, %and3A_428 : vector<16xi32>
        %broadcast_in_dim3A_430 = arith.constant true
        %broadcast_in_dim3A_431 = vector.broadcast %broadcast_in_dim3A_430 : i1 to vector<16xi1>
        %unique3A_432, %unique3A_433 = tpu.scan_count mask(%broadcast_in_dim3A_431 : vector<16xi1>) value(%and3A_429 : vector<16xi32>) : vector<16xi1>, vector<16xi32>
        tpu.vector_store_idx %arg11[%and3A_429], %unique3A_433 masked %unique3A_432 {add = true} : memref<1024xi32, #tpu.memory_space<vmem>>[vector<16xi32>], vector<16xi32>, vector<16xi1>
        %scan3A_434 = arith.constant 0 : i32
        %scan3A_435 = arith.constant 3 : i32
        %scan3A_436 = arith.addi %scan3A_387, %scan3A_435 : i32
        %mul3A_437 = arith.constant 16 : i32
        %mul3A_438 = arith.muli %scan3A_436, %mul3A_437 : i32
        %get3A_439 = arith.index_cast %mul3A_438 : i32 to index
        %get3A_440 = tpu.vector_load %arg9[%get3A_439] {strides = array<i32>} : memref<20480xi32, #tpu.memory_space<vmem>>, vector<16xi32>,
        %shift_right_logical3A_441 = arith.constant 20 : i32
        %shift_right_logical3A_442 = vector.broadcast %shift_right_logical3A_441 : i32 to vector<16xi32>
        %shift_right_logical3A_443 = arith.shrui %get3A_440, %shift_right_logical3A_442 : vector<16xi32>
        %and3A_444 = arith.constant 1023 : i32
        %and3A_445 = vector.broadcast %and3A_444 : i32 to vector<16xi32>
        %and3A_446 = arith.andi %shift_right_logical3A_443, %and3A_445 : vector<16xi32>
        %broadcast_in_dim3A_447 = arith.constant true
        %broadcast_in_dim3A_448 = vector.broadcast %broadcast_in_dim3A_447 : i1 to vector<16xi1>
        %unique3A_449, %unique3A_450 = tpu.scan_count mask(%broadcast_in_dim3A_448 : vector<16xi1>) value(%and3A_446 : vector<16xi32>) : vector<16xi1>, vector<16xi32>
        tpu.vector_store_idx %arg11[%and3A_446], %unique3A_450 masked %unique3A_449 {add = true} : memref<1024xi32, #tpu.memory_space<vmem>>[vector<16xi32>], vector<16xi32>, vector<16xi1>
        %scan3A_451 = arith.constant 0 : i32
        scf.yield %scan3A_451 : i32
      }
      %scan3A_176 = arith.constant 384 : i32
      %while3A_177 = arith.constant 384 : i32
      %while3A_178 = arith.constant 0 : i32
      %while3A_179 = arith.subi %select_n3A, %while3A_177 : i32
      %while3A_180 = arith.addi %while3A_177, %while3A_179 : i32
      %while3A_181 = arith.constant 1 : i32
      %while3A_182 = arith.divsi %while3A_179, %while3A_181 : i32
      %while3A_183 = arith.muli %while3A_182, %while3A_181 : i32
      %while3A_184 = arith.addi %while3A_177, %while3A_183 : i32
      %while3A_185 = arith.constant 1 : i32
      %while3A_186 = scf.for %while3A_387 = %while3A_177 to %while3A_184 step %while3A_185 iter_args(%while3A_388 = %while3A_178) -> (i32)  : i32 {
        %mul3A_389 = arith.constant 16 : i32
        %mul3A_390 = arith.muli %while3A_387, %mul3A_389 : i32
        %get3A = arith.index_cast %mul3A_390 : i32 to index
        %get3A_391 = tpu.vector_load %arg9[%get3A] {strides = array<i32>} : memref<20480xi32, #tpu.memory_space<vmem>>, vector<16xi32>,
        %shift_right_logical3A = arith.constant 20 : i32
        %shift_right_logical3A_392 = vector.broadcast %shift_right_logical3A : i32 to vector<16xi32>
        %shift_right_logical3A_393 = arith.shrui %get3A_391, %shift_right_logical3A_392 : vector<16xi32>
        %and3A_394 = arith.constant 1023 : i32
        %and3A_395 = vector.broadcast %and3A_394 : i32 to vector<16xi32>
        %and3A_396 = arith.andi %shift_right_logical3A_393, %and3A_395 : vector<16xi32>
        %broadcast_in_dim3A_397 = arith.constant true
        %broadcast_in_dim3A_398 = vector.broadcast %broadcast_in_dim3A_397 : i1 to vector<16xi1>
        %unique3A, %unique3A_399 = tpu.scan_count mask(%broadcast_in_dim3A_398 : vector<16xi1>) value(%and3A_396 : vector<16xi32>) : vector<16xi1>, vector<16xi32>
        tpu.vector_store_idx %arg11[%and3A_396], %unique3A_399 masked %unique3A {add = true} : memref<1024xi32, #tpu.memory_space<vmem>>[vector<16xi32>], vector<16xi32>, vector<16xi1>
        %while3A_400 = arith.constant 0 : i32
        scf.yield %while3A_400 : i32
      }
      %while3A_187 = arith.constant 1 : i32
      %while3A_188 = scf.for %while3A_387 = %while3A_184 to %while3A_180 step %while3A_187 iter_args(%while3A_388 = %while3A_186) -> (i32)  : i32 {
        %mul3A_389 = arith.constant 16 : i32
        %mul3A_390 = arith.muli %while3A_387, %mul3A_389 : i32
        %get3A = arith.index_cast %mul3A_390 : i32 to index
        %get3A_391 = tpu.vector_load %arg9[%get3A] {strides = array<i32>} : memref<20480xi32, #tpu.memory_space<vmem>>, vector<16xi32>,
        %shift_right_logical3A = arith.constant 20 : i32
        %shift_right_logical3A_392 = vector.broadcast %shift_right_logical3A : i32 to vector<16xi32>
        %shift_right_logical3A_393 = arith.shrui %get3A_391, %shift_right_logical3A_392 : vector<16xi32>
        %and3A_394 = arith.constant 1023 : i32
        %and3A_395 = vector.broadcast %and3A_394 : i32 to vector<16xi32>
        %and3A_396 = arith.andi %shift_right_logical3A_393, %and3A_395 : vector<16xi32>
        %broadcast_in_dim3A_397 = arith.constant true
        %broadcast_in_dim3A_398 = vector.broadcast %broadcast_in_dim3A_397 : i1 to vector<16xi1>
        %unique3A, %unique3A_399 = tpu.scan_count mask(%broadcast_in_dim3A_398 : vector<16xi1>) value(%and3A_396 : vector<16xi32>) : vector<16xi1>, vector<16xi32>
        tpu.vector_store_idx %arg11[%and3A_396], %unique3A_399 masked %unique3A {add = true} : memref<1024xi32, #tpu.memory_space<vmem>>[vector<16xi32>], vector<16xi32>, vector<16xi1>
        %while3A_400 = arith.constant 0 : i32
        scf.yield %while3A_400 : i32
      }
      %scan3A_189 = arith.constant 0 : i32
      %scan3A_190 = arith.constant 0 : i32
      %scan3A_191 = arith.constant 64 : i32
      %scan3A_192 = arith.addi %scan3A_190, %scan3A_191 : i32
      %scan3A_193 = arith.constant 1 : i32
      %scan3A_194 = scf.for %scan3A_387 = %scan3A_190 to %scan3A_192 step %scan3A_193 iter_args(%scan3A_388 = %scan3A_189) -> (i32)  : i32 {
        %mul3A_389 = arith.constant 16 : i32
        %mul3A_390 = arith.muli %scan3A_387, %mul3A_389 : i32
        %get3A = arith.index_cast %mul3A_390 : i32 to index
        %get3A_391 = tpu.vector_load %arg11[%get3A] {strides = array<i32>} : memref<1024xi32, #tpu.memory_space<vmem>>, vector<16xi32>,
        %broadcast_in_dim3A_392 = arith.constant true
        %broadcast_in_dim3A_393 = vector.broadcast %broadcast_in_dim3A_392 : i1 to vector<16xi1>
        %masked_cumsum3A = tpu.scan <sum>, %get3A_391 masked %broadcast_in_dim3A_393 : vector<16xi32>, vector<16xi1> -> vector<16xi32>
        %sub3A_394 = arith.subi %masked_cumsum3A, %get3A_391 : vector<16xi32>
        %add3A_395 = vector.broadcast %scan3A_388 : i32 to vector<16xi32>
        %add3A_396 = arith.addi %sub3A_394, %add3A_395 : vector<16xi32>
        %mul3A_397 = arith.constant 16 : i32
        %mul3A_398 = arith.muli %scan3A_387, %mul3A_397 : i32
        %swap3A = arith.index_cast %mul3A_398 : i32 to index
        %swap3A_399 = tpu.vector_load %arg12[%swap3A] {strides = array<i32>} : memref<1024xi32, #tpu.memory_space<vmem>>, vector<16xi32>,
        tpu.vector_store %arg12[%swap3A], %add3A_396 {strides = array<i32>} : memref<1024xi32, #tpu.memory_space<vmem>>, vector<16xi32>,
        %reduce_sum3A = arith.constant true
        %reduce_sum3A_400 = vector.broadcast %reduce_sum3A : i1 to vector<16xi1>
        %reduce_sum3A_401 = tpu.scan <sum>, %get3A_391 masked %reduce_sum3A_400 : vector<16xi32>, vector<16xi1> -> vector<16xi32>
        %reduce_sum3A_402 = vector.extract %reduce_sum3A_401[15] : i32 from vector<16xi32>
        %add3A_403 = arith.addi %scan3A_388, %reduce_sum3A_402 : i32
        scf.yield %add3A_403 : i32
      }
      %scan3A_195 = arith.constant 64 : i32
      %scan3A_196 = arith.constant 0 : i32
      %scan3A_197 = arith.constant 0 : i32
      %scan3A_198 = arith.constant 384 : i32
      %scan3A_199 = arith.addi %scan3A_197, %scan3A_198 : i32
      %scan3A_200 = arith.constant 4 : i32
      %scan3A_201 = scf.for %scan3A_387 = %scan3A_197 to %scan3A_199 step %scan3A_200 iter_args(%scan3A_388 = %scan3A_196) -> (i32)  : i32 {
        %mul3A_389 = arith.constant 16 : i32
        %mul3A_390 = arith.muli %scan3A_387, %mul3A_389 : i32
        %get3A = arith.index_cast %mul3A_390 : i32 to index
        %get3A_391 = tpu.vector_load %arg9[%get3A] {strides = array<i32>} : memref<20480xi32, #tpu.memory_space<vmem>>, vector<16xi32>,
        %get3A_392 = arith.index_cast %mul3A_390 : i32 to index
        %get3A_393 = tpu.vector_load %arg10[%get3A_392] {strides = array<i32>} : memref<20480xi32, #tpu.memory_space<vmem>>, vector<16xi32>,
        %shift_right_logical3A = arith.constant 20 : i32
        %shift_right_logical3A_394 = vector.broadcast %shift_right_logical3A : i32 to vector<16xi32>
        %shift_right_logical3A_395 = arith.shrui %get3A_391, %shift_right_logical3A_394 : vector<16xi32>
        %and3A_396 = arith.constant 1023 : i32
        %and3A_397 = vector.broadcast %and3A_396 : i32 to vector<16xi32>
        %and3A_398 = arith.andi %shift_right_logical3A_395, %and3A_397 : vector<16xi32>
        %broadcast_in_dim3A_399 = arith.constant true
        %broadcast_in_dim3A_400 = vector.broadcast %broadcast_in_dim3A_399 : i1 to vector<16xi1>
        %unique3A, %unique3A_401 = tpu.scan_count mask(%broadcast_in_dim3A_400 : vector<16xi1>) value(%and3A_398 : vector<16xi32>) : vector<16xi1>, vector<16xi32>
        %gather3A = tpu.vector_load_idx %arg12[%and3A_398] : memref<1024xi32, #tpu.memory_space<vmem>>[vector<16xi32>], vector<16xi32>,
        %add3A_402 = arith.addi %gather3A, %unique3A_401 : vector<16xi32>
        %sub3A_403 = arith.constant 1 : i32
        %sub3A_404 = vector.broadcast %sub3A_403 : i32 to vector<16xi32>
        %sub3A_405 = arith.subi %add3A_402, %sub3A_404 : vector<16xi32>
        tpu.vector_store_idx %arg7[%sub3A_405], %get3A_391 : memref<20480xi32, #tpu.memory_space<vmem>>[vector<16xi32>], vector<16xi32>,
        tpu.vector_store_idx %arg8[%sub3A_405], %get3A_393 : memref<20480xi32, #tpu.memory_space<vmem>>[vector<16xi32>], vector<16xi32>,
        tpu.vector_store_idx %arg12[%and3A_398], %unique3A_401 masked %unique3A {add = true} : memref<1024xi32, #tpu.memory_space<vmem>>[vector<16xi32>], vector<16xi32>, vector<16xi1>
        %scan3A_406 = arith.constant 0 : i32
        %scan3A_407 = arith.constant 1 : i32
        %scan3A_408 = arith.addi %scan3A_387, %scan3A_407 : i32
        %mul3A_409 = arith.constant 16 : i32
        %mul3A_410 = arith.muli %scan3A_408, %mul3A_409 : i32
        %get3A_411 = arith.index_cast %mul3A_410 : i32 to index
        %get3A_412 = tpu.vector_load %arg9[%get3A_411] {strides = array<i32>} : memref<20480xi32, #tpu.memory_space<vmem>>, vector<16xi32>,
        %get3A_413 = arith.index_cast %mul3A_410 : i32 to index
        %get3A_414 = tpu.vector_load %arg10[%get3A_413] {strides = array<i32>} : memref<20480xi32, #tpu.memory_space<vmem>>, vector<16xi32>,
        %shift_right_logical3A_415 = arith.constant 20 : i32
        %shift_right_logical3A_416 = vector.broadcast %shift_right_logical3A_415 : i32 to vector<16xi32>
        %shift_right_logical3A_417 = arith.shrui %get3A_412, %shift_right_logical3A_416 : vector<16xi32>
        %and3A_418 = arith.constant 1023 : i32
        %and3A_419 = vector.broadcast %and3A_418 : i32 to vector<16xi32>
        %and3A_420 = arith.andi %shift_right_logical3A_417, %and3A_419 : vector<16xi32>
        %broadcast_in_dim3A_421 = arith.constant true
        %broadcast_in_dim3A_422 = vector.broadcast %broadcast_in_dim3A_421 : i1 to vector<16xi1>
        %unique3A_423, %unique3A_424 = tpu.scan_count mask(%broadcast_in_dim3A_422 : vector<16xi1>) value(%and3A_420 : vector<16xi32>) : vector<16xi1>, vector<16xi32>
        %gather3A_425 = tpu.vector_load_idx %arg12[%and3A_420] : memref<1024xi32, #tpu.memory_space<vmem>>[vector<16xi32>], vector<16xi32>,
        %add3A_426 = arith.addi %gather3A_425, %unique3A_424 : vector<16xi32>
        %sub3A_427 = arith.constant 1 : i32
        %sub3A_428 = vector.broadcast %sub3A_427 : i32 to vector<16xi32>
        %sub3A_429 = arith.subi %add3A_426, %sub3A_428 : vector<16xi32>
        tpu.vector_store_idx %arg7[%sub3A_429], %get3A_412 : memref<20480xi32, #tpu.memory_space<vmem>>[vector<16xi32>], vector<16xi32>,
        tpu.vector_store_idx %arg8[%sub3A_429], %get3A_414 : memref<20480xi32, #tpu.memory_space<vmem>>[vector<16xi32>], vector<16xi32>,
        tpu.vector_store_idx %arg12[%and3A_420], %unique3A_424 masked %unique3A_423 {add = true} : memref<1024xi32, #tpu.memory_space<vmem>>[vector<16xi32>], vector<16xi32>, vector<16xi1>
        %scan3A_430 = arith.constant 0 : i32
        %scan3A_431 = arith.constant 2 : i32
        %scan3A_432 = arith.addi %scan3A_387, %scan3A_431 : i32
        %mul3A_433 = arith.constant 16 : i32
        %mul3A_434 = arith.muli %scan3A_432, %mul3A_433 : i32
        %get3A_435 = arith.index_cast %mul3A_434 : i32 to index
        %get3A_436 = tpu.vector_load %arg9[%get3A_435] {strides = array<i32>} : memref<20480xi32, #tpu.memory_space<vmem>>, vector<16xi32>,
        %get3A_437 = arith.index_cast %mul3A_434 : i32 to index
        %get3A_438 = tpu.vector_load %arg10[%get3A_437] {strides = array<i32>} : memref<20480xi32, #tpu.memory_space<vmem>>, vector<16xi32>,
        %shift_right_logical3A_439 = arith.constant 20 : i32
        %shift_right_logical3A_440 = vector.broadcast %shift_right_logical3A_439 : i32 to vector<16xi32>
        %shift_right_logical3A_441 = arith.shrui %get3A_436, %shift_right_logical3A_440 : vector<16xi32>
        %and3A_442 = arith.constant 1023 : i32
        %and3A_443 = vector.broadcast %and3A_442 : i32 to vector<16xi32>
        %and3A_444 = arith.andi %shift_right_logical3A_441, %and3A_443 : vector<16xi32>
        %broadcast_in_dim3A_445 = arith.constant true
        %broadcast_in_dim3A_446 = vector.broadcast %broadcast_in_dim3A_445 : i1 to vector<16xi1>
        %unique3A_447, %unique3A_448 = tpu.scan_count mask(%broadcast_in_dim3A_446 : vector<16xi1>) value(%and3A_444 : vector<16xi32>) : vector<16xi1>, vector<16xi32>
        %gather3A_449 = tpu.vector_load_idx %arg12[%and3A_444] : memref<1024xi32, #tpu.memory_space<vmem>>[vector<16xi32>], vector<16xi32>,
        %add3A_450 = arith.addi %gather3A_449, %unique3A_448 : vector<16xi32>
        %sub3A_451 = arith.constant 1 : i32
        %sub3A_452 = vector.broadcast %sub3A_451 : i32 to vector<16xi32>
        %sub3A_453 = arith.subi %add3A_450, %sub3A_452 : vector<16xi32>
        tpu.vector_store_idx %arg7[%sub3A_453], %get3A_436 : memref<20480xi32, #tpu.memory_space<vmem>>[vector<16xi32>], vector<16xi32>,
        tpu.vector_store_idx %arg8[%sub3A_453], %get3A_438 : memref<20480xi32, #tpu.memory_space<vmem>>[vector<16xi32>], vector<16xi32>,
        tpu.vector_store_idx %arg12[%and3A_444], %unique3A_448 masked %unique3A_447 {add = true} : memref<1024xi32, #tpu.memory_space<vmem>>[vector<16xi32>], vector<16xi32>, vector<16xi1>
        %scan3A_454 = arith.constant 0 : i32
        %scan3A_455 = arith.constant 3 : i32
        %scan3A_456 = arith.addi %scan3A_387, %scan3A_455 : i32
        %mul3A_457 = arith.constant 16 : i32
        %mul3A_458 = arith.muli %scan3A_456, %mul3A_457 : i32
        %get3A_459 = arith.index_cast %mul3A_458 : i32 to index
        %get3A_460 = tpu.vector_load %arg9[%get3A_459] {strides = array<i32>} : memref<20480xi32, #tpu.memory_space<vmem>>, vector<16xi32>,
        %get3A_461 = arith.index_cast %mul3A_458 : i32 to index
        %get3A_462 = tpu.vector_load %arg10[%get3A_461] {strides = array<i32>} : memref<20480xi32, #tpu.memory_space<vmem>>, vector<16xi32>,
        %shift_right_logical3A_463 = arith.constant 20 : i32
        %shift_right_logical3A_464 = vector.broadcast %shift_right_logical3A_463 : i32 to vector<16xi32>
        %shift_right_logical3A_465 = arith.shrui %get3A_460, %shift_right_logical3A_464 : vector<16xi32>
        %and3A_466 = arith.constant 1023 : i32
        %and3A_467 = vector.broadcast %and3A_466 : i32 to vector<16xi32>
        %and3A_468 = arith.andi %shift_right_logical3A_465, %and3A_467 : vector<16xi32>
        %broadcast_in_dim3A_469 = arith.constant true
        %broadcast_in_dim3A_470 = vector.broadcast %broadcast_in_dim3A_469 : i1 to vector<16xi1>
        %unique3A_471, %unique3A_472 = tpu.scan_count mask(%broadcast_in_dim3A_470 : vector<16xi1>) value(%and3A_468 : vector<16xi32>) : vector<16xi1>, vector<16xi32>
        %gather3A_473 = tpu.vector_load_idx %arg12[%and3A_468] : memref<1024xi32, #tpu.memory_space<vmem>>[vector<16xi32>], vector<16xi32>,
        %add3A_474 = arith.addi %gather3A_473, %unique3A_472 : vector<16xi32>
        %sub3A_475 = arith.constant 1 : i32
        %sub3A_476 = vector.broadcast %sub3A_475 : i32 to vector<16xi32>
        %sub3A_477 = arith.subi %add3A_474, %sub3A_476 : vector<16xi32>
        tpu.vector_store_idx %arg7[%sub3A_477], %get3A_460 : memref<20480xi32, #tpu.memory_space<vmem>>[vector<16xi32>], vector<16xi32>,
        tpu.vector_store_idx %arg8[%sub3A_477], %get3A_462 : memref<20480xi32, #tpu.memory_space<vmem>>[vector<16xi32>], vector<16xi32>,
        tpu.vector_store_idx %arg12[%and3A_468], %unique3A_472 masked %unique3A_471 {add = true} : memref<1024xi32, #tpu.memory_space<vmem>>[vector<16xi32>], vector<16xi32>, vector<16xi1>
        %scan3A_478 = arith.constant 0 : i32
        scf.yield %scan3A_478 : i32
      }
      %scan3A_202 = arith.constant 384 : i32
      %while3A_203 = arith.constant 384 : i32
      %while3A_204 = arith.constant 0 : i32
      %while3A_205 = arith.subi %select_n3A, %while3A_203 : i32
      %while3A_206 = arith.addi %while3A_203, %while3A_205 : i32
      %while3A_207 = arith.constant 1 : i32
      %while3A_208 = arith.divsi %while3A_205, %while3A_207 : i32
      %while3A_209 = arith.muli %while3A_208, %while3A_207 : i32
      %while3A_210 = arith.addi %while3A_203, %while3A_209 : i32
      %while3A_211 = arith.constant 1 : i32
      %while3A_212 = scf.for %while3A_387 = %while3A_203 to %while3A_210 step %while3A_211 iter_args(%while3A_388 = %while3A_204) -> (i32)  : i32 {
        %mul3A_389 = arith.constant 16 : i32
        %mul3A_390 = arith.muli %while3A_387, %mul3A_389 : i32
        %get3A = arith.index_cast %mul3A_390 : i32 to index
        %get3A_391 = tpu.vector_load %arg9[%get3A] {strides = array<i32>} : memref<20480xi32, #tpu.memory_space<vmem>>, vector<16xi32>,
        %get3A_392 = arith.index_cast %mul3A_390 : i32 to index
        %get3A_393 = tpu.vector_load %arg10[%get3A_392] {strides = array<i32>} : memref<20480xi32, #tpu.memory_space<vmem>>, vector<16xi32>,
        %shift_right_logical3A = arith.constant 20 : i32
        %shift_right_logical3A_394 = vector.broadcast %shift_right_logical3A : i32 to vector<16xi32>
        %shift_right_logical3A_395 = arith.shrui %get3A_391, %shift_right_logical3A_394 : vector<16xi32>
        %and3A_396 = arith.constant 1023 : i32
        %and3A_397 = vector.broadcast %and3A_396 : i32 to vector<16xi32>
        %and3A_398 = arith.andi %shift_right_logical3A_395, %and3A_397 : vector<16xi32>
        %broadcast_in_dim3A_399 = arith.constant true
        %broadcast_in_dim3A_400 = vector.broadcast %broadcast_in_dim3A_399 : i1 to vector<16xi1>
        %unique3A, %unique3A_401 = tpu.scan_count mask(%broadcast_in_dim3A_400 : vector<16xi1>) value(%and3A_398 : vector<16xi32>) : vector<16xi1>, vector<16xi32>
        %gather3A = tpu.vector_load_idx %arg12[%and3A_398] : memref<1024xi32, #tpu.memory_space<vmem>>[vector<16xi32>], vector<16xi32>,
        %add3A_402 = arith.addi %gather3A, %unique3A_401 : vector<16xi32>
        %sub3A_403 = arith.constant 1 : i32
        %sub3A_404 = vector.broadcast %sub3A_403 : i32 to vector<16xi32>
        %sub3A_405 = arith.subi %add3A_402, %sub3A_404 : vector<16xi32>
        tpu.vector_store_idx %arg7[%sub3A_405], %get3A_391 : memref<20480xi32, #tpu.memory_space<vmem>>[vector<16xi32>], vector<16xi32>,
        tpu.vector_store_idx %arg8[%sub3A_405], %get3A_393 : memref<20480xi32, #tpu.memory_space<vmem>>[vector<16xi32>], vector<16xi32>,
        tpu.vector_store_idx %arg12[%and3A_398], %unique3A_401 masked %unique3A {add = true} : memref<1024xi32, #tpu.memory_space<vmem>>[vector<16xi32>], vector<16xi32>, vector<16xi1>
        %while3A_406 = arith.constant 0 : i32
        scf.yield %while3A_406 : i32
      }
      %while3A_213 = arith.constant 1 : i32
      %while3A_214 = scf.for %while3A_387 = %while3A_210 to %while3A_206 step %while3A_213 iter_args(%while3A_388 = %while3A_212) -> (i32)  : i32 {
        %mul3A_389 = arith.constant 16 : i32
        %mul3A_390 = arith.muli %while3A_387, %mul3A_389 : i32
        %get3A = arith.index_cast %mul3A_390 : i32 to index
        %get3A_391 = tpu.vector_load %arg9[%get3A] {strides = array<i32>} : memref<20480xi32, #tpu.memory_space<vmem>>, vector<16xi32>,
        %get3A_392 = arith.index_cast %mul3A_390 : i32 to index
        %get3A_393 = tpu.vector_load %arg10[%get3A_392] {strides = array<i32>} : memref<20480xi32, #tpu.memory_space<vmem>>, vector<16xi32>,
        %shift_right_logical3A = arith.constant 20 : i32
        %shift_right_logical3A_394 = vector.broadcast %shift_right_logical3A : i32 to vector<16xi32>
        %shift_right_logical3A_395 = arith.shrui %get3A_391, %shift_right_logical3A_394 : vector<16xi32>
        %and3A_396 = arith.constant 1023 : i32
        %and3A_397 = vector.broadcast %and3A_396 : i32 to vector<16xi32>
        %and3A_398 = arith.andi %shift_right_logical3A_395, %and3A_397 : vector<16xi32>
        %broadcast_in_dim3A_399 = arith.constant true
        %broadcast_in_dim3A_400 = vector.broadcast %broadcast_in_dim3A_399 : i1 to vector<16xi1>
        %unique3A, %unique3A_401 = tpu.scan_count mask(%broadcast_in_dim3A_400 : vector<16xi1>) value(%and3A_398 : vector<16xi32>) : vector<16xi1>, vector<16xi32>
        %gather3A = tpu.vector_load_idx %arg12[%and3A_398] : memref<1024xi32, #tpu.memory_space<vmem>>[vector<16xi32>], vector<16xi32>,
        %add3A_402 = arith.addi %gather3A, %unique3A_401 : vector<16xi32>
        %sub3A_403 = arith.constant 1 : i32
        %sub3A_404 = vector.broadcast %sub3A_403 : i32 to vector<16xi32>
        %sub3A_405 = arith.subi %add3A_402, %sub3A_404 : vector<16xi32>
        tpu.vector_store_idx %arg7[%sub3A_405], %get3A_391 : memref<20480xi32, #tpu.memory_space<vmem>>[vector<16xi32>], vector<16xi32>,
        tpu.vector_store_idx %arg8[%sub3A_405], %get3A_393 : memref<20480xi32, #tpu.memory_space<vmem>>[vector<16xi32>], vector<16xi32>,
        tpu.vector_store_idx %arg12[%and3A_398], %unique3A_401 masked %unique3A {add = true} : memref<1024xi32, #tpu.memory_space<vmem>>[vector<16xi32>], vector<16xi32>, vector<16xi1>
        %while3A_406 = arith.constant 0 : i32
        scf.yield %while3A_406 : i32
      }
      %scan3A_215 = arith.constant 0 : i32
      %scan3A_216 = arith.constant 0 : i32
      %scan3A_217 = arith.constant 384 : i32
      %scan3A_218 = arith.addi %scan3A_216, %scan3A_217 : i32
      %scan3A_219 = arith.constant 8 : i32
      %scan3A_220 = scf.for %scan3A_387 = %scan3A_216 to %scan3A_218 step %scan3A_219 iter_args(%scan3A_388 = %scan3A_215) -> (i32)  : i32 {
        %mul3A_389 = arith.constant 16 : i32
        %mul3A_390 = arith.muli %scan3A_387, %mul3A_389 : i32
        %get3A = arith.index_cast %mul3A_390 : i32 to index
        %get3A_391 = tpu.vector_load %arg8[%get3A] {strides = array<i32>} : memref<20480xi32, #tpu.memory_space<vmem>>, vector<16xi32>,
        %swap3A = arith.index_cast %mul3A_390 : i32 to index
        %swap3A_392 = tpu.vector_load %arg13[%swap3A] {strides = array<i32>} : memref<6144xi32, #tpu.memory_space<vmem>>, vector<16xi32>,
        tpu.vector_store %arg13[%swap3A], %get3A_391 {strides = array<i32>} : memref<6144xi32, #tpu.memory_space<vmem>>, vector<16xi32>,
        %scan3A_393 = arith.constant 0 : i32
        %scan3A_394 = arith.constant 1 : i32
        %scan3A_395 = arith.addi %scan3A_387, %scan3A_394 : i32
        %mul3A_396 = arith.constant 16 : i32
        %mul3A_397 = arith.muli %scan3A_395, %mul3A_396 : i32
        %get3A_398 = arith.index_cast %mul3A_397 : i32 to index
        %get3A_399 = tpu.vector_load %arg8[%get3A_398] {strides = array<i32>} : memref<20480xi32, #tpu.memory_space<vmem>>, vector<16xi32>,
        %swap3A_400 = arith.index_cast %mul3A_397 : i32 to index
        %swap3A_401 = tpu.vector_load %arg13[%swap3A_400] {strides = array<i32>} : memref<6144xi32, #tpu.memory_space<vmem>>, vector<16xi32>,
        tpu.vector_store %arg13[%swap3A_400], %get3A_399 {strides = array<i32>} : memref<6144xi32, #tpu.memory_space<vmem>>, vector<16xi32>,
        %scan3A_402 = arith.constant 0 : i32
        %scan3A_403 = arith.constant 2 : i32
        %scan3A_404 = arith.addi %scan3A_387, %scan3A_403 : i32
        %mul3A_405 = arith.constant 16 : i32
        %mul3A_406 = arith.muli %scan3A_404, %mul3A_405 : i32
        %get3A_407 = arith.index_cast %mul3A_406 : i32 to index
        %get3A_408 = tpu.vector_load %arg8[%get3A_407] {strides = array<i32>} : memref<20480xi32, #tpu.memory_space<vmem>>, vector<16xi32>,
        %swap3A_409 = arith.index_cast %mul3A_406 : i32 to index
        %swap3A_410 = tpu.vector_load %arg13[%swap3A_409] {strides = array<i32>} : memref<6144xi32, #tpu.memory_space<vmem>>, vector<16xi32>,
        tpu.vector_store %arg13[%swap3A_409], %get3A_408 {strides = array<i32>} : memref<6144xi32, #tpu.memory_space<vmem>>, vector<16xi32>,
        %scan3A_411 = arith.constant 0 : i32
        %scan3A_412 = arith.constant 3 : i32
        %scan3A_413 = arith.addi %scan3A_387, %scan3A_412 : i32
        %mul3A_414 = arith.constant 16 : i32
        %mul3A_415 = arith.muli %scan3A_413, %mul3A_414 : i32
        %get3A_416 = arith.index_cast %mul3A_415 : i32 to index
        %get3A_417 = tpu.vector_load %arg8[%get3A_416] {strides = array<i32>} : memref<20480xi32, #tpu.memory_space<vmem>>, vector<16xi32>,
        %swap3A_418 = arith.index_cast %mul3A_415 : i32 to index
        %swap3A_419 = tpu.vector_load %arg13[%swap3A_418] {strides = array<i32>} : memref<6144xi32, #tpu.memory_space<vmem>>, vector<16xi32>,
        tpu.vector_store %arg13[%swap3A_418], %get3A_417 {strides = array<i32>} : memref<6144xi32, #tpu.memory_space<vmem>>, vector<16xi32>,
        %scan3A_420 = arith.constant 0 : i32
        %scan3A_421 = arith.constant 4 : i32
        %scan3A_422 = arith.addi %scan3A_387, %scan3A_421 : i32
        %mul3A_423 = arith.constant 16 : i32
        %mul3A_424 = arith.muli %scan3A_422, %mul3A_423 : i32
        %get3A_425 = arith.index_cast %mul3A_424 : i32 to index
        %get3A_426 = tpu.vector_load %arg8[%get3A_425] {strides = array<i32>} : memref<20480xi32, #tpu.memory_space<vmem>>, vector<16xi32>,
        %swap3A_427 = arith.index_cast %mul3A_424 : i32 to index
        %swap3A_428 = tpu.vector_load %arg13[%swap3A_427] {strides = array<i32>} : memref<6144xi32, #tpu.memory_space<vmem>>, vector<16xi32>,
        tpu.vector_store %arg13[%swap3A_427], %get3A_426 {strides = array<i32>} : memref<6144xi32, #tpu.memory_space<vmem>>, vector<16xi32>,
        %scan3A_429 = arith.constant 0 : i32
        %scan3A_430 = arith.constant 5 : i32
        %scan3A_431 = arith.addi %scan3A_387, %scan3A_430 : i32
        %mul3A_432 = arith.constant 16 : i32
        %mul3A_433 = arith.muli %scan3A_431, %mul3A_432 : i32
        %get3A_434 = arith.index_cast %mul3A_433 : i32 to index
        %get3A_435 = tpu.vector_load %arg8[%get3A_434] {strides = array<i32>} : memref<20480xi32, #tpu.memory_space<vmem>>, vector<16xi32>,
        %swap3A_436 = arith.index_cast %mul3A_433 : i32 to index
        %swap3A_437 = tpu.vector_load %arg13[%swap3A_436] {strides = array<i32>} : memref<6144xi32, #tpu.memory_space<vmem>>, vector<16xi32>,
        tpu.vector_store %arg13[%swap3A_436], %get3A_435 {strides = array<i32>} : memref<6144xi32, #tpu.memory_space<vmem>>, vector<16xi32>,
        %scan3A_438 = arith.constant 0 : i32
        %scan3A_439 = arith.constant 6 : i32
        %scan3A_440 = arith.addi %scan3A_387, %scan3A_439 : i32
        %mul3A_441 = arith.constant 16 : i32
        %mul3A_442 = arith.muli %scan3A_440, %mul3A_441 : i32
        %get3A_443 = arith.index_cast %mul3A_442 : i32 to index
        %get3A_444 = tpu.vector_load %arg8[%get3A_443] {strides = array<i32>} : memref<20480xi32, #tpu.memory_space<vmem>>, vector<16xi32>,
        %swap3A_445 = arith.index_cast %mul3A_442 : i32 to index
        %swap3A_446 = tpu.vector_load %arg13[%swap3A_445] {strides = array<i32>} : memref<6144xi32, #tpu.memory_space<vmem>>, vector<16xi32>,
        tpu.vector_store %arg13[%swap3A_445], %get3A_444 {strides = array<i32>} : memref<6144xi32, #tpu.memory_space<vmem>>, vector<16xi32>,
        %scan3A_447 = arith.constant 0 : i32
        %scan3A_448 = arith.constant 7 : i32
        %scan3A_449 = arith.addi %scan3A_387, %scan3A_448 : i32
        %mul3A_450 = arith.constant 16 : i32
        %mul3A_451 = arith.muli %scan3A_449, %mul3A_450 : i32
        %get3A_452 = arith.index_cast %mul3A_451 : i32 to index
        %get3A_453 = tpu.vector_load %arg8[%get3A_452] {strides = array<i32>} : memref<20480xi32, #tpu.memory_space<vmem>>, vector<16xi32>,
        %swap3A_454 = arith.index_cast %mul3A_451 : i32 to index
        %swap3A_455 = tpu.vector_load %arg13[%swap3A_454] {strides = array<i32>} : memref<6144xi32, #tpu.memory_space<vmem>>, vector<16xi32>,
        tpu.vector_store %arg13[%swap3A_454], %get3A_453 {strides = array<i32>} : memref<6144xi32, #tpu.memory_space<vmem>>, vector<16xi32>,
        %scan3A_456 = arith.constant 0 : i32
        scf.yield %scan3A_456 : i32
      }
      %scan3A_221 = arith.constant 384 : i32
      %dma_start3A = arith.constant 0 : i32
      %dma_start3A_222 = arith.constant 0 : i32
      %dma_start3A_223 = arith.constant 0 : i32
      %dma_start3A_224 = tpu.memref_slice %arg3[%arg0, %dma_start3A_222, %dma_start3A_223] : memref<2x4x20000xf32, #tpu.memory_space<hbm>> -> memref<1x4x20000xf32, #tpu.memory_space<hbm>>
      %dma_start3A_225 = tpu.memref_squeeze %dma_start3A_224 : memref<1x4x20000xf32, #tpu.memory_space<hbm>> -> memref<4x20000xf32, #tpu.memory_space<hbm>>
      %dma_start3A_226 = arith.constant 0 : i32
      %dma_start3A_227 = tpu.memref_slice %dma_start3A_225[%dma_start3A, %dma_start3A_226] : memref<4x20000xf32, #tpu.memory_space<hbm>> -> memref<1x20000xf32, #tpu.memory_space<hbm>>
      %dma_start3A_228 = tpu.memref_squeeze %dma_start3A_227 : memref<1x20000xf32, #tpu.memory_space<hbm>> -> memref<20000xf32, #tpu.memory_space<hbm>>
      %dma_start3A_229 = arith.constant 0 : i32
      %dma_start3A_230 = tpu.memref_slice %dma_start3A_228[%dma_start3A_229] : memref<20000xf32, #tpu.memory_space<hbm>> -> memref<20000xf32, #tpu.memory_space<hbm>>
      tpu.enqueue_indirect_dma source(%dma_start3A_230 : memref<20000xf32, #tpu.memory_space<hbm>>) target(%arg14 : memref<6144xf32, #tpu.memory_space<vmem>>) offsets(%arg13 : memref<6144xi32, #tpu.memory_space<vmem>>) semaphore(%arg18 : memref<!tpu.dma_semaphore, #tpu.memory_space<semaphore_mem>>)
      %dma_start3A_231 = arith.constant 1 : i32
      %dma_start3A_232 = arith.constant 0 : i32
      %dma_start3A_233 = arith.constant 0 : i32
      %dma_start3A_234 = tpu.memref_slice %arg3[%arg0, %dma_start3A_232, %dma_start3A_233] : memref<2x4x20000xf32, #tpu.memory_space<hbm>> -> memref<1x4x20000xf32, #tpu.memory_space<hbm>>
      %dma_start3A_235 = tpu.memref_squeeze %dma_start3A_234 : memref<1x4x20000xf32, #tpu.memory_space<hbm>> -> memref<4x20000xf32, #tpu.memory_space<hbm>>
      %dma_start3A_236 = arith.constant 0 : i32
      %dma_start3A_237 = tpu.memref_slice %dma_start3A_235[%dma_start3A_231, %dma_start3A_236] : memref<4x20000xf32, #tpu.memory_space<hbm>> -> memref<1x20000xf32, #tpu.memory_space<hbm>>
      %dma_start3A_238 = tpu.memref_squeeze %dma_start3A_237 : memref<1x20000xf32, #tpu.memory_space<hbm>> -> memref<20000xf32, #tpu.memory_space<hbm>>
      %dma_start3A_239 = arith.constant 0 : i32
      %dma_start3A_240 = tpu.memref_slice %dma_start3A_238[%dma_start3A_239] : memref<20000xf32, #tpu.memory_space<hbm>> -> memref<20000xf32, #tpu.memory_space<hbm>>
      tpu.enqueue_indirect_dma source(%dma_start3A_240 : memref<20000xf32, #tpu.memory_space<hbm>>) target(%arg15 : memref<6144xf32, #tpu.memory_space<vmem>>) offsets(%arg13 : memref<6144xi32, #tpu.memory_space<vmem>>) semaphore(%arg18 : memref<!tpu.dma_semaphore, #tpu.memory_space<semaphore_mem>>)
      %dma_start3A_241 = arith.constant 2 : i32
      %dma_start3A_242 = arith.constant 0 : i32
      %dma_start3A_243 = arith.constant 0 : i32
      %dma_start3A_244 = tpu.memref_slice %arg3[%arg0, %dma_start3A_242, %dma_start3A_243] : memref<2x4x20000xf32, #tpu.memory_space<hbm>> -> memref<1x4x20000xf32, #tpu.memory_space<hbm>>
      %dma_start3A_245 = tpu.memref_squeeze %dma_start3A_244 : memref<1x4x20000xf32, #tpu.memory_space<hbm>> -> memref<4x20000xf32, #tpu.memory_space<hbm>>
      %dma_start3A_246 = arith.constant 0 : i32
      %dma_start3A_247 = tpu.memref_slice %dma_start3A_245[%dma_start3A_241, %dma_start3A_246] : memref<4x20000xf32, #tpu.memory_space<hbm>> -> memref<1x20000xf32, #tpu.memory_space<hbm>>
      %dma_start3A_248 = tpu.memref_squeeze %dma_start3A_247 : memref<1x20000xf32, #tpu.memory_space<hbm>> -> memref<20000xf32, #tpu.memory_space<hbm>>
      %dma_start3A_249 = arith.constant 0 : i32
      %dma_start3A_250 = tpu.memref_slice %dma_start3A_248[%dma_start3A_249] : memref<20000xf32, #tpu.memory_space<hbm>> -> memref<20000xf32, #tpu.memory_space<hbm>>
      tpu.enqueue_indirect_dma source(%dma_start3A_250 : memref<20000xf32, #tpu.memory_space<hbm>>) target(%arg16 : memref<6144xf32, #tpu.memory_space<vmem>>) offsets(%arg13 : memref<6144xi32, #tpu.memory_space<vmem>>) semaphore(%arg18 : memref<!tpu.dma_semaphore, #tpu.memory_space<semaphore_mem>>)
      %dma_start3A_251 = arith.constant 3 : i32
      %dma_start3A_252 = arith.constant 0 : i32
      %dma_start3A_253 = arith.constant 0 : i32
      %dma_start3A_254 = tpu.memref_slice %arg3[%arg0, %dma_start3A_252, %dma_start3A_253] : memref<2x4x20000xf32, #tpu.memory_space<hbm>> -> memref<1x4x20000xf32, #tpu.memory_space<hbm>>
      %dma_start3A_255 = tpu.memref_squeeze %dma_start3A_254 : memref<1x4x20000xf32, #tpu.memory_space<hbm>> -> memref<4x20000xf32, #tpu.memory_space<hbm>>
      %dma_start3A_256 = arith.constant 0 : i32
      %dma_start3A_257 = tpu.memref_slice %dma_start3A_255[%dma_start3A_251, %dma_start3A_256] : memref<4x20000xf32, #tpu.memory_space<hbm>> -> memref<1x20000xf32, #tpu.memory_space<hbm>>
      %dma_start3A_258 = tpu.memref_squeeze %dma_start3A_257 : memref<1x20000xf32, #tpu.memory_space<hbm>> -> memref<20000xf32, #tpu.memory_space<hbm>>
      %dma_start3A_259 = arith.constant 0 : i32
      %dma_start3A_260 = tpu.memref_slice %dma_start3A_258[%dma_start3A_259] : memref<20000xf32, #tpu.memory_space<hbm>> -> memref<20000xf32, #tpu.memory_space<hbm>>
      tpu.enqueue_indirect_dma source(%dma_start3A_260 : memref<20000xf32, #tpu.memory_space<hbm>>) target(%arg17 : memref<6144xf32, #tpu.memory_space<vmem>>) offsets(%arg13 : memref<6144xi32, #tpu.memory_space<vmem>>) semaphore(%arg18 : memref<!tpu.dma_semaphore, #tpu.memory_space<semaphore_mem>>)
      %dma_wait3A = arith.constant 0 : i32
      %dma_wait3A_261 = arith.constant 0 : i32
      %dma_wait3A_262 = arith.constant 0 : i32
      %dma_wait3A_263 = tpu.memref_slice %arg3[%arg0, %dma_wait3A_261, %dma_wait3A_262] : memref<2x4x20000xf32, #tpu.memory_space<hbm>> -> memref<1x4x20000xf32, #tpu.memory_space<hbm>>
      %dma_wait3A_264 = tpu.memref_squeeze %dma_wait3A_263 : memref<1x4x20000xf32, #tpu.memory_space<hbm>> -> memref<4x20000xf32, #tpu.memory_space<hbm>>
      %dma_wait3A_265 = arith.constant 0 : i32
      %dma_wait3A_266 = tpu.memref_slice %dma_wait3A_264[%dma_wait3A, %dma_wait3A_265] : memref<4x20000xf32, #tpu.memory_space<hbm>> -> memref<1x20000xf32, #tpu.memory_space<hbm>>
      %dma_wait3A_267 = tpu.memref_squeeze %dma_wait3A_266 : memref<1x20000xf32, #tpu.memory_space<hbm>> -> memref<20000xf32, #tpu.memory_space<hbm>>
      %dma_wait3A_268 = arith.constant 0 : i32
      %dma_wait3A_269 = tpu.memref_slice %dma_wait3A_267[%dma_wait3A_268] : memref<20000xf32, #tpu.memory_space<hbm>> -> memref<20000xf32, #tpu.memory_space<hbm>>
      tpu.wait_indirect_dma semaphore(%arg18 : memref<!tpu.dma_semaphore, #tpu.memory_space<semaphore_mem>>) src(%dma_wait3A_269 : memref<20000xf32, #tpu.memory_space<hbm>>) dst(%arg14 : memref<6144xf32, #tpu.memory_space<vmem>>)
      %run_scoped3A = arith.constant 0 : i32
      "tpu.region"() ({
        %run_scoped3A_387 = tpu.sem_alloc : memref<!tpu.dma_semaphore, #tpu.memory_space<semaphore_mem>>
        %dma_start3A_388 = arith.constant 0 : i32
        %dma_start3A_389 = arith.constant 0 : i32
        %dma_start3A_390 = tpu.memref_slice %arg5[%arg0, %dma_start3A_388, %dma_start3A_389] : memref<2x4x6144xf32, #tpu.memory_space<hbm>> -> memref<1x4x6144xf32, #tpu.memory_space<hbm>>
        %dma_start3A_391 = tpu.memref_squeeze %dma_start3A_390 : memref<1x4x6144xf32, #tpu.memory_space<hbm>> -> memref<4x6144xf32, #tpu.memory_space<hbm>>
        %dma_start3A_392 = arith.constant 0 : i32
        %dma_start3A_393 = tpu.memref_slice %dma_start3A_391[%run_scoped3A, %dma_start3A_392] : memref<4x6144xf32, #tpu.memory_space<hbm>> -> memref<1x6144xf32, #tpu.memory_space<hbm>>
        %dma_start3A_394 = tpu.memref_squeeze %dma_start3A_393 : memref<1x6144xf32, #tpu.memory_space<hbm>> -> memref<6144xf32, #tpu.memory_space<hbm>>
        %dma_start3A_395 = arith.constant 0 : i32
        %dma_start3A_396 = arith.constant 0 : i32
        %dma_start3A_397 = tpu.memref_slice %arg5[%arg0, %dma_start3A_395, %dma_start3A_396] : memref<2x4x6144xf32, #tpu.memory_space<hbm>> -> memref<1x4x6144xf32, #tpu.memory_space<hbm>>
        %dma_start3A_398 = tpu.memref_squeeze %dma_start3A_397 : memref<1x4x6144xf32, #tpu.memory_space<hbm>> -> memref<4x6144xf32, #tpu.memory_space<hbm>>
        %dma_start3A_399 = arith.constant 0 : i32
        %dma_start3A_400 = tpu.memref_slice %dma_start3A_398[%run_scoped3A, %dma_start3A_399] : memref<4x6144xf32, #tpu.memory_space<hbm>> -> memref<1x6144xf32, #tpu.memory_space<hbm>>
        %dma_start3A_401 = tpu.memref_squeeze %dma_start3A_400 : memref<1x6144xf32, #tpu.memory_space<hbm>> -> memref<6144xf32, #tpu.memory_space<hbm>>
        tpu.enqueue_dma source(%arg14 : memref<6144xf32, #tpu.memory_space<vmem>>) target(%dma_start3A_401 : memref<6144xf32, #tpu.memory_space<hbm>>) target_semaphore(%run_scoped3A_387 : memref<!tpu.dma_semaphore, #tpu.memory_space<semaphore_mem>>)
        %dma_wait3A_402 = arith.constant 0 : i32
        %dma_wait3A_403 = arith.constant 0 : i32
        %dma_wait3A_404 = tpu.memref_slice %arg5[%arg0, %dma_wait3A_402, %dma_wait3A_403] : memref<2x4x6144xf32, #tpu.memory_space<hbm>> -> memref<1x4x6144xf32, #tpu.memory_space<hbm>>
        %dma_wait3A_405 = tpu.memref_squeeze %dma_wait3A_404 : memref<1x4x6144xf32, #tpu.memory_space<hbm>> -> memref<4x6144xf32, #tpu.memory_space<hbm>>
        %dma_wait3A_406 = arith.constant 0 : i32
        %dma_wait3A_407 = tpu.memref_slice %dma_wait3A_405[%run_scoped3A, %dma_wait3A_406] : memref<4x6144xf32, #tpu.memory_space<hbm>> -> memref<1x6144xf32, #tpu.memory_space<hbm>>
        %dma_wait3A_408 = tpu.memref_squeeze %dma_wait3A_407 : memref<1x6144xf32, #tpu.memory_space<hbm>> -> memref<6144xf32, #tpu.memory_space<hbm>>
        %dma_wait3A_409 = arith.constant 0 : i32
        %dma_wait3A_410 = arith.constant 0 : i32
        %dma_wait3A_411 = tpu.memref_slice %arg5[%arg0, %dma_wait3A_409, %dma_wait3A_410] : memref<2x4x6144xf32, #tpu.memory_space<hbm>> -> memref<1x4x6144xf32, #tpu.memory_space<hbm>>
        %dma_wait3A_412 = tpu.memref_squeeze %dma_wait3A_411 : memref<1x4x6144xf32, #tpu.memory_space<hbm>> -> memref<4x6144xf32, #tpu.memory_space<hbm>>
        %dma_wait3A_413 = arith.constant 0 : i32
        %dma_wait3A_414 = tpu.memref_slice %dma_wait3A_412[%run_scoped3A, %dma_wait3A_413] : memref<4x6144xf32, #tpu.memory_space<hbm>> -> memref<1x6144xf32, #tpu.memory_space<hbm>>
        %dma_wait3A_415 = tpu.memref_squeeze %dma_wait3A_414 : memref<1x6144xf32, #tpu.memory_space<hbm>> -> memref<6144xf32, #tpu.memory_space<hbm>>
        tpu.wait_dma2 semaphore(%run_scoped3A_387 : memref<!tpu.dma_semaphore, #tpu.memory_space<semaphore_mem>>) src(%arg14 : memref<6144xf32, #tpu.memory_space<vmem>>) dst(%dma_wait3A_415 : memref<6144xf32, #tpu.memory_space<hbm>>)
        tpu.yield
      }) : () -> ()
      %dma_wait3A_270 = arith.constant 1 : i32
      %dma_wait3A_271 = arith.constant 0 : i32
      %dma_wait3A_272 = arith.constant 0 : i32
      %dma_wait3A_273 = tpu.memref_slice %arg3[%arg0, %dma_wait3A_271, %dma_wait3A_272] : memref<2x4x20000xf32, #tpu.memory_space<hbm>> -> memref<1x4x20000xf32, #tpu.memory_space<hbm>>
      %dma_wait3A_274 = tpu.memref_squeeze %dma_wait3A_273 : memref<1x4x20000xf32, #tpu.memory_space<hbm>> -> memref<4x20000xf32, #tpu.memory_space<hbm>>
      %dma_wait3A_275 = arith.constant 0 : i32
      %dma_wait3A_276 = tpu.memref_slice %dma_wait3A_274[%dma_wait3A_270, %dma_wait3A_275] : memref<4x20000xf32, #tpu.memory_space<hbm>> -> memref<1x20000xf32, #tpu.memory_space<hbm>>
      %dma_wait3A_277 = tpu.memref_squeeze %dma_wait3A_276 : memref<1x20000xf32, #tpu.memory_space<hbm>> -> memref<20000xf32, #tpu.memory_space<hbm>>
      %dma_wait3A_278 = arith.constant 0 : i32
      %dma_wait3A_279 = tpu.memref_slice %dma_wait3A_277[%dma_wait3A_278] : memref<20000xf32, #tpu.memory_space<hbm>> -> memref<20000xf32, #tpu.memory_space<hbm>>
      tpu.wait_indirect_dma semaphore(%arg18 : memref<!tpu.dma_semaphore, #tpu.memory_space<semaphore_mem>>) src(%dma_wait3A_279 : memref<20000xf32, #tpu.memory_space<hbm>>) dst(%arg15 : memref<6144xf32, #tpu.memory_space<vmem>>)
      %run_scoped3A_280 = arith.constant 1 : i32
      "tpu.region"() ({
        %run_scoped3A_387 = tpu.sem_alloc : memref<!tpu.dma_semaphore, #tpu.memory_space<semaphore_mem>>
        %dma_start3A_388 = arith.constant 0 : i32
        %dma_start3A_389 = arith.constant 0 : i32
        %dma_start3A_390 = tpu.memref_slice %arg5[%arg0, %dma_start3A_388, %dma_start3A_389] : memref<2x4x6144xf32, #tpu.memory_space<hbm>> -> memref<1x4x6144xf32, #tpu.memory_space<hbm>>
        %dma_start3A_391 = tpu.memref_squeeze %dma_start3A_390 : memref<1x4x6144xf32, #tpu.memory_space<hbm>> -> memref<4x6144xf32, #tpu.memory_space<hbm>>
        %dma_start3A_392 = arith.constant 0 : i32
        %dma_start3A_393 = tpu.memref_slice %dma_start3A_391[%run_scoped3A_280, %dma_start3A_392] : memref<4x6144xf32, #tpu.memory_space<hbm>> -> memref<1x6144xf32, #tpu.memory_space<hbm>>
        %dma_start3A_394 = tpu.memref_squeeze %dma_start3A_393 : memref<1x6144xf32, #tpu.memory_space<hbm>> -> memref<6144xf32, #tpu.memory_space<hbm>>
        %dma_start3A_395 = arith.constant 0 : i32
        %dma_start3A_396 = arith.constant 0 : i32
        %dma_start3A_397 = tpu.memref_slice %arg5[%arg0, %dma_start3A_395, %dma_start3A_396] : memref<2x4x6144xf32, #tpu.memory_space<hbm>> -> memref<1x4x6144xf32, #tpu.memory_space<hbm>>
        %dma_start3A_398 = tpu.memref_squeeze %dma_start3A_397 : memref<1x4x6144xf32, #tpu.memory_space<hbm>> -> memref<4x6144xf32, #tpu.memory_space<hbm>>
        %dma_start3A_399 = arith.constant 0 : i32
        %dma_start3A_400 = tpu.memref_slice %dma_start3A_398[%run_scoped3A_280, %dma_start3A_399] : memref<4x6144xf32, #tpu.memory_space<hbm>> -> memref<1x6144xf32, #tpu.memory_space<hbm>>
        %dma_start3A_401 = tpu.memref_squeeze %dma_start3A_400 : memref<1x6144xf32, #tpu.memory_space<hbm>> -> memref<6144xf32, #tpu.memory_space<hbm>>
        tpu.enqueue_dma source(%arg15 : memref<6144xf32, #tpu.memory_space<vmem>>) target(%dma_start3A_401 : memref<6144xf32, #tpu.memory_space<hbm>>) target_semaphore(%run_scoped3A_387 : memref<!tpu.dma_semaphore, #tpu.memory_space<semaphore_mem>>)
        %dma_wait3A_402 = arith.constant 0 : i32
        %dma_wait3A_403 = arith.constant 0 : i32
        %dma_wait3A_404 = tpu.memref_slice %arg5[%arg0, %dma_wait3A_402, %dma_wait3A_403] : memref<2x4x6144xf32, #tpu.memory_space<hbm>> -> memref<1x4x6144xf32, #tpu.memory_space<hbm>>
        %dma_wait3A_405 = tpu.memref_squeeze %dma_wait3A_404 : memref<1x4x6144xf32, #tpu.memory_space<hbm>> -> memref<4x6144xf32, #tpu.memory_space<hbm>>
        %dma_wait3A_406 = arith.constant 0 : i32
        %dma_wait3A_407 = tpu.memref_slice %dma_wait3A_405[%run_scoped3A_280, %dma_wait3A_406] : memref<4x6144xf32, #tpu.memory_space<hbm>> -> memref<1x6144xf32, #tpu.memory_space<hbm>>
        %dma_wait3A_408 = tpu.memref_squeeze %dma_wait3A_407 : memref<1x6144xf32, #tpu.memory_space<hbm>> -> memref<6144xf32, #tpu.memory_space<hbm>>
        %dma_wait3A_409 = arith.constant 0 : i32
        %dma_wait3A_410 = arith.constant 0 : i32
        %dma_wait3A_411 = tpu.memref_slice %arg5[%arg0, %dma_wait3A_409, %dma_wait3A_410] : memref<2x4x6144xf32, #tpu.memory_space<hbm>> -> memref<1x4x6144xf32, #tpu.memory_space<hbm>>
        %dma_wait3A_412 = tpu.memref_squeeze %dma_wait3A_411 : memref<1x4x6144xf32, #tpu.memory_space<hbm>> -> memref<4x6144xf32, #tpu.memory_space<hbm>>
        %dma_wait3A_413 = arith.constant 0 : i32
        %dma_wait3A_414 = tpu.memref_slice %dma_wait3A_412[%run_scoped3A_280, %dma_wait3A_413] : memref<4x6144xf32, #tpu.memory_space<hbm>> -> memref<1x6144xf32, #tpu.memory_space<hbm>>
        %dma_wait3A_415 = tpu.memref_squeeze %dma_wait3A_414 : memref<1x6144xf32, #tpu.memory_space<hbm>> -> memref<6144xf32, #tpu.memory_space<hbm>>
        tpu.wait_dma2 semaphore(%run_scoped3A_387 : memref<!tpu.dma_semaphore, #tpu.memory_space<semaphore_mem>>) src(%arg15 : memref<6144xf32, #tpu.memory_space<vmem>>) dst(%dma_wait3A_415 : memref<6144xf32, #tpu.memory_space<hbm>>)
        tpu.yield
      }) : () -> ()
      %dma_wait3A_281 = arith.constant 2 : i32
      %dma_wait3A_282 = arith.constant 0 : i32
      %dma_wait3A_283 = arith.constant 0 : i32
      %dma_wait3A_284 = tpu.memref_slice %arg3[%arg0, %dma_wait3A_282, %dma_wait3A_283] : memref<2x4x20000xf32, #tpu.memory_space<hbm>> -> memref<1x4x20000xf32, #tpu.memory_space<hbm>>
      %dma_wait3A_285 = tpu.memref_squeeze %dma_wait3A_284 : memref<1x4x20000xf32, #tpu.memory_space<hbm>> -> memref<4x20000xf32, #tpu.memory_space<hbm>>
      %dma_wait3A_286 = arith.constant 0 : i32
      %dma_wait3A_287 = tpu.memref_slice %dma_wait3A_285[%dma_wait3A_281, %dma_wait3A_286] : memref<4x20000xf32, #tpu.memory_space<hbm>> -> memref<1x20000xf32, #tpu.memory_space<hbm>>
      %dma_wait3A_288 = tpu.memref_squeeze %dma_wait3A_287 : memref<1x20000xf32, #tpu.memory_space<hbm>> -> memref<20000xf32, #tpu.memory_space<hbm>>
      %dma_wait3A_289 = arith.constant 0 : i32
      %dma_wait3A_290 = tpu.memref_slice %dma_wait3A_288[%dma_wait3A_289] : memref<20000xf32, #tpu.memory_space<hbm>> -> memref<20000xf32, #tpu.memory_space<hbm>>
      tpu.wait_indirect_dma semaphore(%arg18 : memref<!tpu.dma_semaphore, #tpu.memory_space<semaphore_mem>>) src(%dma_wait3A_290 : memref<20000xf32, #tpu.memory_space<hbm>>) dst(%arg16 : memref<6144xf32, #tpu.memory_space<vmem>>)
      %run_scoped3A_291 = arith.constant 2 : i32
      "tpu.region"() ({
        %run_scoped3A_387 = tpu.sem_alloc : memref<!tpu.dma_semaphore, #tpu.memory_space<semaphore_mem>>
        %dma_start3A_388 = arith.constant 0 : i32
        %dma_start3A_389 = arith.constant 0 : i32
        %dma_start3A_390 = tpu.memref_slice %arg5[%arg0, %dma_start3A_388, %dma_start3A_389] : memref<2x4x6144xf32, #tpu.memory_space<hbm>> -> memref<1x4x6144xf32, #tpu.memory_space<hbm>>
        %dma_start3A_391 = tpu.memref_squeeze %dma_start3A_390 : memref<1x4x6144xf32, #tpu.memory_space<hbm>> -> memref<4x6144xf32, #tpu.memory_space<hbm>>
        %dma_start3A_392 = arith.constant 0 : i32
        %dma_start3A_393 = tpu.memref_slice %dma_start3A_391[%run_scoped3A_291, %dma_start3A_392] : memref<4x6144xf32, #tpu.memory_space<hbm>> -> memref<1x6144xf32, #tpu.memory_space<hbm>>
        %dma_start3A_394 = tpu.memref_squeeze %dma_start3A_393 : memref<1x6144xf32, #tpu.memory_space<hbm>> -> memref<6144xf32, #tpu.memory_space<hbm>>
        %dma_start3A_395 = arith.constant 0 : i32
        %dma_start3A_396 = arith.constant 0 : i32
        %dma_start3A_397 = tpu.memref_slice %arg5[%arg0, %dma_start3A_395, %dma_start3A_396] : memref<2x4x6144xf32, #tpu.memory_space<hbm>> -> memref<1x4x6144xf32, #tpu.memory_space<hbm>>
        %dma_start3A_398 = tpu.memref_squeeze %dma_start3A_397 : memref<1x4x6144xf32, #tpu.memory_space<hbm>> -> memref<4x6144xf32, #tpu.memory_space<hbm>>
        %dma_start3A_399 = arith.constant 0 : i32
        %dma_start3A_400 = tpu.memref_slice %dma_start3A_398[%run_scoped3A_291, %dma_start3A_399] : memref<4x6144xf32, #tpu.memory_space<hbm>> -> memref<1x6144xf32, #tpu.memory_space<hbm>>
        %dma_start3A_401 = tpu.memref_squeeze %dma_start3A_400 : memref<1x6144xf32, #tpu.memory_space<hbm>> -> memref<6144xf32, #tpu.memory_space<hbm>>
        tpu.enqueue_dma source(%arg16 : memref<6144xf32, #tpu.memory_space<vmem>>) target(%dma_start3A_401 : memref<6144xf32, #tpu.memory_space<hbm>>) target_semaphore(%run_scoped3A_387 : memref<!tpu.dma_semaphore, #tpu.memory_space<semaphore_mem>>)
        %dma_wait3A_402 = arith.constant 0 : i32
        %dma_wait3A_403 = arith.constant 0 : i32
        %dma_wait3A_404 = tpu.memref_slice %arg5[%arg0, %dma_wait3A_402, %dma_wait3A_403] : memref<2x4x6144xf32, #tpu.memory_space<hbm>> -> memref<1x4x6144xf32, #tpu.memory_space<hbm>>
        %dma_wait3A_405 = tpu.memref_squeeze %dma_wait3A_404 : memref<1x4x6144xf32, #tpu.memory_space<hbm>> -> memref<4x6144xf32, #tpu.memory_space<hbm>>
        %dma_wait3A_406 = arith.constant 0 : i32
        %dma_wait3A_407 = tpu.memref_slice %dma_wait3A_405[%run_scoped3A_291, %dma_wait3A_406] : memref<4x6144xf32, #tpu.memory_space<hbm>> -> memref<1x6144xf32, #tpu.memory_space<hbm>>
        %dma_wait3A_408 = tpu.memref_squeeze %dma_wait3A_407 : memref<1x6144xf32, #tpu.memory_space<hbm>> -> memref<6144xf32, #tpu.memory_space<hbm>>
        %dma_wait3A_409 = arith.constant 0 : i32
        %dma_wait3A_410 = arith.constant 0 : i32
        %dma_wait3A_411 = tpu.memref_slice %arg5[%arg0, %dma_wait3A_409, %dma_wait3A_410] : memref<2x4x6144xf32, #tpu.memory_space<hbm>> -> memref<1x4x6144xf32, #tpu.memory_space<hbm>>
        %dma_wait3A_412 = tpu.memref_squeeze %dma_wait3A_411 : memref<1x4x6144xf32, #tpu.memory_space<hbm>> -> memref<4x6144xf32, #tpu.memory_space<hbm>>
        %dma_wait3A_413 = arith.constant 0 : i32
        %dma_wait3A_414 = tpu.memref_slice %dma_wait3A_412[%run_scoped3A_291, %dma_wait3A_413] : memref<4x6144xf32, #tpu.memory_space<hbm>> -> memref<1x6144xf32, #tpu.memory_space<hbm>>
        %dma_wait3A_415 = tpu.memref_squeeze %dma_wait3A_414 : memref<1x6144xf32, #tpu.memory_space<hbm>> -> memref<6144xf32, #tpu.memory_space<hbm>>
        tpu.wait_dma2 semaphore(%run_scoped3A_387 : memref<!tpu.dma_semaphore, #tpu.memory_space<semaphore_mem>>) src(%arg16 : memref<6144xf32, #tpu.memory_space<vmem>>) dst(%dma_wait3A_415 : memref<6144xf32, #tpu.memory_space<hbm>>)
        tpu.yield
      }) : () -> ()
      %dma_wait3A_292 = arith.constant 3 : i32
      %dma_wait3A_293 = arith.constant 0 : i32
      %dma_wait3A_294 = arith.constant 0 : i32
      %dma_wait3A_295 = tpu.memref_slice %arg3[%arg0, %dma_wait3A_293, %dma_wait3A_294] : memref<2x4x20000xf32, #tpu.memory_space<hbm>> -> memref<1x4x20000xf32, #tpu.memory_space<hbm>>
      %dma_wait3A_296 = tpu.memref_squeeze %dma_wait3A_295 : memref<1x4x20000xf32, #tpu.memory_space<hbm>> -> memref<4x20000xf32, #tpu.memory_space<hbm>>
      %dma_wait3A_297 = arith.constant 0 : i32
      %dma_wait3A_298 = tpu.memref_slice %dma_wait3A_296[%dma_wait3A_292, %dma_wait3A_297] : memref<4x20000xf32, #tpu.memory_space<hbm>> -> memref<1x20000xf32, #tpu.memory_space<hbm>>
      %dma_wait3A_299 = tpu.memref_squeeze %dma_wait3A_298 : memref<1x20000xf32, #tpu.memory_space<hbm>> -> memref<20000xf32, #tpu.memory_space<hbm>>
      %dma_wait3A_300 = arith.constant 0 : i32
      %dma_wait3A_301 = tpu.memref_slice %dma_wait3A_299[%dma_wait3A_300] : memref<20000xf32, #tpu.memory_space<hbm>> -> memref<20000xf32, #tpu.memory_space<hbm>>
      tpu.wait_indirect_dma semaphore(%arg18 : memref<!tpu.dma_semaphore, #tpu.memory_space<semaphore_mem>>) src(%dma_wait3A_301 : memref<20000xf32, #tpu.memory_space<hbm>>) dst(%arg17 : memref<6144xf32, #tpu.memory_space<vmem>>)
      %run_scoped3A_302 = arith.constant 3 : i32
      "tpu.region"() ({
        %run_scoped3A_387 = tpu.sem_alloc : memref<!tpu.dma_semaphore, #tpu.memory_space<semaphore_mem>>
        %dma_start3A_388 = arith.constant 0 : i32
        %dma_start3A_389 = arith.constant 0 : i32
        %dma_start3A_390 = tpu.memref_slice %arg5[%arg0, %dma_start3A_388, %dma_start3A_389] : memref<2x4x6144xf32, #tpu.memory_space<hbm>> -> memref<1x4x6144xf32, #tpu.memory_space<hbm>>
        %dma_start3A_391 = tpu.memref_squeeze %dma_start3A_390 : memref<1x4x6144xf32, #tpu.memory_space<hbm>> -> memref<4x6144xf32, #tpu.memory_space<hbm>>
        %dma_start3A_392 = arith.constant 0 : i32
        %dma_start3A_393 = tpu.memref_slice %dma_start3A_391[%run_scoped3A_302, %dma_start3A_392] : memref<4x6144xf32, #tpu.memory_space<hbm>> -> memref<1x6144xf32, #tpu.memory_space<hbm>>
        %dma_start3A_394 = tpu.memref_squeeze %dma_start3A_393 : memref<1x6144xf32, #tpu.memory_space<hbm>> -> memref<6144xf32, #tpu.memory_space<hbm>>
        %dma_start3A_395 = arith.constant 0 : i32
        %dma_start3A_396 = arith.constant 0 : i32
        %dma_start3A_397 = tpu.memref_slice %arg5[%arg0, %dma_start3A_395, %dma_start3A_396] : memref<2x4x6144xf32, #tpu.memory_space<hbm>> -> memref<1x4x6144xf32, #tpu.memory_space<hbm>>
        %dma_start3A_398 = tpu.memref_squeeze %dma_start3A_397 : memref<1x4x6144xf32, #tpu.memory_space<hbm>> -> memref<4x6144xf32, #tpu.memory_space<hbm>>
        %dma_start3A_399 = arith.constant 0 : i32
        %dma_start3A_400 = tpu.memref_slice %dma_start3A_398[%run_scoped3A_302, %dma_start3A_399] : memref<4x6144xf32, #tpu.memory_space<hbm>> -> memref<1x6144xf32, #tpu.memory_space<hbm>>
        %dma_start3A_401 = tpu.memref_squeeze %dma_start3A_400 : memref<1x6144xf32, #tpu.memory_space<hbm>> -> memref<6144xf32, #tpu.memory_space<hbm>>
        tpu.enqueue_dma source(%arg17 : memref<6144xf32, #tpu.memory_space<vmem>>) target(%dma_start3A_401 : memref<6144xf32, #tpu.memory_space<hbm>>) target_semaphore(%run_scoped3A_387 : memref<!tpu.dma_semaphore, #tpu.memory_space<semaphore_mem>>)
        %dma_wait3A_402 = arith.constant 0 : i32
        %dma_wait3A_403 = arith.constant 0 : i32
        %dma_wait3A_404 = tpu.memref_slice %arg5[%arg0, %dma_wait3A_402, %dma_wait3A_403] : memref<2x4x6144xf32, #tpu.memory_space<hbm>> -> memref<1x4x6144xf32, #tpu.memory_space<hbm>>
        %dma_wait3A_405 = tpu.memref_squeeze %dma_wait3A_404 : memref<1x4x6144xf32, #tpu.memory_space<hbm>> -> memref<4x6144xf32, #tpu.memory_space<hbm>>
        %dma_wait3A_406 = arith.constant 0 : i32
        %dma_wait3A_407 = tpu.memref_slice %dma_wait3A_405[%run_scoped3A_302, %dma_wait3A_406] : memref<4x6144xf32, #tpu.memory_space<hbm>> -> memref<1x6144xf32, #tpu.memory_space<hbm>>
        %dma_wait3A_408 = tpu.memref_squeeze %dma_wait3A_407 : memref<1x6144xf32, #tpu.memory_space<hbm>> -> memref<6144xf32, #tpu.memory_space<hbm>>
        %dma_wait3A_409 = arith.constant 0 : i32
        %dma_wait3A_410 = arith.constant 0 : i32
        %dma_wait3A_411 = tpu.memref_slice %arg5[%arg0, %dma_wait3A_409, %dma_wait3A_410] : memref<2x4x6144xf32, #tpu.memory_space<hbm>> -> memref<1x4x6144xf32, #tpu.memory_space<hbm>>
        %dma_wait3A_412 = tpu.memref_squeeze %dma_wait3A_411 : memref<1x4x6144xf32, #tpu.memory_space<hbm>> -> memref<4x6144xf32, #tpu.memory_space<hbm>>
        %dma_wait3A_413 = arith.constant 0 : i32
        %dma_wait3A_414 = tpu.memref_slice %dma_wait3A_412[%run_scoped3A_302, %dma_wait3A_413] : memref<4x6144xf32, #tpu.memory_space<hbm>> -> memref<1x6144xf32, #tpu.memory_space<hbm>>
        %dma_wait3A_415 = tpu.memref_squeeze %dma_wait3A_414 : memref<1x6144xf32, #tpu.memory_space<hbm>> -> memref<6144xf32, #tpu.memory_space<hbm>>
        tpu.wait_dma2 semaphore(%run_scoped3A_387 : memref<!tpu.dma_semaphore, #tpu.memory_space<semaphore_mem>>) src(%arg17 : memref<6144xf32, #tpu.memory_space<vmem>>) dst(%dma_wait3A_415 : memref<6144xf32, #tpu.memory_space<hbm>>)
        tpu.yield
      }) : () -> ()
      %dma_start3A_303 = arith.constant 0 : i32
      %dma_start3A_304 = arith.constant 0 : i32
      %dma_start3A_305 = arith.constant 0 : i32
      %dma_start3A_306 = tpu.memref_slice %arg4[%arg0, %dma_start3A_304, %dma_start3A_305] : memref<2x4x20000xf32, #tpu.memory_space<hbm>> -> memref<1x4x20000xf32, #tpu.memory_space<hbm>>
      %dma_start3A_307 = tpu.memref_squeeze %dma_start3A_306 : memref<1x4x20000xf32, #tpu.memory_space<hbm>> -> memref<4x20000xf32, #tpu.memory_space<hbm>>
      %dma_start3A_308 = arith.constant 0 : i32
      %dma_start3A_309 = tpu.memref_slice %dma_start3A_307[%dma_start3A_303, %dma_start3A_308] : memref<4x20000xf32, #tpu.memory_space<hbm>> -> memref<1x20000xf32, #tpu.memory_space<hbm>>
      %dma_start3A_310 = tpu.memref_squeeze %dma_start3A_309 : memref<1x20000xf32, #tpu.memory_space<hbm>> -> memref<20000xf32, #tpu.memory_space<hbm>>
      %dma_start3A_311 = arith.constant 0 : i32
      %dma_start3A_312 = tpu.memref_slice %dma_start3A_310[%dma_start3A_311] : memref<20000xf32, #tpu.memory_space<hbm>> -> memref<20000xf32, #tpu.memory_space<hbm>>
      tpu.enqueue_indirect_dma source(%dma_start3A_312 : memref<20000xf32, #tpu.memory_space<hbm>>) target(%arg14 : memref<6144xf32, #tpu.memory_space<vmem>>) offsets(%arg13 : memref<6144xi32, #tpu.memory_space<vmem>>) semaphore(%arg18 : memref<!tpu.dma_semaphore, #tpu.memory_space<semaphore_mem>>)
      %dma_start3A_313 = arith.constant 1 : i32
      %dma_start3A_314 = arith.constant 0 : i32
      %dma_start3A_315 = arith.constant 0 : i32
      %dma_start3A_316 = tpu.memref_slice %arg4[%arg0, %dma_start3A_314, %dma_start3A_315] : memref<2x4x20000xf32, #tpu.memory_space<hbm>> -> memref<1x4x20000xf32, #tpu.memory_space<hbm>>
      %dma_start3A_317 = tpu.memref_squeeze %dma_start3A_316 : memref<1x4x20000xf32, #tpu.memory_space<hbm>> -> memref<4x20000xf32, #tpu.memory_space<hbm>>
      %dma_start3A_318 = arith.constant 0 : i32
      %dma_start3A_319 = tpu.memref_slice %dma_start3A_317[%dma_start3A_313, %dma_start3A_318] : memref<4x20000xf32, #tpu.memory_space<hbm>> -> memref<1x20000xf32, #tpu.memory_space<hbm>>
      %dma_start3A_320 = tpu.memref_squeeze %dma_start3A_319 : memref<1x20000xf32, #tpu.memory_space<hbm>> -> memref<20000xf32, #tpu.memory_space<hbm>>
      %dma_start3A_321 = arith.constant 0 : i32
      %dma_start3A_322 = tpu.memref_slice %dma_start3A_320[%dma_start3A_321] : memref<20000xf32, #tpu.memory_space<hbm>> -> memref<20000xf32, #tpu.memory_space<hbm>>
      tpu.enqueue_indirect_dma source(%dma_start3A_322 : memref<20000xf32, #tpu.memory_space<hbm>>) target(%arg15 : memref<6144xf32, #tpu.memory_space<vmem>>) offsets(%arg13 : memref<6144xi32, #tpu.memory_space<vmem>>) semaphore(%arg18 : memref<!tpu.dma_semaphore, #tpu.memory_space<semaphore_mem>>)
      %dma_start3A_323 = arith.constant 2 : i32
      %dma_start3A_324 = arith.constant 0 : i32
      %dma_start3A_325 = arith.constant 0 : i32
      %dma_start3A_326 = tpu.memref_slice %arg4[%arg0, %dma_start3A_324, %dma_start3A_325] : memref<2x4x20000xf32, #tpu.memory_space<hbm>> -> memref<1x4x20000xf32, #tpu.memory_space<hbm>>
      %dma_start3A_327 = tpu.memref_squeeze %dma_start3A_326 : memref<1x4x20000xf32, #tpu.memory_space<hbm>> -> memref<4x20000xf32, #tpu.memory_space<hbm>>
      %dma_start3A_328 = arith.constant 0 : i32
      %dma_start3A_329 = tpu.memref_slice %dma_start3A_327[%dma_start3A_323, %dma_start3A_328] : memref<4x20000xf32, #tpu.memory_space<hbm>> -> memref<1x20000xf32, #tpu.memory_space<hbm>>
      %dma_start3A_330 = tpu.memref_squeeze %dma_start3A_329 : memref<1x20000xf32, #tpu.memory_space<hbm>> -> memref<20000xf32, #tpu.memory_space<hbm>>
      %dma_start3A_331 = arith.constant 0 : i32
      %dma_start3A_332 = tpu.memref_slice %dma_start3A_330[%dma_start3A_331] : memref<20000xf32, #tpu.memory_space<hbm>> -> memref<20000xf32, #tpu.memory_space<hbm>>
      tpu.enqueue_indirect_dma source(%dma_start3A_332 : memref<20000xf32, #tpu.memory_space<hbm>>) target(%arg16 : memref<6144xf32, #tpu.memory_space<vmem>>) offsets(%arg13 : memref<6144xi32, #tpu.memory_space<vmem>>) semaphore(%arg18 : memref<!tpu.dma_semaphore, #tpu.memory_space<semaphore_mem>>)
      %dma_start3A_333 = arith.constant 3 : i32
      %dma_start3A_334 = arith.constant 0 : i32
      %dma_start3A_335 = arith.constant 0 : i32
      %dma_start3A_336 = tpu.memref_slice %arg4[%arg0, %dma_start3A_334, %dma_start3A_335] : memref<2x4x20000xf32, #tpu.memory_space<hbm>> -> memref<1x4x20000xf32, #tpu.memory_space<hbm>>
      %dma_start3A_337 = tpu.memref_squeeze %dma_start3A_336 : memref<1x4x20000xf32, #tpu.memory_space<hbm>> -> memref<4x20000xf32, #tpu.memory_space<hbm>>
      %dma_start3A_338 = arith.constant 0 : i32
      %dma_start3A_339 = tpu.memref_slice %dma_start3A_337[%dma_start3A_333, %dma_start3A_338] : memref<4x20000xf32, #tpu.memory_space<hbm>> -> memref<1x20000xf32, #tpu.memory_space<hbm>>
      %dma_start3A_340 = tpu.memref_squeeze %dma_start3A_339 : memref<1x20000xf32, #tpu.memory_space<hbm>> -> memref<20000xf32, #tpu.memory_space<hbm>>
      %dma_start3A_341 = arith.constant 0 : i32
      %dma_start3A_342 = tpu.memref_slice %dma_start3A_340[%dma_start3A_341] : memref<20000xf32, #tpu.memory_space<hbm>> -> memref<20000xf32, #tpu.memory_space<hbm>>
      tpu.enqueue_indirect_dma source(%dma_start3A_342 : memref<20000xf32, #tpu.memory_space<hbm>>) target(%arg17 : memref<6144xf32, #tpu.memory_space<vmem>>) offsets(%arg13 : memref<6144xi32, #tpu.memory_space<vmem>>) semaphore(%arg18 : memref<!tpu.dma_semaphore, #tpu.memory_space<semaphore_mem>>)
      %dma_wait3A_343 = arith.constant 0 : i32
      %dma_wait3A_344 = arith.constant 0 : i32
      %dma_wait3A_345 = arith.constant 0 : i32
      %dma_wait3A_346 = tpu.memref_slice %arg4[%arg0, %dma_wait3A_344, %dma_wait3A_345] : memref<2x4x20000xf32, #tpu.memory_space<hbm>> -> memref<1x4x20000xf32, #tpu.memory_space<hbm>>
      %dma_wait3A_347 = tpu.memref_squeeze %dma_wait3A_346 : memref<1x4x20000xf32, #tpu.memory_space<hbm>> -> memref<4x20000xf32, #tpu.memory_space<hbm>>
      %dma_wait3A_348 = arith.constant 0 : i32
      %dma_wait3A_349 = tpu.memref_slice %dma_wait3A_347[%dma_wait3A_343, %dma_wait3A_348] : memref<4x20000xf32, #tpu.memory_space<hbm>> -> memref<1x20000xf32, #tpu.memory_space<hbm>>
      %dma_wait3A_350 = tpu.memref_squeeze %dma_wait3A_349 : memref<1x20000xf32, #tpu.memory_space<hbm>> -> memref<20000xf32, #tpu.memory_space<hbm>>
      %dma_wait3A_351 = arith.constant 0 : i32
      %dma_wait3A_352 = tpu.memref_slice %dma_wait3A_350[%dma_wait3A_351] : memref<20000xf32, #tpu.memory_space<hbm>> -> memref<20000xf32, #tpu.memory_space<hbm>>
      tpu.wait_indirect_dma semaphore(%arg18 : memref<!tpu.dma_semaphore, #tpu.memory_space<semaphore_mem>>) src(%dma_wait3A_352 : memref<20000xf32, #tpu.memory_space<hbm>>) dst(%arg14 : memref<6144xf32, #tpu.memory_space<vmem>>)
      %run_scoped3A_353 = arith.constant 0 : i32
      "tpu.region"() ({
        %run_scoped3A_387 = tpu.sem_alloc : memref<!tpu.dma_semaphore, #tpu.memory_space<semaphore_mem>>
        %dma_start3A_388 = arith.constant 0 : i32
        %dma_start3A_389 = arith.constant 0 : i32
        %dma_start3A_390 = tpu.memref_slice %arg6[%arg0, %dma_start3A_388, %dma_start3A_389] : memref<2x4x6144xf32, #tpu.memory_space<hbm>> -> memref<1x4x6144xf32, #tpu.memory_space<hbm>>
        %dma_start3A_391 = tpu.memref_squeeze %dma_start3A_390 : memref<1x4x6144xf32, #tpu.memory_space<hbm>> -> memref<4x6144xf32, #tpu.memory_space<hbm>>
        %dma_start3A_392 = arith.constant 0 : i32
        %dma_start3A_393 = tpu.memref_slice %dma_start3A_391[%run_scoped3A_353, %dma_start3A_392] : memref<4x6144xf32, #tpu.memory_space<hbm>> -> memref<1x6144xf32, #tpu.memory_space<hbm>>
        %dma_start3A_394 = tpu.memref_squeeze %dma_start3A_393 : memref<1x6144xf32, #tpu.memory_space<hbm>> -> memref<6144xf32, #tpu.memory_space<hbm>>
        %dma_start3A_395 = arith.constant 0 : i32
        %dma_start3A_396 = arith.constant 0 : i32
        %dma_start3A_397 = tpu.memref_slice %arg6[%arg0, %dma_start3A_395, %dma_start3A_396] : memref<2x4x6144xf32, #tpu.memory_space<hbm>> -> memref<1x4x6144xf32, #tpu.memory_space<hbm>>
        %dma_start3A_398 = tpu.memref_squeeze %dma_start3A_397 : memref<1x4x6144xf32, #tpu.memory_space<hbm>> -> memref<4x6144xf32, #tpu.memory_space<hbm>>
        %dma_start3A_399 = arith.constant 0 : i32
        %dma_start3A_400 = tpu.memref_slice %dma_start3A_398[%run_scoped3A_353, %dma_start3A_399] : memref<4x6144xf32, #tpu.memory_space<hbm>> -> memref<1x6144xf32, #tpu.memory_space<hbm>>
        %dma_start3A_401 = tpu.memref_squeeze %dma_start3A_400 : memref<1x6144xf32, #tpu.memory_space<hbm>> -> memref<6144xf32, #tpu.memory_space<hbm>>
        tpu.enqueue_dma source(%arg14 : memref<6144xf32, #tpu.memory_space<vmem>>) target(%dma_start3A_401 : memref<6144xf32, #tpu.memory_space<hbm>>) target_semaphore(%run_scoped3A_387 : memref<!tpu.dma_semaphore, #tpu.memory_space<semaphore_mem>>)
        %dma_wait3A_402 = arith.constant 0 : i32
        %dma_wait3A_403 = arith.constant 0 : i32
        %dma_wait3A_404 = tpu.memref_slice %arg6[%arg0, %dma_wait3A_402, %dma_wait3A_403] : memref<2x4x6144xf32, #tpu.memory_space<hbm>> -> memref<1x4x6144xf32, #tpu.memory_space<hbm>>
        %dma_wait3A_405 = tpu.memref_squeeze %dma_wait3A_404 : memref<1x4x6144xf32, #tpu.memory_space<hbm>> -> memref<4x6144xf32, #tpu.memory_space<hbm>>
        %dma_wait3A_406 = arith.constant 0 : i32
        %dma_wait3A_407 = tpu.memref_slice %dma_wait3A_405[%run_scoped3A_353, %dma_wait3A_406] : memref<4x6144xf32, #tpu.memory_space<hbm>> -> memref<1x6144xf32, #tpu.memory_space<hbm>>
        %dma_wait3A_408 = tpu.memref_squeeze %dma_wait3A_407 : memref<1x6144xf32, #tpu.memory_space<hbm>> -> memref<6144xf32, #tpu.memory_space<hbm>>
        %dma_wait3A_409 = arith.constant 0 : i32
        %dma_wait3A_410 = arith.constant 0 : i32
        %dma_wait3A_411 = tpu.memref_slice %arg6[%arg0, %dma_wait3A_409, %dma_wait3A_410] : memref<2x4x6144xf32, #tpu.memory_space<hbm>> -> memref<1x4x6144xf32, #tpu.memory_space<hbm>>
        %dma_wait3A_412 = tpu.memref_squeeze %dma_wait3A_411 : memref<1x4x6144xf32, #tpu.memory_space<hbm>> -> memref<4x6144xf32, #tpu.memory_space<hbm>>
        %dma_wait3A_413 = arith.constant 0 : i32
        %dma_wait3A_414 = tpu.memref_slice %dma_wait3A_412[%run_scoped3A_353, %dma_wait3A_413] : memref<4x6144xf32, #tpu.memory_space<hbm>> -> memref<1x6144xf32, #tpu.memory_space<hbm>>
        %dma_wait3A_415 = tpu.memref_squeeze %dma_wait3A_414 : memref<1x6144xf32, #tpu.memory_space<hbm>> -> memref<6144xf32, #tpu.memory_space<hbm>>
        tpu.wait_dma2 semaphore(%run_scoped3A_387 : memref<!tpu.dma_semaphore, #tpu.memory_space<semaphore_mem>>) src(%arg14 : memref<6144xf32, #tpu.memory_space<vmem>>) dst(%dma_wait3A_415 : memref<6144xf32, #tpu.memory_space<hbm>>)
        tpu.yield
      }) : () -> ()
      %dma_wait3A_354 = arith.constant 1 : i32
      %dma_wait3A_355 = arith.constant 0 : i32
      %dma_wait3A_356 = arith.constant 0 : i32
      %dma_wait3A_357 = tpu.memref_slice %arg4[%arg0, %dma_wait3A_355, %dma_wait3A_356] : memref<2x4x20000xf32, #tpu.memory_space<hbm>> -> memref<1x4x20000xf32, #tpu.memory_space<hbm>>
      %dma_wait3A_358 = tpu.memref_squeeze %dma_wait3A_357 : memref<1x4x20000xf32, #tpu.memory_space<hbm>> -> memref<4x20000xf32, #tpu.memory_space<hbm>>
      %dma_wait3A_359 = arith.constant 0 : i32
      %dma_wait3A_360 = tpu.memref_slice %dma_wait3A_358[%dma_wait3A_354, %dma_wait3A_359] : memref<4x20000xf32, #tpu.memory_space<hbm>> -> memref<1x20000xf32, #tpu.memory_space<hbm>>
      %dma_wait3A_361 = tpu.memref_squeeze %dma_wait3A_360 : memref<1x20000xf32, #tpu.memory_space<hbm>> -> memref<20000xf32, #tpu.memory_space<hbm>>
      %dma_wait3A_362 = arith.constant 0 : i32
      %dma_wait3A_363 = tpu.memref_slice %dma_wait3A_361[%dma_wait3A_362] : memref<20000xf32, #tpu.memory_space<hbm>> -> memref<20000xf32, #tpu.memory_space<hbm>>
      tpu.wait_indirect_dma semaphore(%arg18 : memref<!tpu.dma_semaphore, #tpu.memory_space<semaphore_mem>>) src(%dma_wait3A_363 : memref<20000xf32, #tpu.memory_space<hbm>>) dst(%arg15 : memref<6144xf32, #tpu.memory_space<vmem>>)
      %run_scoped3A_364 = arith.constant 1 : i32
      "tpu.region"() ({
        %run_scoped3A_387 = tpu.sem_alloc : memref<!tpu.dma_semaphore, #tpu.memory_space<semaphore_mem>>
        %dma_start3A_388 = arith.constant 0 : i32
        %dma_start3A_389 = arith.constant 0 : i32
        %dma_start3A_390 = tpu.memref_slice %arg6[%arg0, %dma_start3A_388, %dma_start3A_389] : memref<2x4x6144xf32, #tpu.memory_space<hbm>> -> memref<1x4x6144xf32, #tpu.memory_space<hbm>>
        %dma_start3A_391 = tpu.memref_squeeze %dma_start3A_390 : memref<1x4x6144xf32, #tpu.memory_space<hbm>> -> memref<4x6144xf32, #tpu.memory_space<hbm>>
        %dma_start3A_392 = arith.constant 0 : i32
        %dma_start3A_393 = tpu.memref_slice %dma_start3A_391[%run_scoped3A_364, %dma_start3A_392] : memref<4x6144xf32, #tpu.memory_space<hbm>> -> memref<1x6144xf32, #tpu.memory_space<hbm>>
        %dma_start3A_394 = tpu.memref_squeeze %dma_start3A_393 : memref<1x6144xf32, #tpu.memory_space<hbm>> -> memref<6144xf32, #tpu.memory_space<hbm>>
        %dma_start3A_395 = arith.constant 0 : i32
        %dma_start3A_396 = arith.constant 0 : i32
        %dma_start3A_397 = tpu.memref_slice %arg6[%arg0, %dma_start3A_395, %dma_start3A_396] : memref<2x4x6144xf32, #tpu.memory_space<hbm>> -> memref<1x4x6144xf32, #tpu.memory_space<hbm>>
        %dma_start3A_398 = tpu.memref_squeeze %dma_start3A_397 : memref<1x4x6144xf32, #tpu.memory_space<hbm>> -> memref<4x6144xf32, #tpu.memory_space<hbm>>
        %dma_start3A_399 = arith.constant 0 : i32
        %dma_start3A_400 = tpu.memref_slice %dma_start3A_398[%run_scoped3A_364, %dma_start3A_399] : memref<4x6144xf32, #tpu.memory_space<hbm>> -> memref<1x6144xf32, #tpu.memory_space<hbm>>
        %dma_start3A_401 = tpu.memref_squeeze %dma_start3A_400 : memref<1x6144xf32, #tpu.memory_space<hbm>> -> memref<6144xf32, #tpu.memory_space<hbm>>
        tpu.enqueue_dma source(%arg15 : memref<6144xf32, #tpu.memory_space<vmem>>) target(%dma_start3A_401 : memref<6144xf32, #tpu.memory_space<hbm>>) target_semaphore(%run_scoped3A_387 : memref<!tpu.dma_semaphore, #tpu.memory_space<semaphore_mem>>)
        %dma_wait3A_402 = arith.constant 0 : i32
        %dma_wait3A_403 = arith.constant 0 : i32
        %dma_wait3A_404 = tpu.memref_slice %arg6[%arg0, %dma_wait3A_402, %dma_wait3A_403] : memref<2x4x6144xf32, #tpu.memory_space<hbm>> -> memref<1x4x6144xf32, #tpu.memory_space<hbm>>
        %dma_wait3A_405 = tpu.memref_squeeze %dma_wait3A_404 : memref<1x4x6144xf32, #tpu.memory_space<hbm>> -> memref<4x6144xf32, #tpu.memory_space<hbm>>
        %dma_wait3A_406 = arith.constant 0 : i32
        %dma_wait3A_407 = tpu.memref_slice %dma_wait3A_405[%run_scoped3A_364, %dma_wait3A_406] : memref<4x6144xf32, #tpu.memory_space<hbm>> -> memref<1x6144xf32, #tpu.memory_space<hbm>>
        %dma_wait3A_408 = tpu.memref_squeeze %dma_wait3A_407 : memref<1x6144xf32, #tpu.memory_space<hbm>> -> memref<6144xf32, #tpu.memory_space<hbm>>
        %dma_wait3A_409 = arith.constant 0 : i32
        %dma_wait3A_410 = arith.constant 0 : i32
        %dma_wait3A_411 = tpu.memref_slice %arg6[%arg0, %dma_wait3A_409, %dma_wait3A_410] : memref<2x4x6144xf32, #tpu.memory_space<hbm>> -> memref<1x4x6144xf32, #tpu.memory_space<hbm>>
        %dma_wait3A_412 = tpu.memref_squeeze %dma_wait3A_411 : memref<1x4x6144xf32, #tpu.memory_space<hbm>> -> memref<4x6144xf32, #tpu.memory_space<hbm>>
        %dma_wait3A_413 = arith.constant 0 : i32
        %dma_wait3A_414 = tpu.memref_slice %dma_wait3A_412[%run_scoped3A_364, %dma_wait3A_413] : memref<4x6144xf32, #tpu.memory_space<hbm>> -> memref<1x6144xf32, #tpu.memory_space<hbm>>
        %dma_wait3A_415 = tpu.memref_squeeze %dma_wait3A_414 : memref<1x6144xf32, #tpu.memory_space<hbm>> -> memref<6144xf32, #tpu.memory_space<hbm>>
        tpu.wait_dma2 semaphore(%run_scoped3A_387 : memref<!tpu.dma_semaphore, #tpu.memory_space<semaphore_mem>>) src(%arg15 : memref<6144xf32, #tpu.memory_space<vmem>>) dst(%dma_wait3A_415 : memref<6144xf32, #tpu.memory_space<hbm>>)
        tpu.yield
      }) : () -> ()
      %dma_wait3A_365 = arith.constant 2 : i32
      %dma_wait3A_366 = arith.constant 0 : i32
      %dma_wait3A_367 = arith.constant 0 : i32
      %dma_wait3A_368 = tpu.memref_slice %arg4[%arg0, %dma_wait3A_366, %dma_wait3A_367] : memref<2x4x20000xf32, #tpu.memory_space<hbm>> -> memref<1x4x20000xf32, #tpu.memory_space<hbm>>
      %dma_wait3A_369 = tpu.memref_squeeze %dma_wait3A_368 : memref<1x4x20000xf32, #tpu.memory_space<hbm>> -> memref<4x20000xf32, #tpu.memory_space<hbm>>
      %dma_wait3A_370 = arith.constant 0 : i32
      %dma_wait3A_371 = tpu.memref_slice %dma_wait3A_369[%dma_wait3A_365, %dma_wait3A_370] : memref<4x20000xf32, #tpu.memory_space<hbm>> -> memref<1x20000xf32, #tpu.memory_space<hbm>>
      %dma_wait3A_372 = tpu.memref_squeeze %dma_wait3A_371 : memref<1x20000xf32, #tpu.memory_space<hbm>> -> memref<20000xf32, #tpu.memory_space<hbm>>
      %dma_wait3A_373 = arith.constant 0 : i32
      %dma_wait3A_374 = tpu.memref_slice %dma_wait3A_372[%dma_wait3A_373] : memref<20000xf32, #tpu.memory_space<hbm>> -> memref<20000xf32, #tpu.memory_space<hbm>>
      tpu.wait_indirect_dma semaphore(%arg18 : memref<!tpu.dma_semaphore, #tpu.memory_space<semaphore_mem>>) src(%dma_wait3A_374 : memref<20000xf32, #tpu.memory_space<hbm>>) dst(%arg16 : memref<6144xf32, #tpu.memory_space<vmem>>)
      %run_scoped3A_375 = arith.constant 2 : i32
      "tpu.region"() ({
        %run_scoped3A_387 = tpu.sem_alloc : memref<!tpu.dma_semaphore, #tpu.memory_space<semaphore_mem>>
        %dma_start3A_388 = arith.constant 0 : i32
        %dma_start3A_389 = arith.constant 0 : i32
        %dma_start3A_390 = tpu.memref_slice %arg6[%arg0, %dma_start3A_388, %dma_start3A_389] : memref<2x4x6144xf32, #tpu.memory_space<hbm>> -> memref<1x4x6144xf32, #tpu.memory_space<hbm>>
        %dma_start3A_391 = tpu.memref_squeeze %dma_start3A_390 : memref<1x4x6144xf32, #tpu.memory_space<hbm>> -> memref<4x6144xf32, #tpu.memory_space<hbm>>
        %dma_start3A_392 = arith.constant 0 : i32
        %dma_start3A_393 = tpu.memref_slice %dma_start3A_391[%run_scoped3A_375, %dma_start3A_392] : memref<4x6144xf32, #tpu.memory_space<hbm>> -> memref<1x6144xf32, #tpu.memory_space<hbm>>
        %dma_start3A_394 = tpu.memref_squeeze %dma_start3A_393 : memref<1x6144xf32, #tpu.memory_space<hbm>> -> memref<6144xf32, #tpu.memory_space<hbm>>
        %dma_start3A_395 = arith.constant 0 : i32
        %dma_start3A_396 = arith.constant 0 : i32
        %dma_start3A_397 = tpu.memref_slice %arg6[%arg0, %dma_start3A_395, %dma_start3A_396] : memref<2x4x6144xf32, #tpu.memory_space<hbm>> -> memref<1x4x6144xf32, #tpu.memory_space<hbm>>
        %dma_start3A_398 = tpu.memref_squeeze %dma_start3A_397 : memref<1x4x6144xf32, #tpu.memory_space<hbm>> -> memref<4x6144xf32, #tpu.memory_space<hbm>>
        %dma_start3A_399 = arith.constant 0 : i32
        %dma_start3A_400 = tpu.memref_slice %dma_start3A_398[%run_scoped3A_375, %dma_start3A_399] : memref<4x6144xf32, #tpu.memory_space<hbm>> -> memref<1x6144xf32, #tpu.memory_space<hbm>>
        %dma_start3A_401 = tpu.memref_squeeze %dma_start3A_400 : memref<1x6144xf32, #tpu.memory_space<hbm>> -> memref<6144xf32, #tpu.memory_space<hbm>>
        tpu.enqueue_dma source(%arg16 : memref<6144xf32, #tpu.memory_space<vmem>>) target(%dma_start3A_401 : memref<6144xf32, #tpu.memory_space<hbm>>) target_semaphore(%run_scoped3A_387 : memref<!tpu.dma_semaphore, #tpu.memory_space<semaphore_mem>>)
        %dma_wait3A_402 = arith.constant 0 : i32
        %dma_wait3A_403 = arith.constant 0 : i32
        %dma_wait3A_404 = tpu.memref_slice %arg6[%arg0, %dma_wait3A_402, %dma_wait3A_403] : memref<2x4x6144xf32, #tpu.memory_space<hbm>> -> memref<1x4x6144xf32, #tpu.memory_space<hbm>>
        %dma_wait3A_405 = tpu.memref_squeeze %dma_wait3A_404 : memref<1x4x6144xf32, #tpu.memory_space<hbm>> -> memref<4x6144xf32, #tpu.memory_space<hbm>>
        %dma_wait3A_406 = arith.constant 0 : i32
        %dma_wait3A_407 = tpu.memref_slice %dma_wait3A_405[%run_scoped3A_375, %dma_wait3A_406] : memref<4x6144xf32, #tpu.memory_space<hbm>> -> memref<1x6144xf32, #tpu.memory_space<hbm>>
        %dma_wait3A_408 = tpu.memref_squeeze %dma_wait3A_407 : memref<1x6144xf32, #tpu.memory_space<hbm>> -> memref<6144xf32, #tpu.memory_space<hbm>>
        %dma_wait3A_409 = arith.constant 0 : i32
        %dma_wait3A_410 = arith.constant 0 : i32
        %dma_wait3A_411 = tpu.memref_slice %arg6[%arg0, %dma_wait3A_409, %dma_wait3A_410] : memref<2x4x6144xf32, #tpu.memory_space<hbm>> -> memref<1x4x6144xf32, #tpu.memory_space<hbm>>
        %dma_wait3A_412 = tpu.memref_squeeze %dma_wait3A_411 : memref<1x4x6144xf32, #tpu.memory_space<hbm>> -> memref<4x6144xf32, #tpu.memory_space<hbm>>
        %dma_wait3A_413 = arith.constant 0 : i32
        %dma_wait3A_414 = tpu.memref_slice %dma_wait3A_412[%run_scoped3A_375, %dma_wait3A_413] : memref<4x6144xf32, #tpu.memory_space<hbm>> -> memref<1x6144xf32, #tpu.memory_space<hbm>>
        %dma_wait3A_415 = tpu.memref_squeeze %dma_wait3A_414 : memref<1x6144xf32, #tpu.memory_space<hbm>> -> memref<6144xf32, #tpu.memory_space<hbm>>
        tpu.wait_dma2 semaphore(%run_scoped3A_387 : memref<!tpu.dma_semaphore, #tpu.memory_space<semaphore_mem>>) src(%arg16 : memref<6144xf32, #tpu.memory_space<vmem>>) dst(%dma_wait3A_415 : memref<6144xf32, #tpu.memory_space<hbm>>)
        tpu.yield
      }) : () -> ()
      %dma_wait3A_376 = arith.constant 3 : i32
      %dma_wait3A_377 = arith.constant 0 : i32
      %dma_wait3A_378 = arith.constant 0 : i32
      %dma_wait3A_379 = tpu.memref_slice %arg4[%arg0, %dma_wait3A_377, %dma_wait3A_378] : memref<2x4x20000xf32, #tpu.memory_space<hbm>> -> memref<1x4x20000xf32, #tpu.memory_space<hbm>>
      %dma_wait3A_380 = tpu.memref_squeeze %dma_wait3A_379 : memref<1x4x20000xf32, #tpu.memory_space<hbm>> -> memref<4x20000xf32, #tpu.memory_space<hbm>>
      %dma_wait3A_381 = arith.constant 0 : i32
      %dma_wait3A_382 = tpu.memref_slice %dma_wait3A_380[%dma_wait3A_376, %dma_wait3A_381] : memref<4x20000xf32, #tpu.memory_space<hbm>> -> memref<1x20000xf32, #tpu.memory_space<hbm>>
      %dma_wait3A_383 = tpu.memref_squeeze %dma_wait3A_382 : memref<1x20000xf32, #tpu.memory_space<hbm>> -> memref<20000xf32, #tpu.memory_space<hbm>>
      %dma_wait3A_384 = arith.constant 0 : i32
      %dma_wait3A_385 = tpu.memref_slice %dma_wait3A_383[%dma_wait3A_384] : memref<20000xf32, #tpu.memory_space<hbm>> -> memref<20000xf32, #tpu.memory_space<hbm>>
      tpu.wait_indirect_dma semaphore(%arg18 : memref<!tpu.dma_semaphore, #tpu.memory_space<semaphore_mem>>) src(%dma_wait3A_385 : memref<20000xf32, #tpu.memory_space<hbm>>) dst(%arg17 : memref<6144xf32, #tpu.memory_space<vmem>>)
      %run_scoped3A_386 = arith.constant 3 : i32
      "tpu.region"() ({
        %run_scoped3A_387 = tpu.sem_alloc : memref<!tpu.dma_semaphore, #tpu.memory_space<semaphore_mem>>
        %dma_start3A_388 = arith.constant 0 : i32
        %dma_start3A_389 = arith.constant 0 : i32
        %dma_start3A_390 = tpu.memref_slice %arg6[%arg0, %dma_start3A_388, %dma_start3A_389] : memref<2x4x6144xf32, #tpu.memory_space<hbm>> -> memref<1x4x6144xf32, #tpu.memory_space<hbm>>
        %dma_start3A_391 = tpu.memref_squeeze %dma_start3A_390 : memref<1x4x6144xf32, #tpu.memory_space<hbm>> -> memref<4x6144xf32, #tpu.memory_space<hbm>>
        %dma_start3A_392 = arith.constant 0 : i32
        %dma_start3A_393 = tpu.memref_slice %dma_start3A_391[%run_scoped3A_386, %dma_start3A_392] : memref<4x6144xf32, #tpu.memory_space<hbm>> -> memref<1x6144xf32, #tpu.memory_space<hbm>>
        %dma_start3A_394 = tpu.memref_squeeze %dma_start3A_393 : memref<1x6144xf32, #tpu.memory_space<hbm>> -> memref<6144xf32, #tpu.memory_space<hbm>>
        %dma_start3A_395 = arith.constant 0 : i32
        %dma_start3A_396 = arith.constant 0 : i32
        %dma_start3A_397 = tpu.memref_slice %arg6[%arg0, %dma_start3A_395, %dma_start3A_396] : memref<2x4x6144xf32, #tpu.memory_space<hbm>> -> memref<1x4x6144xf32, #tpu.memory_space<hbm>>
        %dma_start3A_398 = tpu.memref_squeeze %dma_start3A_397 : memref<1x4x6144xf32, #tpu.memory_space<hbm>> -> memref<4x6144xf32, #tpu.memory_space<hbm>>
        %dma_start3A_399 = arith.constant 0 : i32
        %dma_start3A_400 = tpu.memref_slice %dma_start3A_398[%run_scoped3A_386, %dma_start3A_399] : memref<4x6144xf32, #tpu.memory_space<hbm>> -> memref<1x6144xf32, #tpu.memory_space<hbm>>
        %dma_start3A_401 = tpu.memref_squeeze %dma_start3A_400 : memref<1x6144xf32, #tpu.memory_space<hbm>> -> memref<6144xf32, #tpu.memory_space<hbm>>
        tpu.enqueue_dma source(%arg17 : memref<6144xf32, #tpu.memory_space<vmem>>) target(%dma_start3A_401 : memref<6144xf32, #tpu.memory_space<hbm>>) target_semaphore(%run_scoped3A_387 : memref<!tpu.dma_semaphore, #tpu.memory_space<semaphore_mem>>)
        %dma_wait3A_402 = arith.constant 0 : i32
        %dma_wait3A_403 = arith.constant 0 : i32
        %dma_wait3A_404 = tpu.memref_slice %arg6[%arg0, %dma_wait3A_402, %dma_wait3A_403] : memref<2x4x6144xf32, #tpu.memory_space<hbm>> -> memref<1x4x6144xf32, #tpu.memory_space<hbm>>
        %dma_wait3A_405 = tpu.memref_squeeze %dma_wait3A_404 : memref<1x4x6144xf32, #tpu.memory_space<hbm>> -> memref<4x6144xf32, #tpu.memory_space<hbm>>
        %dma_wait3A_406 = arith.constant 0 : i32
        %dma_wait3A_407 = tpu.memref_slice %dma_wait3A_405[%run_scoped3A_386, %dma_wait3A_406] : memref<4x6144xf32, #tpu.memory_space<hbm>> -> memref<1x6144xf32, #tpu.memory_space<hbm>>
        %dma_wait3A_408 = tpu.memref_squeeze %dma_wait3A_407 : memref<1x6144xf32, #tpu.memory_space<hbm>> -> memref<6144xf32, #tpu.memory_space<hbm>>
        %dma_wait3A_409 = arith.constant 0 : i32
        %dma_wait3A_410 = arith.constant 0 : i32
        %dma_wait3A_411 = tpu.memref_slice %arg6[%arg0, %dma_wait3A_409, %dma_wait3A_410] : memref<2x4x6144xf32, #tpu.memory_space<hbm>> -> memref<1x4x6144xf32, #tpu.memory_space<hbm>>
        %dma_wait3A_412 = tpu.memref_squeeze %dma_wait3A_411 : memref<1x4x6144xf32, #tpu.memory_space<hbm>> -> memref<4x6144xf32, #tpu.memory_space<hbm>>
        %dma_wait3A_413 = arith.constant 0 : i32
        %dma_wait3A_414 = tpu.memref_slice %dma_wait3A_412[%run_scoped3A_386, %dma_wait3A_413] : memref<4x6144xf32, #tpu.memory_space<hbm>> -> memref<1x6144xf32, #tpu.memory_space<hbm>>
        %dma_wait3A_415 = tpu.memref_squeeze %dma_wait3A_414 : memref<1x6144xf32, #tpu.memory_space<hbm>> -> memref<6144xf32, #tpu.memory_space<hbm>>
        tpu.wait_dma2 semaphore(%run_scoped3A_387 : memref<!tpu.dma_semaphore, #tpu.memory_space<semaphore_mem>>) src(%arg17 : memref<6144xf32, #tpu.memory_space<vmem>>) dst(%dma_wait3A_415 : memref<6144xf32, #tpu.memory_space<hbm>>)
        tpu.yield
      }) : () -> ()
    } else {
    }
    return
  }
}

module attributes {stable_mosaic.version = 14 : i64} {
  func.func @_nms_body(%arg0: i32, %arg1: memref<1x4x6144xf32, #tpu.memory_space<vmem>>, %arg2: memref<1x4x6144xf32, #tpu.memory_space<vmem>>, %arg3: memref<1x4x1024xf32, #tpu.memory_space<vmem>>, %arg4: memref<8x6144xf32, #tpu.memory_space<vmem>>, %arg5: memref<6144x1xf32, #tpu.memory_space<vmem>>) attributes {dimension_semantics = [#tpu.dimension_semantics<arbitrary>], iteration_bounds = array<i64: 2>, scalar_prefetch = 0 : i64, scratch_operands = 2 : i64, tpu.core_type = #tpu.core_type<tc>, window_params = [{transform_indices = @transform_0, window_bounds = array<i64: 1, 4, 6144>}, {transform_indices = @transform_1, window_bounds = array<i64: 1, 4, 6144>}, {transform_indices = @transform_2, window_bounds = array<i64: 1, 4, 1024>}]} {
    %get3A = arith.constant 0 : index
    %get3A_0 = arith.constant 0 : index
    %get3A_1 = arith.constant 0 : index
    %get3A_2 = vector.load %arg1[%get3A, %get3A_0, %get3A_1] : memref<1x4x6144xf32, #tpu.memory_space<vmem>>, vector<1x4x6144xf32>
    %get3A_3 = vector.shape_cast %get3A_2 : vector<1x4x6144xf32> to vector<4x6144xf32>
    %get3A_4 = arith.constant 0 : index
    %get3A_5 = arith.constant 0 : index
    %get3A_6 = arith.constant 0 : index
    %get3A_7 = vector.load %arg2[%get3A_4, %get3A_5, %get3A_6] : memref<1x4x6144xf32, #tpu.memory_space<vmem>>, vector<1x4x6144xf32>
    %get3A_8 = vector.shape_cast %get3A_7 : vector<1x4x6144xf32> to vector<4x6144xf32>
    %slice3A = vector.extract_strided_slice %get3A_3 {offsets = [0, 0], sizes = [1, 6144], strides = [1, 1]} : vector<4x6144xf32> to vector<1x6144xf32>
    %slice3A_9 = vector.extract_strided_slice %get3A_3 {offsets = [1, 0], sizes = [1, 6144], strides = [1, 1]} : vector<4x6144xf32> to vector<1x6144xf32>
    %slice3A_10 = vector.extract_strided_slice %get3A_3 {offsets = [2, 0], sizes = [1, 6144], strides = [1, 1]} : vector<4x6144xf32> to vector<1x6144xf32>
    %slice3A_11 = vector.extract_strided_slice %get3A_3 {offsets = [3, 0], sizes = [1, 6144], strides = [1, 1]} : vector<4x6144xf32> to vector<1x6144xf32>
    %slice3A_12 = vector.extract_strided_slice %get3A_8 {offsets = [0, 0], sizes = [1, 6144], strides = [1, 1]} : vector<4x6144xf32> to vector<1x6144xf32>
    %mul3A = arith.constant 1.000000e-01 : f32
    %mul3A_13 = vector.broadcast %mul3A : f32 to vector<1x6144xf32>
    %mul3A_14 = arith.mulf %slice3A_12, %mul3A_13 : vector<1x6144xf32>
    %slice3A_15 = vector.extract_strided_slice %get3A_8 {offsets = [1, 0], sizes = [1, 6144], strides = [1, 1]} : vector<4x6144xf32> to vector<1x6144xf32>
    %mul3A_16 = arith.constant 1.000000e-01 : f32
    %mul3A_17 = vector.broadcast %mul3A_16 : f32 to vector<1x6144xf32>
    %mul3A_18 = arith.mulf %slice3A_15, %mul3A_17 : vector<1x6144xf32>
    %slice3A_19 = vector.extract_strided_slice %get3A_8 {offsets = [2, 0], sizes = [1, 6144], strides = [1, 1]} : vector<4x6144xf32> to vector<1x6144xf32>
    %mul3A_20 = arith.constant 2.000000e-01 : f32
    %mul3A_21 = vector.broadcast %mul3A_20 : f32 to vector<1x6144xf32>
    %mul3A_22 = arith.mulf %slice3A_19, %mul3A_21 : vector<1x6144xf32>
    %slice3A_23 = vector.extract_strided_slice %get3A_8 {offsets = [3, 0], sizes = [1, 6144], strides = [1, 1]} : vector<4x6144xf32> to vector<1x6144xf32>
    %mul3A_24 = arith.constant 2.000000e-01 : f32
    %mul3A_25 = vector.broadcast %mul3A_24 : f32 to vector<1x6144xf32>
    %mul3A_26 = arith.mulf %slice3A_23, %mul3A_25 : vector<1x6144xf32>
    %sub3A = arith.subf %slice3A_10, %slice3A : vector<1x6144xf32>
    %sub3A_27 = arith.subf %slice3A_11, %slice3A_9 : vector<1x6144xf32>
    %mul3A_28 = arith.constant 5.000000e-01 : f32
    %mul3A_29 = vector.broadcast %mul3A_28 : f32 to vector<1x6144xf32>
    %mul3A_30 = arith.mulf %mul3A_29, %sub3A : vector<1x6144xf32>
    %add3A = arith.addf %slice3A, %mul3A_30 : vector<1x6144xf32>
    %mul3A_31 = arith.mulf %mul3A_14, %sub3A : vector<1x6144xf32>
    %add3A_32 = arith.addf %add3A, %mul3A_31 : vector<1x6144xf32>
    %mul3A_33 = arith.constant 5.000000e-01 : f32
    %mul3A_34 = vector.broadcast %mul3A_33 : f32 to vector<1x6144xf32>
    %mul3A_35 = arith.mulf %mul3A_34, %sub3A_27 : vector<1x6144xf32>
    %add3A_36 = arith.addf %slice3A_9, %mul3A_35 : vector<1x6144xf32>
    %mul3A_37 = arith.mulf %mul3A_18, %sub3A_27 : vector<1x6144xf32>
    %add3A_38 = arith.addf %add3A_36, %mul3A_37 : vector<1x6144xf32>
    %exp3A = math.exp %mul3A_22 : vector<1x6144xf32>
    %mul3A_39 = arith.mulf %sub3A, %exp3A : vector<1x6144xf32>
    %exp3A_40 = math.exp %mul3A_26 : vector<1x6144xf32>
    %mul3A_41 = arith.mulf %sub3A_27, %exp3A_40 : vector<1x6144xf32>
    %mul3A_42 = arith.constant 5.000000e-01 : f32
    %mul3A_43 = vector.broadcast %mul3A_42 : f32 to vector<1x6144xf32>
    %mul3A_44 = arith.mulf %mul3A_43, %mul3A_39 : vector<1x6144xf32>
    %sub3A_45 = arith.subf %add3A_32, %mul3A_44 : vector<1x6144xf32>
    %mul3A_46 = arith.constant 5.000000e-01 : f32
    %mul3A_47 = vector.broadcast %mul3A_46 : f32 to vector<1x6144xf32>
    %mul3A_48 = arith.mulf %mul3A_47, %mul3A_41 : vector<1x6144xf32>
    %sub3A_49 = arith.subf %add3A_38, %mul3A_48 : vector<1x6144xf32>
    %add3A_50 = arith.addf %sub3A_45, %mul3A_39 : vector<1x6144xf32>
    %add3A_51 = arith.addf %sub3A_49, %mul3A_41 : vector<1x6144xf32>
    %jit3A = arith.constant 0.000000e+00 : f32
    %jit3A_52 = arith.constant 1.000000e+00 : f32
    %max3A = vector.broadcast %jit3A : f32 to vector<1x6144xf32>
    %max3A_53 = arith.maximumf %max3A, %sub3A_45 : vector<1x6144xf32>
    %min3A = vector.broadcast %jit3A_52 : f32 to vector<1x6144xf32>
    %min3A_54 = arith.minimumf %min3A, %max3A_53 : vector<1x6144xf32>
    %jit3A_55 = arith.constant 0.000000e+00 : f32
    %jit3A_56 = arith.constant 1.000000e+00 : f32
    %max3A_57 = vector.broadcast %jit3A_55 : f32 to vector<1x6144xf32>
    %max3A_58 = arith.maximumf %max3A_57, %sub3A_49 : vector<1x6144xf32>
    %min3A_59 = vector.broadcast %jit3A_56 : f32 to vector<1x6144xf32>
    %min3A_60 = arith.minimumf %min3A_59, %max3A_58 : vector<1x6144xf32>
    %jit3A_61 = arith.constant 0.000000e+00 : f32
    %jit3A_62 = arith.constant 1.000000e+00 : f32
    %max3A_63 = vector.broadcast %jit3A_61 : f32 to vector<1x6144xf32>
    %max3A_64 = arith.maximumf %max3A_63, %add3A_50 : vector<1x6144xf32>
    %min3A_65 = vector.broadcast %jit3A_62 : f32 to vector<1x6144xf32>
    %min3A_66 = arith.minimumf %min3A_65, %max3A_64 : vector<1x6144xf32>
    %jit3A_67 = arith.constant 0.000000e+00 : f32
    %jit3A_68 = arith.constant 1.000000e+00 : f32
    %max3A_69 = vector.broadcast %jit3A_67 : f32 to vector<1x6144xf32>
    %max3A_70 = arith.maximumf %max3A_69, %add3A_51 : vector<1x6144xf32>
    %min3A_71 = vector.broadcast %jit3A_68 : f32 to vector<1x6144xf32>
    %min3A_72 = arith.minimumf %min3A_71, %max3A_70 : vector<1x6144xf32>
    %sub3A_73 = arith.subf %min3A_66, %min3A_54 : vector<1x6144xf32>
    %sub3A_74 = arith.subf %min3A_72, %min3A_60 : vector<1x6144xf32>
    %mul3A_75 = arith.mulf %sub3A_73, %sub3A_74 : vector<1x6144xf32>
    %swap3A = arith.constant 0 : index
    %swap3A_76 = arith.constant 0 : index
    %swap3A_77 = vector.load %arg4[%swap3A, %swap3A_76] : memref<8x6144xf32, #tpu.memory_space<vmem>>, vector<1x6144xf32>
    tpu.vector_store %arg4[%swap3A, %swap3A_76], %min3A_54 {strides = array<i32>} : memref<8x6144xf32, #tpu.memory_space<vmem>>, vector<1x6144xf32>,
    %swap3A_78 = arith.constant 1 : index
    %swap3A_79 = arith.constant 0 : index
    %swap3A_80 = vector.load %arg4[%swap3A_78, %swap3A_79] : memref<8x6144xf32, #tpu.memory_space<vmem>>, vector<1x6144xf32>
    tpu.vector_store %arg4[%swap3A_78, %swap3A_79], %min3A_60 {strides = array<i32>} : memref<8x6144xf32, #tpu.memory_space<vmem>>, vector<1x6144xf32>,
    %swap3A_81 = arith.constant 2 : index
    %swap3A_82 = arith.constant 0 : index
    %swap3A_83 = vector.load %arg4[%swap3A_81, %swap3A_82] : memref<8x6144xf32, #tpu.memory_space<vmem>>, vector<1x6144xf32>
    tpu.vector_store %arg4[%swap3A_81, %swap3A_82], %min3A_66 {strides = array<i32>} : memref<8x6144xf32, #tpu.memory_space<vmem>>, vector<1x6144xf32>,
    %swap3A_84 = arith.constant 3 : index
    %swap3A_85 = arith.constant 0 : index
    %swap3A_86 = vector.load %arg4[%swap3A_84, %swap3A_85] : memref<8x6144xf32, #tpu.memory_space<vmem>>, vector<1x6144xf32>
    tpu.vector_store %arg4[%swap3A_84, %swap3A_85], %min3A_72 {strides = array<i32>} : memref<8x6144xf32, #tpu.memory_space<vmem>>, vector<1x6144xf32>,
    %swap3A_87 = arith.constant 4 : index
    %swap3A_88 = arith.constant 0 : index
    %swap3A_89 = vector.load %arg4[%swap3A_87, %swap3A_88] : memref<8x6144xf32, #tpu.memory_space<vmem>>, vector<1x6144xf32>
    tpu.vector_store %arg4[%swap3A_87, %swap3A_88], %mul3A_75 {strides = array<i32>} : memref<8x6144xf32, #tpu.memory_space<vmem>>, vector<1x6144xf32>,
    %broadcast_in_dim3A = arith.constant 0.000000e+00 : f32
    %broadcast_in_dim3A_90 = vector.broadcast %broadcast_in_dim3A : f32 to vector<4x1024xf32>
    %swap3A_91 = arith.constant 0 : index
    %swap3A_92 = arith.constant 0 : index
    %swap3A_93 = arith.constant 0 : index
    %swap3A_94 = vector.load %arg3[%swap3A_91, %swap3A_92, %swap3A_93] : memref<1x4x1024xf32, #tpu.memory_space<vmem>>, vector<1x4x1024xf32>
    %swap3A_95 = vector.shape_cast %swap3A_94 : vector<1x4x1024xf32> to vector<4x1024xf32>
    %swap3A_96 = vector.shape_cast %broadcast_in_dim3A_90 : vector<4x1024xf32> to vector<1x4x1024xf32>
    tpu.vector_store %arg3[%swap3A_91, %swap3A_92, %swap3A_93], %swap3A_96 {strides = array<i32>} : memref<1x4x1024xf32, #tpu.memory_space<vmem>>, vector<1x4x1024xf32>,
    %iota3A = tpu.iota {dimensions = array<i32: 0>} : vector<256x256xi32>
    %iota3A_97 = tpu.iota {dimensions = array<i32: 1>} : vector<256x256xi32>
    %lt3A = arith.cmpi slt, %iota3A_97, %iota3A : vector<256x256xi32>
    %convert_element_type3A = arith.extui %lt3A : vector<256x256xi1> to vector<256x256xi32>
    %convert_element_type3A_98 = arith.sitofp %convert_element_type3A : vector<256x256xi32> to vector<256x256xf32>
    %iota3A_99 = tpu.iota {dimensions = array<i32: 1>} : vector<1x1024xi32>
    %iota3A_100 = tpu.iota {dimensions = array<i32: 0>} : vector<256x1xi32>
    %scan3A = arith.constant 0.000000e+00 : f32
    %scan3A_101 = arith.constant 0 : i32
    %scan3A_102 = arith.constant 24 : i32
    %scan3A_103 = arith.addi %scan3A_101, %scan3A_102 : i32
    %scan3A_104 = arith.constant 1 : i32
    %scan3A_105 = scf.for %scan3A_107 = %scan3A_101 to %scan3A_103 step %scan3A_104 iter_args(%scan3A_108 = %scan3A) -> (f32)  : i32 {
      %lt3A_109 = arith.constant 1.000000e+03 : f32
      %lt3A_110 = arith.cmpf olt, %scan3A_108, %lt3A_109 : f32
      %convert_element_type3A_111 = arith.extui %lt3A_110 : i1 to i32
      %cond3A = arith.constant 0 : i32
      %cond3A_112 = arith.cmpi ne, %convert_element_type3A_111, %cond3A : i32
      %cond3A_113 = scf.if %cond3A_112 -> (f32) {
        %mul3A_114 = arith.constant 256 : i32
        %mul3A_115 = arith.muli %scan3A_107, %mul3A_114 : i32
        %multiple_of3A = tpu.assume_multiple %mul3A_115, 256 : i32
        %get3A_116 = arith.constant 0 : index
        %get3A_117 = arith.index_cast %multiple_of3A : i32 to index
        %get3A_118 = vector.load %arg4[%get3A_116, %get3A_117] : memref<8x6144xf32, #tpu.memory_space<vmem>>, vector<1x256xf32>
        %get3A_119 = arith.constant 1 : index
        %get3A_120 = arith.index_cast %multiple_of3A : i32 to index
        %get3A_121 = vector.load %arg4[%get3A_119, %get3A_120] : memref<8x6144xf32, #tpu.memory_space<vmem>>, vector<1x256xf32>
        %get3A_122 = arith.constant 2 : index
        %get3A_123 = arith.index_cast %multiple_of3A : i32 to index
        %get3A_124 = vector.load %arg4[%get3A_122, %get3A_123] : memref<8x6144xf32, #tpu.memory_space<vmem>>, vector<1x256xf32>
        %get3A_125 = arith.constant 3 : index
        %get3A_126 = arith.index_cast %multiple_of3A : i32 to index
        %get3A_127 = vector.load %arg4[%get3A_125, %get3A_126] : memref<8x6144xf32, #tpu.memory_space<vmem>>, vector<1x256xf32>
        %get3A_128 = arith.constant 4 : index
        %get3A_129 = arith.index_cast %multiple_of3A : i32 to index
        %get3A_130 = vector.load %arg4[%get3A_128, %get3A_129] : memref<8x6144xf32, #tpu.memory_space<vmem>>, vector<1x256xf32>
        %transpose3A = tpu.transpose %get3A_118, [1, 0] : vector<1x256xf32> -> vector<256x1xf32>
        %transpose3A_131 = tpu.transpose %get3A_121, [1, 0] : vector<1x256xf32> -> vector<256x1xf32>
        %transpose3A_132 = tpu.transpose %get3A_124, [1, 0] : vector<1x256xf32> -> vector<256x1xf32>
        %transpose3A_133 = tpu.transpose %get3A_127, [1, 0] : vector<1x256xf32> -> vector<256x1xf32>
        %transpose3A_134 = tpu.transpose %get3A_130, [1, 0] : vector<1x256xf32> -> vector<256x1xf32>
        %broadcast_in_dim3A_135 = arith.constant 0.000000e+00 : f32
        %broadcast_in_dim3A_136 = vector.broadcast %broadcast_in_dim3A_135 : f32 to vector<256x1xf32>
        %while3A = arith.constant 0 : i32
        %while3A_137 = arith.subi %scan3A_107, %while3A : i32
        %while3A_138 = arith.addi %while3A, %while3A_137 : i32
        %while3A_139 = arith.constant 1 : i32
        %while3A_140 = arith.divsi %while3A_137, %while3A_139 : i32
        %while3A_141 = arith.muli %while3A_140, %while3A_139 : i32
        %while3A_142 = arith.addi %while3A, %while3A_141 : i32
        %while3A_143 = arith.constant 1 : i32
        %while3A_144 = scf.for %while3A_229 = %while3A to %while3A_142 step %while3A_143 iter_args(%while3A_230 = %broadcast_in_dim3A_136) -> (vector<256x1xf32>)  : i32 {
          %mul3A_231 = arith.constant 256 : i32
          %mul3A_232 = arith.muli %while3A_229, %mul3A_231 : i32
          %multiple_of3A_233 = tpu.assume_multiple %mul3A_232, 256 : i32
          %get3A_234 = arith.constant 0 : index
          %get3A_235 = arith.index_cast %multiple_of3A_233 : i32 to index
          %get3A_236 = vector.load %arg4[%get3A_234, %get3A_235] : memref<8x6144xf32, #tpu.memory_space<vmem>>, vector<1x256xf32>
          %get3A_237 = arith.constant 1 : index
          %get3A_238 = arith.index_cast %multiple_of3A_233 : i32 to index
          %get3A_239 = vector.load %arg4[%get3A_237, %get3A_238] : memref<8x6144xf32, #tpu.memory_space<vmem>>, vector<1x256xf32>
          %get3A_240 = arith.constant 2 : index
          %get3A_241 = arith.index_cast %multiple_of3A_233 : i32 to index
          %get3A_242 = vector.load %arg4[%get3A_240, %get3A_241] : memref<8x6144xf32, #tpu.memory_space<vmem>>, vector<1x256xf32>
          %get3A_243 = arith.constant 3 : index
          %get3A_244 = arith.index_cast %multiple_of3A_233 : i32 to index
          %get3A_245 = vector.load %arg4[%get3A_243, %get3A_244] : memref<8x6144xf32, #tpu.memory_space<vmem>>, vector<1x256xf32>
          %get3A_246 = arith.constant 4 : index
          %get3A_247 = arith.index_cast %multiple_of3A_233 : i32 to index
          %get3A_248 = vector.load %arg4[%get3A_246, %get3A_247] : memref<8x6144xf32, #tpu.memory_space<vmem>>, vector<1x256xf32>
          %max3A_249 = vector.broadcast %get3A_236 : vector<1x256xf32> to vector<256x256xf32>
          %max3A_250 = vector.broadcast %transpose3A : vector<256x1xf32> to vector<256x256xf32>
          %max3A_251 = arith.maximumf %max3A_249, %max3A_250 : vector<256x256xf32>
          %max3A_252 = vector.broadcast %get3A_239 : vector<1x256xf32> to vector<256x256xf32>
          %max3A_253 = vector.broadcast %transpose3A_131 : vector<256x1xf32> to vector<256x256xf32>
          %max3A_254 = arith.maximumf %max3A_252, %max3A_253 : vector<256x256xf32>
          %min3A_255 = vector.broadcast %get3A_242 : vector<1x256xf32> to vector<256x256xf32>
          %min3A_256 = vector.broadcast %transpose3A_132 : vector<256x1xf32> to vector<256x256xf32>
          %min3A_257 = arith.minimumf %min3A_255, %min3A_256 : vector<256x256xf32>
          %min3A_258 = vector.broadcast %get3A_245 : vector<1x256xf32> to vector<256x256xf32>
          %min3A_259 = vector.broadcast %transpose3A_133 : vector<256x1xf32> to vector<256x256xf32>
          %min3A_260 = arith.minimumf %min3A_258, %min3A_259 : vector<256x256xf32>
          %sub3A_261 = arith.subf %min3A_257, %max3A_251 : vector<256x256xf32>
          %max3A_262 = arith.constant 0.000000e+00 : f32
          %max3A_263 = vector.broadcast %max3A_262 : f32 to vector<256x256xf32>
          %max3A_264 = arith.maximumf %sub3A_261, %max3A_263 : vector<256x256xf32>
          %sub3A_265 = arith.subf %min3A_260, %max3A_254 : vector<256x256xf32>
          %max3A_266 = arith.constant 0.000000e+00 : f32
          %max3A_267 = vector.broadcast %max3A_266 : f32 to vector<256x256xf32>
          %max3A_268 = arith.maximumf %sub3A_265, %max3A_267 : vector<256x256xf32>
          %mul3A_269 = arith.mulf %max3A_264, %max3A_268 : vector<256x256xf32>
          %add3A_270 = vector.broadcast %get3A_248 : vector<1x256xf32> to vector<256x256xf32>
          %add3A_271 = vector.broadcast %transpose3A_134 : vector<256x1xf32> to vector<256x256xf32>
          %add3A_272 = arith.addf %add3A_270, %add3A_271 : vector<256x256xf32>
          %sub3A_273 = arith.subf %add3A_272, %mul3A_269 : vector<256x256xf32>
          %add3A_274 = arith.constant 9.99999993E-9 : f32
          %add3A_275 = vector.broadcast %add3A_274 : f32 to vector<256x256xf32>
          %add3A_276 = arith.addf %sub3A_273, %add3A_275 : vector<256x256xf32>
          %div3A_277 = arith.divf %mul3A_269, %add3A_276 : vector<256x256xf32>
          %gt3A_278 = arith.constant 0.699999988 : f32
          %gt3A_279 = vector.broadcast %gt3A_278 : f32 to vector<256x256xf32>
          %gt3A_280 = arith.cmpf ogt, %div3A_277, %gt3A_279 : vector<256x256xf32>
          %convert_element_type3A_281 = arith.extui %gt3A_280 : vector<256x256xi1> to vector<256x256xi32>
          %convert_element_type3A_282 = arith.sitofp %convert_element_type3A_281 : vector<256x256xi32> to vector<256x256xf32>
          %get3A_283 = arith.index_cast %multiple_of3A_233 : i32 to index
          %get3A_284 = arith.constant 0 : index
          %get3A_285 = vector.load %arg5[%get3A_283, %get3A_284] : memref<6144x1xf32, #tpu.memory_space<vmem>>, vector<256x1xf32>
          %dot_general3A_286 = arith.constant dense<0.000000e+00> : vector<256x1xf32>
          %dot_general3A_287 = tpu.matmul %convert_element_type3A_282, %get3A_285, %dot_general3A_286 {dimension_numbers = #tpu.dot_dimension_numbers<[1], [0], [0], [1], [0, 0, 1, 1], [], []>, transpose_lhs_hint = false} : vector<256x256xf32>, vector<256x1xf32>, vector<256x1xf32> -> vector<256x1xf32>
          %add3A_288 = arith.addf %while3A_230, %dot_general3A_287 : vector<256x1xf32>
          scf.yield %add3A_288 : vector<256x1xf32>
        }
        %while3A_145 = arith.constant 1 : i32
        %while3A_146 = scf.for %while3A_229 = %while3A_142 to %while3A_138 step %while3A_145 iter_args(%while3A_230 = %while3A_144) -> (vector<256x1xf32>)  : i32 {
          %mul3A_231 = arith.constant 256 : i32
          %mul3A_232 = arith.muli %while3A_229, %mul3A_231 : i32
          %multiple_of3A_233 = tpu.assume_multiple %mul3A_232, 256 : i32
          %get3A_234 = arith.constant 0 : index
          %get3A_235 = arith.index_cast %multiple_of3A_233 : i32 to index
          %get3A_236 = vector.load %arg4[%get3A_234, %get3A_235] : memref<8x6144xf32, #tpu.memory_space<vmem>>, vector<1x256xf32>
          %get3A_237 = arith.constant 1 : index
          %get3A_238 = arith.index_cast %multiple_of3A_233 : i32 to index
          %get3A_239 = vector.load %arg4[%get3A_237, %get3A_238] : memref<8x6144xf32, #tpu.memory_space<vmem>>, vector<1x256xf32>
          %get3A_240 = arith.constant 2 : index
          %get3A_241 = arith.index_cast %multiple_of3A_233 : i32 to index
          %get3A_242 = vector.load %arg4[%get3A_240, %get3A_241] : memref<8x6144xf32, #tpu.memory_space<vmem>>, vector<1x256xf32>
          %get3A_243 = arith.constant 3 : index
          %get3A_244 = arith.index_cast %multiple_of3A_233 : i32 to index
          %get3A_245 = vector.load %arg4[%get3A_243, %get3A_244] : memref<8x6144xf32, #tpu.memory_space<vmem>>, vector<1x256xf32>
          %get3A_246 = arith.constant 4 : index
          %get3A_247 = arith.index_cast %multiple_of3A_233 : i32 to index
          %get3A_248 = vector.load %arg4[%get3A_246, %get3A_247] : memref<8x6144xf32, #tpu.memory_space<vmem>>, vector<1x256xf32>
          %max3A_249 = vector.broadcast %get3A_236 : vector<1x256xf32> to vector<256x256xf32>
          %max3A_250 = vector.broadcast %transpose3A : vector<256x1xf32> to vector<256x256xf32>
          %max3A_251 = arith.maximumf %max3A_249, %max3A_250 : vector<256x256xf32>
          %max3A_252 = vector.broadcast %get3A_239 : vector<1x256xf32> to vector<256x256xf32>
          %max3A_253 = vector.broadcast %transpose3A_131 : vector<256x1xf32> to vector<256x256xf32>
          %max3A_254 = arith.maximumf %max3A_252, %max3A_253 : vector<256x256xf32>
          %min3A_255 = vector.broadcast %get3A_242 : vector<1x256xf32> to vector<256x256xf32>
          %min3A_256 = vector.broadcast %transpose3A_132 : vector<256x1xf32> to vector<256x256xf32>
          %min3A_257 = arith.minimumf %min3A_255, %min3A_256 : vector<256x256xf32>
          %min3A_258 = vector.broadcast %get3A_245 : vector<1x256xf32> to vector<256x256xf32>
          %min3A_259 = vector.broadcast %transpose3A_133 : vector<256x1xf32> to vector<256x256xf32>
          %min3A_260 = arith.minimumf %min3A_258, %min3A_259 : vector<256x256xf32>
          %sub3A_261 = arith.subf %min3A_257, %max3A_251 : vector<256x256xf32>
          %max3A_262 = arith.constant 0.000000e+00 : f32
          %max3A_263 = vector.broadcast %max3A_262 : f32 to vector<256x256xf32>
          %max3A_264 = arith.maximumf %sub3A_261, %max3A_263 : vector<256x256xf32>
          %sub3A_265 = arith.subf %min3A_260, %max3A_254 : vector<256x256xf32>
          %max3A_266 = arith.constant 0.000000e+00 : f32
          %max3A_267 = vector.broadcast %max3A_266 : f32 to vector<256x256xf32>
          %max3A_268 = arith.maximumf %sub3A_265, %max3A_267 : vector<256x256xf32>
          %mul3A_269 = arith.mulf %max3A_264, %max3A_268 : vector<256x256xf32>
          %add3A_270 = vector.broadcast %get3A_248 : vector<1x256xf32> to vector<256x256xf32>
          %add3A_271 = vector.broadcast %transpose3A_134 : vector<256x1xf32> to vector<256x256xf32>
          %add3A_272 = arith.addf %add3A_270, %add3A_271 : vector<256x256xf32>
          %sub3A_273 = arith.subf %add3A_272, %mul3A_269 : vector<256x256xf32>
          %add3A_274 = arith.constant 9.99999993E-9 : f32
          %add3A_275 = vector.broadcast %add3A_274 : f32 to vector<256x256xf32>
          %add3A_276 = arith.addf %sub3A_273, %add3A_275 : vector<256x256xf32>
          %div3A_277 = arith.divf %mul3A_269, %add3A_276 : vector<256x256xf32>
          %gt3A_278 = arith.constant 0.699999988 : f32
          %gt3A_279 = vector.broadcast %gt3A_278 : f32 to vector<256x256xf32>
          %gt3A_280 = arith.cmpf ogt, %div3A_277, %gt3A_279 : vector<256x256xf32>
          %convert_element_type3A_281 = arith.extui %gt3A_280 : vector<256x256xi1> to vector<256x256xi32>
          %convert_element_type3A_282 = arith.sitofp %convert_element_type3A_281 : vector<256x256xi32> to vector<256x256xf32>
          %get3A_283 = arith.index_cast %multiple_of3A_233 : i32 to index
          %get3A_284 = arith.constant 0 : index
          %get3A_285 = vector.load %arg5[%get3A_283, %get3A_284] : memref<6144x1xf32, #tpu.memory_space<vmem>>, vector<256x1xf32>
          %dot_general3A_286 = arith.constant dense<0.000000e+00> : vector<256x1xf32>
          %dot_general3A_287 = tpu.matmul %convert_element_type3A_282, %get3A_285, %dot_general3A_286 {dimension_numbers = #tpu.dot_dimension_numbers<[1], [0], [0], [1], [0, 0, 1, 1], [], []>, transpose_lhs_hint = false} : vector<256x256xf32>, vector<256x1xf32>, vector<256x1xf32> -> vector<256x1xf32>
          %add3A_288 = arith.addf %while3A_230, %dot_general3A_287 : vector<256x1xf32>
          scf.yield %add3A_288 : vector<256x1xf32>
        }
        %add3A_147 = vector.broadcast %multiple_of3A : i32 to vector<256x1xi32>
        %add3A_148 = arith.addi %iota3A_100, %add3A_147 : vector<256x1xi32>
        %lt3A_149 = arith.constant 6000 : i32
        %lt3A_150 = vector.broadcast %lt3A_149 : i32 to vector<256x1xi32>
        %lt3A_151 = arith.cmpi slt, %add3A_148, %lt3A_150 : vector<256x1xi32>
        %convert_element_type3A_152 = arith.extui %lt3A_151 : vector<256x1xi1> to vector<256x1xi32>
        %convert_element_type3A_153 = arith.sitofp %convert_element_type3A_152 : vector<256x1xi32> to vector<256x1xf32>
        %lt3A_154 = arith.constant 5.000000e-01 : f32
        %lt3A_155 = vector.broadcast %lt3A_154 : f32 to vector<256x1xf32>
        %lt3A_156 = arith.cmpf olt, %while3A_146, %lt3A_155 : vector<256x1xf32>
        %convert_element_type3A_157 = arith.extui %lt3A_156 : vector<256x1xi1> to vector<256x1xi32>
        %convert_element_type3A_158 = arith.sitofp %convert_element_type3A_157 : vector<256x1xi32> to vector<256x1xf32>
        %mul3A_159 = arith.mulf %convert_element_type3A_153, %convert_element_type3A_158 : vector<256x1xf32>
        %max3A_160 = vector.broadcast %get3A_118 : vector<1x256xf32> to vector<256x256xf32>
        %max3A_161 = vector.broadcast %transpose3A : vector<256x1xf32> to vector<256x256xf32>
        %max3A_162 = arith.maximumf %max3A_160, %max3A_161 : vector<256x256xf32>
        %max3A_163 = vector.broadcast %get3A_121 : vector<1x256xf32> to vector<256x256xf32>
        %max3A_164 = vector.broadcast %transpose3A_131 : vector<256x1xf32> to vector<256x256xf32>
        %max3A_165 = arith.maximumf %max3A_163, %max3A_164 : vector<256x256xf32>
        %min3A_166 = vector.broadcast %get3A_124 : vector<1x256xf32> to vector<256x256xf32>
        %min3A_167 = vector.broadcast %transpose3A_132 : vector<256x1xf32> to vector<256x256xf32>
        %min3A_168 = arith.minimumf %min3A_166, %min3A_167 : vector<256x256xf32>
        %min3A_169 = vector.broadcast %get3A_127 : vector<1x256xf32> to vector<256x256xf32>
        %min3A_170 = vector.broadcast %transpose3A_133 : vector<256x1xf32> to vector<256x256xf32>
        %min3A_171 = arith.minimumf %min3A_169, %min3A_170 : vector<256x256xf32>
        %sub3A_172 = arith.subf %min3A_168, %max3A_162 : vector<256x256xf32>
        %max3A_173 = arith.constant 0.000000e+00 : f32
        %max3A_174 = vector.broadcast %max3A_173 : f32 to vector<256x256xf32>
        %max3A_175 = arith.maximumf %sub3A_172, %max3A_174 : vector<256x256xf32>
        %sub3A_176 = arith.subf %min3A_171, %max3A_165 : vector<256x256xf32>
        %max3A_177 = arith.constant 0.000000e+00 : f32
        %max3A_178 = vector.broadcast %max3A_177 : f32 to vector<256x256xf32>
        %max3A_179 = arith.maximumf %sub3A_176, %max3A_178 : vector<256x256xf32>
        %mul3A_180 = arith.mulf %max3A_175, %max3A_179 : vector<256x256xf32>
        %add3A_181 = vector.broadcast %get3A_130 : vector<1x256xf32> to vector<256x256xf32>
        %add3A_182 = vector.broadcast %transpose3A_134 : vector<256x1xf32> to vector<256x256xf32>
        %add3A_183 = arith.addf %add3A_181, %add3A_182 : vector<256x256xf32>
        %sub3A_184 = arith.subf %add3A_183, %mul3A_180 : vector<256x256xf32>
        %add3A_185 = arith.constant 9.99999993E-9 : f32
        %add3A_186 = vector.broadcast %add3A_185 : f32 to vector<256x256xf32>
        %add3A_187 = arith.addf %sub3A_184, %add3A_186 : vector<256x256xf32>
        %div3A = arith.divf %mul3A_180, %add3A_187 : vector<256x256xf32>
        %gt3A = arith.constant 0.699999988 : f32
        %gt3A_188 = vector.broadcast %gt3A : f32 to vector<256x256xf32>
        %gt3A_189 = arith.cmpf ogt, %div3A, %gt3A_188 : vector<256x256xf32>
        %convert_element_type3A_190 = arith.extui %gt3A_189 : vector<256x256xi1> to vector<256x256xi32>
        %convert_element_type3A_191 = arith.sitofp %convert_element_type3A_190 : vector<256x256xi32> to vector<256x256xf32>
        %mul3A_192 = arith.mulf %convert_element_type3A_191, %convert_element_type3A_98 : vector<256x256xf32>
        %while3A_193 = arith.constant true
        %while3A_194:2 = scf.while (%while3A_229 = %mul3A_159, %while3A_230 = %while3A_193) : (vector<256x1xf32>, i1) -> (vector<256x1xf32>, i1) {
          scf.condition(%while3A_230) %while3A_229, %while3A_230 : vector<256x1xf32>, i1
        } do {
        ^bb0(%while3A_229: vector<256x1xf32>, %while3A_230: i1):
          %dot_general3A_231 = arith.constant dense<0.000000e+00> : vector<256x1xf32>
          %dot_general3A_232 = tpu.matmul %mul3A_192, %while3A_229, %dot_general3A_231 {dimension_numbers = #tpu.dot_dimension_numbers<[1], [0], [0], [1], [0, 0, 1, 1], [], []>, transpose_lhs_hint = false} : vector<256x256xf32>, vector<256x1xf32>, vector<256x1xf32> -> vector<256x1xf32>
          %lt3A_233 = arith.constant 5.000000e-01 : f32
          %lt3A_234 = vector.broadcast %lt3A_233 : f32 to vector<256x1xf32>
          %lt3A_235 = arith.cmpf olt, %dot_general3A_232, %lt3A_234 : vector<256x1xf32>
          %convert_element_type3A_236 = arith.extui %lt3A_235 : vector<256x1xi1> to vector<256x1xi32>
          %convert_element_type3A_237 = arith.sitofp %convert_element_type3A_236 : vector<256x1xi32> to vector<256x1xf32>
          %mul3A_238 = arith.mulf %mul3A_159, %convert_element_type3A_237 : vector<256x1xf32>
          %ne3A = arith.cmpf one, %mul3A_238, %while3A_229 : vector<256x1xf32>
          %reduce_or3A = arith.constant 1.000000e+00 : f32
          %reduce_or3A_239 = arith.constant 0.000000e+00 : f32
          %reduce_or3A_240 = vector.broadcast %reduce_or3A : f32 to vector<256x1xf32>
          %reduce_or3A_241 = vector.broadcast %reduce_or3A_239 : f32 to vector<256x1xf32>
          %reduce_or3A_242 = arith.select %ne3A, %reduce_or3A_240, %reduce_or3A_241 : vector<256x1xi1>, vector<256x1xf32>
          %reduce_or3A_243 = vector.shape_cast %reduce_or3A_242 : vector<256x1xf32> to vector<1x256x1xf32>
          %reduce_or3A_244 = arith.constant dense<0xFF800000> : vector<1xf32>
          %reduce_or3A_245 = vector.multi_reduction <maximumf>, %reduce_or3A_243, %reduce_or3A_244 [1, 2] : vector<1x256x1xf32> to vector<1xf32>
          %reduce_or3A_246 = vector.shape_cast %reduce_or3A_245 : vector<1xf32> to vector<1x1x1xf32>
          %reduce_or3A_247 = vector.extract %reduce_or3A_246[0, 0, 0] : f32 from vector<1x1x1xf32>
          %reduce_or3A_248 = arith.constant 0.000000e+00 : f32
          %reduce_or3A_249 = arith.cmpf ogt, %reduce_or3A_247, %reduce_or3A_248 : f32
          scf.yield %mul3A_238, %reduce_or3A_249 : vector<256x1xf32>, i1
        }
        %swap3A_195 = arith.index_cast %multiple_of3A : i32 to index
        %swap3A_196 = arith.constant 0 : index
        %swap3A_197 = vector.load %arg5[%swap3A_195, %swap3A_196] : memref<6144x1xf32, #tpu.memory_space<vmem>>, vector<256x1xf32>
        tpu.vector_store %arg5[%swap3A_195, %swap3A_196], %while3A_194#0 {strides = array<i32>} : memref<6144x1xf32, #tpu.memory_space<vmem>>, vector<256x1xf32>,
        %dot_general3A = arith.constant dense<0.000000e+00> : vector<256x1xf32>
        %dot_general3A_198 = tpu.matmul %convert_element_type3A_98, %while3A_194#0, %dot_general3A {dimension_numbers = #tpu.dot_dimension_numbers<[1], [0], [0], [1], [0, 0, 1, 1], [], []>, transpose_lhs_hint = false} : vector<256x256xf32>, vector<256x1xf32>, vector<256x1xf32> -> vector<256x1xf32>
        %add3A_199 = vector.broadcast %scan3A_108 : f32 to vector<256x1xf32>
        %add3A_200 = arith.addf %add3A_199, %dot_general3A_198 : vector<256x1xf32>
        %convert_element_type3A_201 = arith.fptosi %add3A_200 : vector<256x1xf32> to vector<256x1xi32>
        %eq3A = vector.broadcast %convert_element_type3A_201 : vector<256x1xi32> to vector<256x1024xi32>
        %eq3A_202 = vector.broadcast %iota3A_99 : vector<1x1024xi32> to vector<256x1024xi32>
        %eq3A_203 = arith.cmpi eq, %eq3A, %eq3A_202 : vector<256x1024xi32>
        %gt3A_204 = arith.constant 5.000000e-01 : f32
        %gt3A_205 = vector.broadcast %gt3A_204 : f32 to vector<256x1xf32>
        %gt3A_206 = arith.cmpf ogt, %while3A_194#0, %gt3A_205 : vector<256x1xf32>
        %and3A = vector.broadcast %gt3A_206 : vector<256x1xi1> to vector<256x1024xi1>
        %and3A_207 = arith.andi %eq3A_203, %and3A : vector<256x1024xi1>
        %convert_element_type3A_208 = arith.extui %and3A_207 : vector<256x1024xi1> to vector<256x1024xi32>
        %convert_element_type3A_209 = arith.sitofp %convert_element_type3A_208 : vector<256x1024xi32> to vector<256x1024xf32>
        %concatenate3A = tpu.concatenate %get3A_118, %get3A_121, %get3A_124, %get3A_127 in 0 : vector<1x256xf32>, vector<1x256xf32>, vector<1x256xf32>, vector<1x256xf32> -> vector<4x256xf32>
        %get3A_210 = arith.constant 0 : index
        %get3A_211 = arith.constant 0 : index
        %get3A_212 = arith.constant 0 : index
        %get3A_213 = vector.load %arg3[%get3A_210, %get3A_211, %get3A_212] : memref<1x4x1024xf32, #tpu.memory_space<vmem>>, vector<1x4x1024xf32>
        %get3A_214 = vector.shape_cast %get3A_213 : vector<1x4x1024xf32> to vector<4x1024xf32>
        %dot_general3A_215 = arith.constant dense<0.000000e+00> : vector<4x1024xf32>
        %dot_general3A_216 = tpu.matmul %concatenate3A, %convert_element_type3A_209, %dot_general3A_215 {dimension_numbers = #tpu.dot_dimension_numbers<[1], [0], [0], [1], [0, 0, 1, 1], [], []>, transpose_lhs_hint = false} : vector<4x256xf32>, vector<256x1024xf32>, vector<4x1024xf32> -> vector<4x1024xf32>
        %add3A_217 = arith.addf %get3A_214, %dot_general3A_216 : vector<4x1024xf32>
        %swap3A_218 = arith.constant 0 : index
        %swap3A_219 = arith.constant 0 : index
        %swap3A_220 = arith.constant 0 : index
        %swap3A_221 = vector.load %arg3[%swap3A_218, %swap3A_219, %swap3A_220] : memref<1x4x1024xf32, #tpu.memory_space<vmem>>, vector<1x4x1024xf32>
        %swap3A_222 = vector.shape_cast %swap3A_221 : vector<1x4x1024xf32> to vector<4x1024xf32>
        %swap3A_223 = vector.shape_cast %add3A_217 : vector<4x1024xf32> to vector<1x4x1024xf32>
        tpu.vector_store %arg3[%swap3A_218, %swap3A_219, %swap3A_220], %swap3A_223 {strides = array<i32>} : memref<1x4x1024xf32, #tpu.memory_space<vmem>>, vector<1x4x1024xf32>,
        %reduce_sum3A = vector.shape_cast %while3A_194#0 : vector<256x1xf32> to vector<1x256x1xf32>
        %reduce_sum3A_224 = arith.constant dense<0.000000e+00> : vector<1xf32>
        %reduce_sum3A_225 = vector.multi_reduction <add>, %reduce_sum3A, %reduce_sum3A_224 [1, 2] : vector<1x256x1xf32> to vector<1xf32>
        %reduce_sum3A_226 = vector.shape_cast %reduce_sum3A_225 : vector<1xf32> to vector<1x1x1xf32>
        %reduce_sum3A_227 = vector.extract %reduce_sum3A_226[0, 0, 0] : f32 from vector<1x1x1xf32>
        %add3A_228 = arith.addf %scan3A_108, %reduce_sum3A_227 : f32
        scf.yield %add3A_228 : f32
      } else {
        scf.yield %scan3A_108 : f32
      }
      scf.yield %cond3A_113 : f32
    }
    %scan3A_106 = arith.constant 24 : i32
    return
  }
  func.func @transform_0(%arg0: i32) -> (i32, i32, i32) {
    %c0_i32 = arith.constant 0 : i32
    %c0_i32_0 = arith.constant 0 : i32
    %c0_i32_1 = arith.constant 0 : i32
    return %arg0, %c0_i32, %c0_i32_0 : i32, i32, i32
  }
  func.func @transform_1(%arg0: i32) -> (i32, i32, i32) {
    %c0_i32 = arith.constant 0 : i32
    %c0_i32_0 = arith.constant 0 : i32
    %c0_i32_1 = arith.constant 0 : i32
    return %arg0, %c0_i32, %c0_i32_0 : i32, i32, i32
  }
  func.func @transform_2(%arg0: i32) -> (i32, i32, i32) {
    %c0_i32 = arith.constant 0 : i32
    %c0_i32_0 = arith.constant 0 : i32
    %c0_i32_1 = arith.constant 0 : i32
    return %arg0, %c0_i32, %c0_i32_0 : i32, i32, i32
  }
}

</mosaic_0001>

<sc_bundles>
// kernel: kernel.4.cloned.1.call-start
scs
__scs_entry_jumppad:
0x0: {  	(pc) =	sbr.rel $0x88, $3  }
0x1: {  	(tag) =	ssettag $0x0;
	lr =	simm.s32 $0x1  }
0x2: {  	[smem:$0x3F9E] =	sst lr;
	_ =	strace $0xD0000000  }
0x3: {  	_ = 	snop  }
0x4: {  	_ = 	snop  }
0x5: {  	_ = 	snop  }
0x6: {  	_ = 	snop  }
0x7: {  	_ = 	snop  }
__scs_overlays_trampoline_lowered:
0x8: {  	[smem:$0x3FAD] =	sst s0  }
0x9: {  	[smem:$0x3FAE] =	sst s1  }
0xa: {  	[smem:$0x3FAF] =	sst s2  }
0xb: {  	[smem:$0x3FB0] =	sst s3  }
0xc: {  	[smem:$0x3FB1] =	sst s4  }
0xd: {  	[smem:$0x3FB2] =	sst s5  }
0xe: {  	[smem:$0x3FB3] =	sst s6  }
0xf: {  	[smem:$0x3FB4] =	sst s7  }
0x10: {  	[smem:$0x3FB5] =	sst s8  }
0x11: {  	[smem:$0x3FB6] =	sst s9;
	s0 =	simm.s32 @!p0 $0x0  }
0x12: {  	s1 =	sld [smem:$0x3F9C];
	s0 =	simm.s32 @p0 $0x1  }
0x13: {  	[smem:$0x3FB7] =	sst s0;
	s0 =	simm.s32 @!p1 $0x0  }
0x14: {  	s2 =	sld [smem:$0x3F9B];
	s0 =	simm.s32 @p1 $0x1  }
0x15: {  	[smem:$0x3FB8] =	sst s0;
	s0 =	simm.s32 @!p2 $0x0  }
0x16: {  	s3 =	sld [smem:$0x3FDB];
	s0 =	simm.s32 @p2 $0x1  }
0x17: {  	s4 =	simm.s32 $0x1BF5;
	[smem:$0x3FBA] =	sst s0  }
0x18: {  	s0 =	sld [smem:$0x3F9D];
	_ =	swait.ge [sflag:s4], $0x0  }
0x19: {  	s7 =	sld [smem:$0x3F9E]  }
0x1a: {  	s8 =	sadd.s32 $0xFFFFE003, lr  }
0x1b: {  	s9 =	sadd.s32 $0xFFFFFEF7, lr;
	s5 =	simm.s32 $0xFFFFFFFF;
	p2 =	slt.u32 s8, $0xFFFFF086  }
0x1c: {  	p1 =	slt.u32 s9, $0xF7A;
	s5 =	simm.s32 @!p2 $0x0  }
0x1d: {  	s5 =	simm.s32 @p1 $0x1;
	p0 =	seq.s32 s7, s2  }
0x1e: {  	s7 =	smul.u32 @!p0 $0xF7A, s2;
	p2 =	seq.s32 @!p0 s5, $0x0  }
0x1f: {  	s9 =	smul.u32 $0xF7A, s1;
	s8 =	simm.s32 @!p0 $0x1BF5;
	p2 =	por !p2, p0  }
0x20: {  	[sflag:s8] =	ssyncset.s32 @!p0 $0xFFFFF086;
	s6 =	sadd.s32 @!p0 s3, s7;
	s7 =	simm.s32 @!p0 $0x108  }
0x21: {  	s3 =	sadd.s32 s3, s9;
	s6 =	sadd.s32 @!p0 $0x88, s6;
	s7 =	simm.s32 @p2 $0x1082  }
0x22: {  	[simem:s7], [sflag:s8] =	dma.local @!p0 [hbm:s6], $0xF7A  }
0x23: {  	s9 =	sor.u32 $0xD0000000, s2;
	s6 =	simm.s32 $0x108;
	_ =	swait.ge @!p0 [sflag:s8], $0x0  }
0x24: {  	s3 =	sadd.s32 $0x88, s3;
	s6 =	simm.s32 @!p1 $0x1082;
	[sflag:s4] =	ssyncset.s32 $0xFFFFF086  }
0x25: {  	[simem:s6], [sflag:s4] =	dma.local [hbm:s3], $0xF7A  }
0x26: {  	[smem:$0x3F9E] =	sst s1;
	(tag) =	ssettag s2;
	_ =	strace s9  }
0x27: {  	s1 =	sld [smem:$0x3FAE]  }
0x28: {  	s2 =	sld [smem:$0x3FAF]  }
0x29: {  	s4 =	sld [smem:$0x3FB1]  }
0x2a: {  	p0 =	seq.s32 s5, $0x0;
	s5 =	sld [smem:$0x3FB2]  }
0x2b: {  	s6 =	sld [smem:$0x3FB3]  }
0x2c: {  	s7 =	sld [smem:$0x3FB4]  }
0x2d: {  	s3 =	simm.s32 $0x108;
	s8 =	sld [smem:$0x3FB5]  }
0x2e: {  	s3 =	simm.s32 @!p0 $0x1082;
	s9 =	sld [smem:$0x3FB6]  }
0x2f: {  	lr =	sadd.s32 s0, s3;
	s0 =	sld [smem:$0x3FAD]  }
0x30: {  	s3 =	sld [smem:$0x3FB0]  }
0x31: {  	[smem:$0x3FB9] =	sst s10  }
0x32: {  	s10 =	sld [smem:$0x3FB7];
	_ =	sdelay $0x3  }
0x33: {  	p0 =	seq.s32 s10, $0x1;
	s10 =	sld [smem:$0x3FB9];
	_ =	sdelay $0x3  }
0x34: {  	[smem:$0x3FB9] =	sst s10  }
0x35: {  	s10 =	sld [smem:$0x3FB8];
	_ =	sdelay $0x3  }
0x36: {  	p1 =	seq.s32 s10, $0x1;
	s10 =	sld [smem:$0x3FB9];
	_ =	sdelay $0x3  }
0x37: {  	[smem:$0x3FB9] =	sst s10  }
0x38: {  	s10 =	sld [smem:$0x3FBA]  }
0x39: {  	_ = 	snop;
	(pc) =	sbr.ind lr, $3  }
0x3a: {  	_ = 	snop  }
0x3b: {  	_ = 	snop  }
0x3c: {  	p2 =	seq.s32 s10, $0x1;
	s10 =	sld [smem:$0x3FB9]  }
0x3d: {  	_ =	shalt  }
0x3e: {  	_ =	shalt  }
0x3f: {  	_ =	shalt  }
0x40: {  	_ =	shalt  }
0x41: {  	_ =	shalt  }
0x42: {  	_ =	shalt  }
0x43: {  	_ =	shalt  }
0x44: {  	_ =	shalt  }
0x45: {  	_ =	shalt  }
0x46: {  	_ =	shalt  }
0x47: {  	_ =	shalt  }
0x48: {  	_ =	shalt  }
0x49: {  	_ =	shalt  }
0x4a: {  	_ =	shalt  }
0x4b: {  	_ =	shalt  }
0x4c: {  	_ =	shalt  }
0x4d: {  	_ =	shalt  }
0x4e: {  	_ =	shalt  }
0x4f: {  	_ =	shalt  }
0x50: {  	_ =	shalt  }
0x51: {  	_ =	shalt  }
0x52: {  	_ =	shalt  }
0x53: {  	_ =	shalt  }
0x54: {  	_ =	shalt  }
0x55: {  	_ =	shalt  }
0x56: {  	_ =	shalt  }
0x57: {  	_ =	shalt  }
0x58: {  	_ =	shalt  }
0x59: {  	_ =	shalt  }
0x5a: {  	_ =	shalt  }
0x5b: {  	_ =	shalt  }
0x5c: {  	_ =	shalt  }
0x5d: {  	_ =	shalt  }
0x5e: {  	_ =	shalt  }
0x5f: {  	_ =	shalt  }
0x60: {  	_ =	shalt  }
0x61: {  	_ =	shalt  }
0x62: {  	_ =	shalt  }
0x63: {  	_ =	shalt  }
0x64: {  	_ =	shalt  }
0x65: {  	_ =	shalt  }
0x66: {  	_ =	shalt  }
0x67: {  	_ =	shalt  }
0x68: {  	_ =	shalt  }
0x69: {  	_ =	shalt  }
0x6a: {  	_ =	shalt  }
0x6b: {  	_ =	shalt  }
0x6c: {  	_ =	shalt  }
0x6d: {  	_ =	shalt  }
0x6e: {  	_ =	shalt  }
0x6f: {  	_ =	shalt  }
0x70: {  	_ =	shalt  }
0x71: {  	_ =	shalt  }
0x72: {  	_ =	shalt  }
0x73: {  	_ =	shalt  }
0x74: {  	_ =	shalt  }
0x75: {  	_ =	shalt  }
0x76: {  	_ =	shalt  }
0x77: {  	_ =	shalt  }
0x78: {  	_ =	shalt  }
0x79: {  	_ =	shalt  }
0x7a: {  	_ =	shalt  }
0x7b: {  	_ =	shalt  }
0x7c: {  	_ =	shalt  }
0x7d: {  	_ =	shalt  }
0x7e: {  	_ =	shalt  }
0x7f: {  	_ =	shalt  }
0x80: {  	_ =	shalt  }
0x81: {  	_ =	shalt  }
0x82: {  	_ =	shalt  }
0x83: {  	_ =	shalt  }
0x84: {  	_ =	shalt  }
0x85: {  	_ =	shalt  }
0x86: {  	_ =	shalt  }
0x87: {  	_ =	shalt  }
.Lfunc_end0:
.L_simem_size_0:
called_computation_lowered:
.L_overlay_start_0:
0x88: {  	s2 =	sld [smem:$0x3FD9]  }
0x89: {  	s3 =	sld [smem:$0x3FFE];
	_ =	sdelay $0x1  }
0x8a: {  	s1 =	srdreg.scid  }
0x8b: {  	s0 =	sand.u32 $0x1, s1  }
0x8c: {  	s16 =	sshll.u32 s0, $0xA;
	s2 =	sadd.s32 s3, s2  }
0x8d: {  	s2 =	sadd.s32 s2, s16  }
0x8e: {  	[smem:$0x3FC5] =	sst s2  }
0x8f: {  	_ = 	snop  }
0x90: {  	(tm) =	ssettm $0x1  }
0x91: {  	s17 =	sld [smem:$0x3FFB];
	_ =	sdelay $0x3  }
0x92: {  	_ =	strace s17  }
0x93: {  	s2 =	sld [smem:$0x3FFC];
	_ =	sdelay $0x3  }
0x94: {  	_ =	strace s2  }
0x95: {  	s2 =	sld [smem:$0x3FFD];
	_ =	sdelay $0x3  }
0x96: {  	_ =	strace s2  }
0x97: {  	_ =	strace $0x8FFFFFFF  }
0x98: {  	s18 =	sld [smem:$0x3FDB];
	_ =	sdelay $0x1  }
0x99: {  	s19 =	simm.s32 $_scs_section_size  }
0x9a: {  	s4 =	simm.s32 $_size__tile_overlayer_lowered;
	s5 =	simm.s32 $_tile_overlayer_lowered  }
0x9b: {  	s22 =	simm.s32 $0x1BFF;
	s21 =	sshll.u32 s5, $0x1;
	s2 =	sadd.s32 s19, s18  }
0x9c: {  	s6 =	simm.s32 $0x0;
	s20 =	sshll.u32 s4, $0x1;
	s4 =	sadd.s32 s21, s2  }
0x9d: {  	[timem:s6], [sflag:s22] =	dma.local [hbm:s4], s20  }
0x9e: {  	_ =	swait.ge [sflag:s22], s20  }
0x9f: {  	s3 =	ssub.s32 $0x0, s20;
	[sflag:s22] =	ssyncset.done $0x0  }
0xa0: {  	[sflag:s22] =	ssyncadd.s32 s3;
	_ =	sdelay $0x1  }
0xa1: {  	s23 =	simm.s32 $0x1B8B  }
0xa2: {  	_ =	swait.ge [sflag:s23], $0x1  }
0xa3: {  	[sflag:s23] =	ssyncset.done $0x0  }
0xa4: {  	s25 =	simm.s32 $0x1B8E;
	s24 =	sld [smem:$0x3FFE];
	[sflag:s23] =	ssyncadd.s32 $0xFFFFFFFF  }
0xa5: {  	s26 =	simm.s32 $execute0_lowered;
	[smem:$0x3FD2] =	sst s25  }
0xa6: {  	s4 =	sshll.u32 s26, $0x1;
	_ =	strace $0x80000046;
	[dreg:$0x1] =	wrdreg $0xFFFFFFFF  }
0xa7: {  	s28 =	simm.s32 $_size_execute0_lowered;
	s2 =	sadd.s32 s2, s4;
	[dreg:$0x0] =	wrdreg $0x0  }
0xa8: {  	s4 =	sshll.u32 s28, $0x1;
	[dreg:$0x2] =	wrdreg s2  }
0xa9: {  	[dreg:$0x3] =	wrdreg s4  }
0xaa: {  	[dreg:$0x4] =	wrdreg $0xC0  }
0xab: {  	_ =	task [dreg:s6], $0x5FFFF  }
0xac: {  	[dreg:$0x1] =	wrdreg $0xFFFFFFFF  }
0xad: {  	[dreg:$0x0] =	wrdreg $0x60  }
0xae: {  	[dreg:$0x2] =	wrdreg s24  }
0xaf: {  	[dreg:$0x3] =	wrdreg $0x9  }
0xb0: {  	_ =	task.clear_ibuf [dreg:s6], $0x4FFFF;
	_ =	strace $0x90000046  }
0xb1: {  	s29 =	simm.s32 $0x9;
	_ =	strace $0x80000048  }
0xb2: {  	_ =	swait.ge [sflag:s29], $0x1  }
0xb3: {  	[sflag:s29] =	ssyncadd.s32 $0xFFFFFFFF  }
0xb4: {  	_ =	strace $0x90000048  }
0xb5: {  	_ =	sfence  }
0xb6: {  	s30 =	sld [smem:$0x0];
	_ =	sdelay $0x2  }
0xb7: {  	s31 =	sshll.u32 s1, $0xD;
	s1 =	sshrl.u32 s1, $0x2  }
0xb8: {  	s3 =	sand.u32 $0x4000, s31;
	s1 =	sadd.s32 s1, s30  }
0xb9: {  	s0 =	sor.u32 s3, s0;
	s1 =	sshll.u32 s1, $0x11  }
0xba: {  	s0 =	sor.u32 s1, s0  }
0xbb: {  	s0 =	sadd.s32 $0x8F2B, s0  }
0xbc: {  	[sflag:s0] =	ssyncadd.remote.s32 $0x1  }
0xbd: {  	_ =	sfence.sel $0xFFFF  }
0xbe: {  	[dreg:$0x0] =	wrdreg $0xFFFFFFFF;
	(pc) =	sbr.abs _section_cstart, $3  }
0xbf: {  	[dreg:$0x1] =	wrdreg $0xFFFFFFFF  }
0xc0: {  	_ =	task.clear_ibuf [dreg:s6], $0x2FFFF;
	_ =	strace $0x9FFFFFFF  }
0xc1: {  	(tm) =	ssettm $0x7FFFFFFF  }
tec
execute0_lowered:
.L_overlay_start_1:
0x0: {  	(tag) =	ssettag $0x1  }
0x1: {  	s3 =	stileid.u32  }
0x2: {  	p0 =	sne.s32 s3, $0x0  }
.Ltmp0:
0x3: {  	_ = 	snop;
	(pc) =	sbr.rel @!p0 .LBB2_1-.Ltmp0, $4  }
0x4: {  	_ = 	snop  }
0x5: {  	s1 =	simm.s32 $0x0  }
0x6: {  	[smem:$0x7FF] =	sst s1  }
0x7: {  	s2 =	rddreg [dreg:$0x0];
	_ =	strace $0x80000047  }
.LBB2_95:
0x8: {  	_ =	sfence.sel $0x180000  }
0x9: {  	[bflag:$0x0] =	sbarrier.arrive $0xFFFF  }
0xa: {  	_ =	strace $0x90000047  }
0xb: {  	[bflag:$0x2] =	sbarrier.arrive $0xFFFF  }
0xc: {  	s0 =	rddreg [dreg:$0x1]  }
0xd: {  	s0 =	sadd.s32 @!p0 $0x100000, s0  }
0xe: {  	[sflag:s0] =	ssyncadd.tile.s32 @!p0 $0x1;
	_ =	shalt  }
.LBB2_1:
0xf: {  	s3 =	srdreg.scid;
	s6 =	sadd.s32 $0xE00, s2  }
0x10: {  	s10 =	simm.s32 $0xA000;
	s11 =	simm.s32 $0xF000;
	s12 =	simm.s32 $0x1  }
0x11: {  	s13 =	simm.s32 $0x14400;
	s14 =	simm.s32 $0x5000;
	s15 =	simm.s32 $0x1800  }
0x12: {  	s16 =	simm.s32 $0x14800;
	s17 =	simm.s32 $0x16000;
	s3 =	sand.u32 $0x1, s3  }
0x13: {  	s18 =	simm.s32 $0x17800;
	s19 =	simm.s32 $0x19000;
	s4 =	smul.u32 $0x2710, s3  }
0x14: {  	s20 =	simm.s32 $0x1A800;
	s5 =	smul.u32 $0xC00, s3;
	s7 =	ssub.s32 $0x2, s3  }
0x15: {  	s21 =	simm.s32 $0x0;
	s8 =	smul.u32 $0xA00, s3;
	s9 =	sshrl.u32 s7, $0x1  }
0x16: {  	s4 =	sadd.s32 s4, s2;
	s5 =	sadd.s32 s5, s2;
	s7 =	ssub.s32 s7, s9  }
0x17: {  	s0 =	sadd.s32 s6, s8;
	s8 =	simm.s32 $0x2;
	s9 =	simm.s32 $0x14000  }
0x18: {  	v0 =	vimm.s32 $0x0;
	v1 =	vlaneseq.u32;
	s2 =	sadd.s32 $0x7200, s4;
	s3 =	sadd.s32 $0xC200, s5;
	s4 =	sadd.s32 $0x2200, s4  }
0x19: {  	v4 =	vimm.s32 $0x7FFFFFFF;
	v2 =	vor.u32 $0x80000000, v1;
	v3 =	vor.u32 $0xFFFFFFF8, v1;
	s5 =	sadd.s32 $0xDA00, s5;
	[dreg:$0x2] =	wrdreg s0;
	s7 =	smax.u32 s7, $0x1  }
.LBB2_2:
0x1a: {  	s22 =	simm.s32 $0x0;
	s0 =	rddreg [dreg:$0x2]  }
0x1b: {  	[tilespmem:s22], [sflag:$0x2] =	stream.linear.gather [hbm4b:s0+s22], $0x5000, $0x38;
	[tilespmem:$0x1C000] =	vst v63  }
0x1c: {  	_ =	swait.ge [sflag:s8], $0x5000  }
0x1d: {  	[sflag:s8] =	ssyncset.done $0x0  }
0x1e: {  	[sflag:s8] =	ssyncadd.s32 $0xFFFFB000  }
.LBB2_3:
0x1f: {  	p1 =	sne.s32 s22, $0xFC0  }
.Ltmp1:
0x20: {  	_ = 	snop;
	(pc) =	sbr.rel @p1 .LBB2_3-.Ltmp1, $3  }
0x21: {  	_ =	sdelay $0x1  }
0x22: {  	s23 =	sshra.s32 s22, $0x2  }
0x23: {  	s22 =	sadd.s32 $0x40, s22;
	[tilespmem:s23+$0x14000] =	vst v0  }
0x24: {  	s23 =	simm.s32 $0xFFFFFFFC;
	s24 =	simm.s32 $0x20  }
.LBB2_5:
0x25: {  	v5 =	vld [tilespmem:s24+$0xFFFFFFE0];
	_ =	sdelay $0x4  }
0x26: {  	v5 =	vshrl.u32 v5, $0x14  }
0x27: {  	v5 =	vand.u32 $0x3FF, v5  }
0x28: {  	(xrf1) =	vunique.msk.u32 $0xffff, v5;
	_ =	sdelay $0xd  }
0x29: {  	_, v6, vm0 =	vpop (xrf1);
	_ =	sdelay $0x5  }
0x2a: {  	[tilespmem:v5+s9+$0x0] =	vst.idx.add.s32.msk vm0, v6  }
0x2b: {  	v5 =	vld [tilespmem:s24+$0xFFFFFFF0];
	_ =	sdelay $0x4  }
0x2c: {  	v5 =	vshrl.u32 v5, $0x14  }
0x2d: {  	v5 =	vand.u32 $0x3FF, v5  }
0x2e: {  	(xrf1) =	vunique.msk.u32 $0xffff, v5;
	_ =	sdelay $0xd  }
0x2f: {  	_, v6, vm0 =	vpop (xrf1);
	_ =	sdelay $0x5  }
0x30: {  	[tilespmem:v5+s9+$0x0] =	vst.idx.add.s32.msk vm0, v6  }
0x31: {  	v5 =	vld [tilespmem:s24+$0x0];
	_ =	sdelay $0x4  }
0x32: {  	v5 =	vshrl.u32 v5, $0x14  }
0x33: {  	v5 =	vand.u32 $0x3FF, v5  }
0x34: {  	(xrf1) =	vunique.msk.u32 $0xffff, v5;
	_ =	sdelay $0xd  }
0x35: {  	_, v6, vm0 =	vpop (xrf1);
	_ =	sdelay $0x5  }
0x36: {  	[tilespmem:v5+s9+$0x0] =	vst.idx.add.s32.msk vm0, v6  }
0x37: {  	v5 =	vld [tilespmem:s24+$0x10];
	_ =	sdelay $0x4  }
0x38: {  	v5 =	vshrl.u32 v5, $0x14  }
0x39: {  	v5 =	vand.u32 $0x3FF, v5  }
0x3a: {  	(xrf1) =	vunique.msk.u32 $0xffff, v5;
	_ =	sdelay $0xd  }
0x3b: {  	s23 =	sadd.s32 $0x4, s23;
	_, v6, vm0 =	vpop (xrf1)  }
0x3c: {  	p1 =	slt.u32 s23, $0x4FC  }
.Ltmp2:
0x3d: {  	_ = 	snop;
	(pc) =	sbr.rel @p1 .LBB2_5-.Ltmp2, $2  }
0x3e: {  	_ =	sdelay $0x2  }
0x3f: {  	s22 =	simm.s32 $0x0;
	s24 =	sadd.s32 $0x40, s24;
	[tilespmem:v5+s9+$0x0] =	vst.idx.add.s32.msk vm0, v6  }
0x40: {  	p4 =	por $0x0, $0x0  }
.Ltmp3:
0x41: {  	_ = 	snop;
	(pc) =	sbr.rel @p4 .LBB2_7-.Ltmp3, $3  }
0x42: {  	_ =	sdelay $0x1  }
0x43: {  	s23 =	simm.s32 $0x0  }
0x44: {  	p1 =	por $0x0, $0x0;
	p2 =	por $0x0, $0x0;
	p3 =	por $0x0, $0x0;
	v6 =	vld [tilespmem:s23+$0x14000]  }
0x45: {  	s24 =	simm.s32 $0x10;
	p4 =	por $0x0, $0x0  }
.Ltmp4:
0x46: {  	v7 =	vld [tilespmem:s24+$0x14000];
	(pc) =	sbr.rel @p4 .LBB2_9-.Ltmp4, $2  }
0x47: {  	_ =	sdelay $0x2  }
0x48: {  	p1 =	por $0x1, $0x1;
	(xrf0) =	vadd.scan.msk.s32 $0xffff, v6  }
0x49: {  	_ =	sdelay $0x4  }
0x4a: {  	v8, _, _ =	vpop (xrf0)  }
0x4b: {  	(v2sf) =	vpush v8, $0xF;
	_ =	sdelay $0x4  }
0x4c: {  	s28 =	simm.s32 $0x20;
	p4 =	por $0x0, $0x0  }
.Ltmp5:
0x4d: {  	v13 =	vld [tilespmem:s28+$0x14000];
	(pc) =	sbr.rel @p4 .LBB2_11-.Ltmp5, $2  }
0x4e: {  	_ =	sdelay $0x2  }
0x4f: {  	p2 =	por $0x1, $0x1;
	(xrf0) =	vadd.scan.msk.s32 $0xffff, v7  }
0x50: {  	_ =	sdelay $0x4  }
0x51: {  	v9, _, _ =	vpop (xrf0)  }
0x52: {  	(v2sf) =	vpush v9, $0xF;
	_ =	sdelay $0x3  }
0x53: {  	s30 =	simm.s32 $0x30;
	p4 =	por $0x0, $0x0;
	(xrf0) =	vadd.scan.msk.s32 $0xffff, v13  }
.Ltmp6:
0x54: {  	v5 =	vld [tilespmem:s30+$0x14000];
	(pc) =	sbr.rel @p4 .LBB2_13-.Ltmp6, $3  }
0x55: {  	_ =	sdelay $0x1  }
0x56: {  	s29 =	simm.s32 $0x100  }
0x57: {  	p3 =	por $0x1, $0x1;
	s25 =	simm.s32 $0x0;
	v10 =	vmov v6;
	v11 =	vmov v8;
	s26 =	simm.s32 $0x0  }
.LBB2_14:
0x58: {  	s31 =	sshra.s32 s29, $0x2;
	p4 =	seq.s32 s29, $0xFC0;
	s29 =	sadd.s32 $0x40, s29;
	(xrf0) =	vadd.scan.msk.s32 $0xffff, v5;
	v12, _, _ =	vpop (xrf0);
	v14 =	vsub.s32 s25, v10;
	v10 =	vmov v7;
	v7 =	vmov v13  }
.Ltmp7:
0x59: {  	v13 =	vmovc v5;
	(v2sf) =	vpush v12, $0xF;
	v14 =	vadd.s32 v11, v14;
	v11 =	vmovc v9;
	v9 =	vmov v12;
	v5 =	vld [tilespmem:s31+$0x14000];
	(pc) =	sbr.rel @!p4 .LBB2_14-.Ltmp7, $4  }
0x5a: {  	[tilespmem:s26+$0x14400] =	vst v14;
	s26 =	smov.u32 s24;
	s24 =	smov.u32 s28;
	s28 =	smov.u32 s30  }
0x5b: {  	s30 =	smov.u32 s31  }
0x5c: {  	s31 =	spop (v2sf)  }
0x5d: {  	s25 =	sadd.s32 s25, s31  }
0x5e: {  	v12 =	vmov v7;
	s29 =	smov.u32 s24;
	v7 =	vmov v13;
	s24 =	smov.u32 s30  }
.LBB2_16:
0x5f: {  	v13, _, _ =	vpop @p1 (xrf0)  }
0x60: {  	(v2sf) =	vpush @p1 v13, $0xF;
	_ =	sdelay $0x6  }
0x61: {  	(xrf0) =	vadd.scan.msk.s32 $0xffff, v5;
	_ =	sdelay $0x3  }
0x62: {  	s30 =	spop @p3 (v2sf)  }
0x63: {  	s31 =	simm.s32 $0x0;
	s30 =	sadd.s32 @p3 s25, s30  }
0x64: {  	v10 =	vsub.s32 @p3 s25, v10;
	s25 =	smov.u32 @p1 s28;
	s31 =	smov.u32 @p3 s30;
	v14, _, _ =	vpop (xrf0);
	s28 =	spop @p2 (v2sf)  }
0x65: {  	v6 =	vpsel p1, v7, v6;
	v7 =	vmovc @p2 v9;
	v10 =	vadd.s32 @p3 v11, v10;
	v11 =	vmovc @p2 v12;
	s23 =	smov.u32 @p1 s25;
	(v2sf) =	vpush v14, $0xF;
	s25 =	sadd.s32 @p2 s31, s28;
	s28 =	simm.s32 $0x0  }
0x66: {  	v12 =	vmov @p1 v13;
	v7 =	vpsel p2, v7, v0;
	v9 =	vpsel p2, v11, v0;
	s28 =	smov.u32 @p2 s25;
	s25 =	spop @p1 (v2sf)  }
0x67: {  	v6 =	vpsel p1, v6, v0;
	v8 =	vpsel p1, v12, v8;
	s30 =	simm.s32 $0x0;
	v9 =	vsub.s32 @p2 s31, v9;
	s25 =	sadd.s32 @p1 s28, s25  }
0x68: {  	[tilespmem:s26+$0x14400] =	vst @p3 v10;
	s26 =	smov.u32 @p2 s29;
	v8 =	vpsel p1, v8, v0;
	v7 =	vadd.s32 @p2 v7, v9;
	v6 =	vsub.s32 @p1 s28, v6;
	s30 =	smov.u32 @p1 s25  }
0x69: {  	s23 =	smov.u32 @p1 s23;
	[tilespmem:s26+$0x14400] =	vst @p2 v7;
	v6 =	vadd.s32 @p1 v8, v6;
	v5 =	vsub.s32 s30, v5  }
0x6a: {  	[tilespmem:s23+$0x14400] =	vst @p1 v6;
	v5 =	vadd.s32 v14, v5  }
0x6b: {  	s28 =	simm.s32 $0x14400;
	[tilespmem:s24+$0x14400] =	vst v5  }
0x6c: {  	s29 =	simm.s32 $0x14000;
	v5 =	vld [tilespmem:s28+$0x0]  }
0x6d: {  	s30 =	simm.s32 $0x14410;
	v6 =	vld [tilespmem:s29+$0x0]  }
0x6e: {  	s31 =	simm.s32 $0x14010;
	v7 =	vld [tilespmem:s30+$0x0]  }
0x6f: {  	s0 =	simm.s32 $0x14420;
	v8 =	vld [tilespmem:s31+$0x0]  }
0x70: {  	s6 =	simm.s32 $0x14020;
	v63 =	vld [tilespmem:s0+$0x0]  }
0x71: {  	v10 =	vld [tilespmem:s6+$0x0];
	_ =	sdelay $0x1  }
0x72: {  	v6 =	vadd.s32 v5, v6;
	vm0 =	vlt.s32 v5, $0x1800  }
0x73: {  	s25 =	simm.s32 $0x10;
	s26 =	spop (v2sf);
	v5 =	vadd.s32 v7, v8;
	vm9 =	vlt.s32 v7, $0x1800;
	vm1 =	vgt.s32 v6, $0x17FF  }
0x74: {  	s26 =	simm.s32 $0x14430;
	v7 =	vor.u32 s25, v2;
	v6 =	vor.u32 s22, v2;
	vm0 =	vmand vm0, vm1  }
0x75: {  	s29 =	simm.s32 $0x14030;
	v8 =	vld [tilespmem:s26+$0x0];
	vm2 =	vgt.s32 v5, $0x17FF;
	v5 =	vnsel vm0, $0x80000400, v6;
	v6 =	vadd.s32 v63, v10  }
0x76: {  	s28 =	simm.s32 $0x20;
	vm11 =	vlt.s32 v63, $0x1800;
	vm10 =	vmand vm9, vm2;
	vm12 =	vgt.s32 v6, $0x17FF;
	(xrf0) =	vmin.scan.msk.u32 $0xffff, v5;
	v5 =	vld [tilespmem:s29+$0x0]  }
0x77: {  	v6 =	vnsel vm10, $0x80000400, v7;
	v7 =	vor.u32 s28, v2;
	vm13 =	vmand vm11, vm12  }
0x78: {  	(xrf0) =	vmin.scan.msk.u32 $0xffff, v6;
	v6 =	vnsel vm13, $0x80000400, v7  }
0x79: {  	(xrf0) =	vmin.scan.msk.u32 $0xffff, v6;
	_ =	sdelay $0x1  }
0x7a: {  	v5 =	vadd.s32 v8, v5  }
0x7b: {  	v6, _, _ =	vpop (xrf0)  }
0x7c: {  	(v2sf) =	vpush v6, $0xF  }
0x7d: {  	vm15 =	vgt.s32 v5, $0x17FF;
	v5, _, _ =	vpop (xrf0)  }
0x7e: {  	vm14 =	vlt.s32 v8, $0x1800;
	(v2sf) =	vpush v5, $0xF;
	v8, _, _ =	vpop (xrf0)  }
0x7f: {  	(v2sf) =	vpush v8, $0xF;
	_ =	sdelay $0x2  }
0x80: {  	s31 =	simm.s32 $0x14440  }
0x81: {  	s24 =	simm.s32 $0x14040;
	v6 =	vld [tilespmem:s31+$0x0]  }
0x82: {  	s30 =	simm.s32 $0x30;
	v5 =	vld [tilespmem:s24+$0x0]  }
0x83: {  	v7 =	vor.u32 s30, v2;
	vm0 =	vmand vm14, vm15  }
0x84: {  	s23 =	simm.s32 $0x400;
	v7 =	vnsel vm0, $0x80000400, v7  }
0x85: {  	s25 =	simm.s32 $0x50;
	s26 =	simm.s32 $0x14450;
	s22 =	simm.s32 $0x40;
	(xrf0) =	vmin.scan.msk.u32 $0xffff, v7  }
.LBB2_17:
0x86: {  	s28 =	smov.u32 s23  }
0x87: {  	v8 =	vadd.s32 v6, v5;
	s24 =	sadd.s32 $0x10, s24;
	s23 =	smov.u32 s25;
	p1 =	seq.s32 s25, $0x3F0;
	v7 =	vld [tilespmem:s26+$0x0]  }
.Ltmp8:
0x88: {  	s25 =	sadd.s32 $0x10, s25;
	vm0 =	vlt.s32 v6, $0x1800;
	vm1 =	vgt.s32 v8, $0x17FF;
	v5 =	vld [tilespmem:s24+$0x0];
	(pc) =	sbr.rel @!p1 .LBB2_17-.Ltmp8, $4  }
0x89: {  	v9 =	vor.u32 s22, v2;
	s22 =	smov.u32 s23;
	vm0 =	vmand vm0, vm1;
	s29 =	spop (v2sf)  }
0x8a: {  	v8 =	vnsel vm0, $0x80000400, v9;
	s23 =	sxor.u32 $0x80000000, s29  }
0x8b: {  	(xrf0) =	vmin.scan.msk.u32 $0xffff, v8;
	v6, _, _ =	vpop (xrf0);
	p2 =	slt.s32 s28, s23  }
0x8c: {  	s26 =	sadd.s32 $0x10, s26;
	(v2sf) =	vpush v6, $0xF;
	s23 =	smov.u32 @p2 s28;
	v6 =	vmov v7  }
0x8d: {  	v5 =	vadd.s32 v6, v5  }
0x8e: {  	vm0 =	vlt.s32 v6, $0x1800;
	vm1 =	vgt.s32 v5, $0x17FF  }
0x8f: {  	v5 =	vor.u32 s22, v2;
	vm0 =	vmand vm0, vm1  }
0x90: {  	v5 =	vnsel vm0, $0x80000400, v5  }
0x91: {  	(xrf0) =	vmin.scan.msk.u32 $0xffff, v5;
	_ =	sdelay $0x3  }
0x92: {  	v5, _, _ =	vpop (xrf0)  }
0x93: {  	(v2sf) =	vpush v5, $0xF  }
0x94: {  	v5, _, _ =	vpop (xrf0)  }
0x95: {  	(v2sf) =	vpush v5, $0xF;
	_ =	sdelay $0x6  }
0x96: {  	s29 =	spop (v2sf)  }
0x97: {  	s22 =	sxor.u32 $0x80000000, s29  }
0x98: {  	s24 =	spop (v2sf);
	p1 =	slt.s32 s23, s22  }
0x99: {  	s22 =	smov.u32 @p1 s23;
	s23 =	sxor.u32 $0x80000000, s24  }
0x9a: {  	p1 =	slt.s32 s22, s23;
	s30 =	spop (v2sf)  }
0x9b: {  	s6 =	simm.s32 $0x20;
	s23 =	smov.u32 @p1 s22;
	s22 =	sxor.u32 $0x80000000, s30  }
0x9c: {  	v6 =	vld [tilespmem:s6+$0xFFFFFFE0];
	p1 =	slt.s32 s23, s22;
	s31 =	spop (v2sf)  }
0x9d: {  	s22 =	smov.u32 @p1 s23;
	s23 =	sxor.u32 $0x80000000, s31  }
0x9e: {  	p1 =	slt.s32 s22, s23;
	s0 =	spop (v2sf)  }
0x9f: {  	s23 =	smov.u32 @p1 s22;
	s22 =	sxor.u32 $0x80000000, s0  }
0xa0: {  	p1 =	slt.s32 s23, s22  }
0xa1: {  	v7 =	vshrl.u32 v6, $0x14;
	s22 =	smov.u32 @p1 s23  }
0xa2: {  	v7 =	vand.u32 $0x3FF, v7;
	v5 =	vmov s22  }
0xa3: {  	vm0 =	vle.s32 v7, v5  }
0xa4: {  	v7 =	vsel vm0, $0x1, v0  }
0xa5: {  	(xrf0) =	vadd.scan.msk.s32 $0xffff, v7;
	_ =	sdelay $0x1  }
0xa6: {  	s22 =	simm.s32 $0x0  }
0xa7: {  	v7 =	vmov s22  }
0xa8: {  	v7 =	vadd.s32 $0xFFFFFFFF, v7  }
0xa9: {  	v7 =	vbroadcast v7, $0x0  }
0xaa: {  	v8, _, _ =	vpop (xrf0)  }
0xab: {  	v7 =	vadd.s32 v8, v7;
	_ =	sdelay $0x1  }
0xac: {  	(v2sf) =	vpush v8, $0xF;
	_ =	sdelay $0x2  }
0xad: {  	[tilespmem:v7+s10+$0x0] =	vst.idx.msk vm0, v6;
	v6 =	vor.u32 s22, v1  }
0xae: {  	[tilespmem:v7+s11+$0x0] =	vst.idx.msk vm0, v6  }
0xaf: {  	v6 =	vld [tilespmem:s6+$0xFFFFFFF0];
	_ =	sdelay $0x4  }
0xb0: {  	v7 =	vshrl.u32 v6, $0x14  }
0xb1: {  	v7 =	vand.u32 $0x3FF, v7  }
0xb2: {  	vm0 =	vle.s32 v7, v5  }
0xb3: {  	v7 =	vsel vm0, $0x1, v0  }
0xb4: {  	(xrf0) =	vadd.scan.msk.s32 $0xffff, v7  }
0xb5: {  	s26 =	spop (v2sf)  }
0xb6: {  	s24 =	sadd.s32 $0x0, s26  }
0xb7: {  	v7 =	vmov s24  }
0xb8: {  	v7 =	vadd.s32 $0xFFFFFFFF, v7  }
0xb9: {  	v7 =	vbroadcast v7, $0x0  }
0xba: {  	v8, _, _ =	vpop (xrf0)  }
0xbb: {  	v7 =	vadd.s32 v8, v7;
	_ =	sdelay $0x1  }
0xbc: {  	(v2sf) =	vpush v8, $0xF;
	_ =	sdelay $0x1  }
0xbd: {  	s25 =	simm.s32 $0x10  }
0xbe: {  	[tilespmem:v7+s10+$0x0] =	vst.idx.msk vm0, v6;
	v6 =	vor.u32 s25, v1  }
0xbf: {  	[tilespmem:v7+s11+$0x0] =	vst.idx.msk vm0, v6  }
0xc0: {  	v6 =	vld [tilespmem:s6+$0x0];
	_ =	sdelay $0x4  }
0xc1: {  	v7 =	vshrl.u32 v6, $0x14  }
0xc2: {  	v7 =	vand.u32 $0x3FF, v7  }
0xc3: {  	vm0 =	vle.s32 v7, v5  }
0xc4: {  	v7 =	vsel vm0, $0x1, v0  }
0xc5: {  	(xrf0) =	vadd.scan.msk.s32 $0xffff, v7  }
0xc6: {  	s28 =	spop (v2sf)  }
0xc7: {  	s24 =	sadd.s32 s24, s28  }
0xc8: {  	v7 =	vmov s24  }
0xc9: {  	v7 =	vadd.s32 $0xFFFFFFFF, v7  }
0xca: {  	v7 =	vbroadcast v7, $0x0  }
0xcb: {  	v8, _, _ =	vpop (xrf0)  }
0xcc: {  	v7 =	vadd.s32 v8, v7;
	_ =	sdelay $0x1  }
0xcd: {  	(v2sf) =	vpush v8, $0xF;
	_ =	sdelay $0x1  }
0xce: {  	s29 =	simm.s32 $0x20  }
0xcf: {  	[tilespmem:v7+s10+$0x0] =	vst.idx.msk vm0, v6;
	v6 =	vor.u32 s29, v1  }
0xd0: {  	[tilespmem:v7+s11+$0x0] =	vst.idx.msk vm0, v6  }
0xd1: {  	v6 =	vld [tilespmem:s6+$0x10];
	_ =	sdelay $0x4  }
0xd2: {  	v7 =	vshrl.u32 v6, $0x14  }
0xd3: {  	v7 =	vand.u32 $0x3FF, v7  }
0xd4: {  	vm0 =	vle.s32 v7, v5  }
0xd5: {  	v7 =	vsel vm0, $0x1, v0  }
0xd6: {  	(xrf0) =	vadd.scan.msk.s32 $0xffff, v7  }
0xd7: {  	s30 =	spop (v2sf)  }
0xd8: {  	s25 =	sadd.s32 s24, s30  }
0xd9: {  	v7 =	vmov s25  }
0xda: {  	v7 =	vadd.s32 $0xFFFFFFFF, v7  }
0xdb: {  	v7 =	vbroadcast v7, $0x0  }
0xdc: {  	v8, _, _ =	vpop (xrf0)  }
0xdd: {  	v7 =	vadd.s32 v8, v7;
	(v2sf) =	vpush v8, $0xF;
	_ =	sdelay $0x3  }
0xde: {  	s31 =	simm.s32 $0x30  }
0xdf: {  	[tilespmem:v7+s10+$0x0] =	vst.idx.msk vm0, v6;
	v6 =	vor.u32 s31, v1  }
0xe0: {  	s23 =	simm.s32 $0x60;
	[tilespmem:v7+s11+$0x0] =	vst.idx.msk vm0, v6  }
0xe1: {  	v6 =	vld [tilespmem:s23+$0xFFFFFFE0];
	_ =	sdelay $0x4  }
0xe2: {  	v7 =	vshrl.u32 v6, $0x14  }
0xe3: {  	v7 =	vand.u32 $0x3FF, v7  }
0xe4: {  	vm0 =	vle.s32 v7, v5  }
0xe5: {  	s24 =	simm.s32 $0x4;
	v7 =	vsel vm0, $0x1, v0;
	s26 =	spop (v2sf)  }
.LBB2_19:
0xe6: {  	s24 =	sadd.s32 $0x4, s24;
	(xrf0) =	vadd.scan.msk.s32 $0xffff, v7;
	s25 =	sadd.s32 s25, s26;
	s22 =	sadd.s32 $0x40, s22  }
0xe7: {  	p1 =	slt.u32 s24, $0x4FC;
	v7 =	vmov s25  }
0xe8: {  	v7 =	vadd.s32 $0xFFFFFFFF, v7;
	_ =	sdelay $0x2  }
0xe9: {  	v7 =	vbroadcast v7, $0x0  }
0xea: {  	v8, _, _ =	vpop (xrf0)  }
0xeb: {  	v7 =	vadd.s32 v8, v7;
	(v2sf) =	vpush v8, $0xF;
	_ =	sdelay $0x4  }
0xec: {  	[tilespmem:v7+s10+$0x0] =	vst.idx.msk vm0, v6;
	v6 =	vor.u32 s22, v1  }
0xed: {  	[tilespmem:v7+s11+$0x0] =	vst.idx.msk vm0, v6  }
0xee: {  	v6 =	vld [tilespmem:s23+$0xFFFFFFF0];
	_ =	sdelay $0x4  }
0xef: {  	v7 =	vshrl.u32 v6, $0x14  }
0xf0: {  	v7 =	vand.u32 $0x3FF, v7  }
0xf1: {  	vm0 =	vle.s32 v7, v5  }
0xf2: {  	v7 =	vsel vm0, $0x1, v0;
	s26 =	spop (v2sf)  }
0xf3: {  	s25 =	sadd.s32 s25, s26;
	(xrf0) =	vadd.scan.msk.s32 $0xffff, v7  }
0xf4: {  	v7 =	vmov s25  }
0xf5: {  	v7 =	vadd.s32 $0xFFFFFFFF, v7;
	_ =	sdelay $0x2  }
0xf6: {  	v7 =	vbroadcast v7, $0x0  }
0xf7: {  	v8, _, _ =	vpop (xrf0)  }
0xf8: {  	v7 =	vadd.s32 v8, v7;
	(v2sf) =	vpush v8, $0xF;
	_ =	sdelay $0x3  }
0xf9: {  	s26 =	sadd.s32 $0x10, s22  }
0xfa: {  	[tilespmem:v7+s10+$0x0] =	vst.idx.msk vm0, v6;
	v6 =	vor.u32 s26, v1  }
0xfb: {  	[tilespmem:v7+s11+$0x0] =	vst.idx.msk vm0, v6  }
0xfc: {  	v6 =	vld [tilespmem:s23+$0x0];
	_ =	sdelay $0x4  }
0xfd: {  	v7 =	vshrl.u32 v6, $0x14  }
0xfe: {  	v7 =	vand.u32 $0x3FF, v7  }
0xff: {  	vm0 =	vle.s32 v7, v5  }
0x100: {  	v7 =	vsel vm0, $0x1, v0;
	s26 =	spop (v2sf)  }
0x101: {  	s25 =	sadd.s32 s25, s26;
	(xrf0) =	vadd.scan.msk.s32 $0xffff, v7  }
0x102: {  	v7 =	vmov s25  }
0x103: {  	v7 =	vadd.s32 $0xFFFFFFFF, v7;
	_ =	sdelay $0x2  }
0x104: {  	v7 =	vbroadcast v7, $0x0  }
0x105: {  	v8, _, _ =	vpop (xrf0)  }
0x106: {  	v7 =	vadd.s32 v8, v7;
	(v2sf) =	vpush v8, $0xF;
	_ =	sdelay $0x3  }
0x107: {  	s26 =	sadd.s32 $0x20, s22  }
0x108: {  	[tilespmem:v7+s10+$0x0] =	vst.idx.msk vm0, v6;
	v6 =	vor.u32 s26, v1  }
0x109: {  	[tilespmem:v7+s11+$0x0] =	vst.idx.msk vm0, v6  }
0x10a: {  	v6 =	vld [tilespmem:s23+$0x10];
	_ =	sdelay $0x4  }
0x10b: {  	v7 =	vshrl.u32 v6, $0x14  }
0x10c: {  	v7 =	vand.u32 $0x3FF, v7  }
0x10d: {  	vm0 =	vle.s32 v7, v5  }
0x10e: {  	v7 =	vsel vm0, $0x1, v0;
	s26 =	spop (v2sf)  }
0x10f: {  	s25 =	sadd.s32 s25, s26;
	(xrf0) =	vadd.scan.msk.s32 $0xffff, v7  }
0x110: {  	v7 =	vmov s25  }
0x111: {  	v7 =	vadd.s32 $0xFFFFFFFF, v7;
	_ =	sdelay $0x2  }
0x112: {  	v7 =	vbroadcast v7, $0x0  }
0x113: {  	v8, _, _ =	vpop (xrf0)  }
0x114: {  	v7 =	vadd.s32 v8, v7;
	(v2sf) =	vpush v8, $0xF;
	_ =	sdelay $0x3  }
0x115: {  	s26 =	sadd.s32 $0x30, s22  }
0x116: {  	[tilespmem:v7+s10+$0x0] =	vst.idx.msk vm0, v6;
	v6 =	vor.u32 s26, v1  }
0x117: {  	s23 =	sadd.s32 $0x40, s23;
	[tilespmem:v7+s11+$0x0] =	vst.idx.msk vm0, v6  }
0x118: {  	v6 =	vld [tilespmem:s23+$0xFFFFFFE0];
	_ =	sdelay $0x3  }
.Ltmp9:
0x119: {  	(pc) =	sbr.rel @p1 .LBB2_19-.Ltmp9, $4  }
0x11a: {  	v7 =	vshrl.u32 v6, $0x14  }
0x11b: {  	v7 =	vand.u32 $0x3FF, v7  }
0x11c: {  	vm0 =	vle.s32 v7, v5  }
0x11d: {  	v7 =	vsel vm0, $0x1, v0;
	s26 =	spop (v2sf)  }
0x11e: {  	(xrf0) =	vadd.scan.msk.s32 $0xffff, v7;
	_ =	sdelay $0x1  }
0x11f: {  	s24 =	sadd.s32 s25, s26  }
0x120: {  	v7 =	vmov s24  }
0x121: {  	v7 =	vadd.s32 $0xFFFFFFFF, v7  }
0x122: {  	v7 =	vbroadcast v7, $0x0  }
0x123: {  	v8, _, _ =	vpop (xrf0)  }
0x124: {  	v7 =	vadd.s32 v8, v7;
	_ =	sdelay $0x1  }
0x125: {  	(v2sf) =	vpush v8, $0xF;
	_ =	sdelay $0x1  }
0x126: {  	s22 =	sadd.s32 $0x40, s22  }
0x127: {  	[tilespmem:v7+s10+$0x0] =	vst.idx.msk vm0, v6;
	v6 =	vor.u32 s22, v1  }
0x128: {  	[tilespmem:v7+s11+$0x0] =	vst.idx.msk vm0, v6  }
0x129: {  	v6 =	vld [tilespmem:s23+$0xFFFFFFF0];
	_ =	sdelay $0x4  }
0x12a: {  	v7 =	vshrl.u32 v6, $0x14  }
0x12b: {  	v7 =	vand.u32 $0x3FF, v7  }
0x12c: {  	vm13 =	vle.s32 v7, v5  }
0x12d: {  	v7 =	vsel vm13, $0x1, v0  }
0x12e: {  	(xrf0) =	vadd.scan.msk.s32 $0xffff, v7  }
0x12f: {  	s30 =	spop (v2sf)  }
0x130: {  	s24 =	sadd.s32 s24, s30  }
0x131: {  	v7 =	vmov s24  }
0x132: {  	v7 =	vadd.s32 $0xFFFFFFFF, v7  }
0x133: {  	v7 =	vbroadcast v7, $0x0  }
0x134: {  	v62, _, _ =	vpop (xrf0)  }
0x135: {  	v7 =	vadd.s32 v62, v7;
	_ =	sdelay $0x1  }
0x136: {  	(v2sf) =	vpush v62, $0xF;
	_ =	sdelay $0x1  }
0x137: {  	s31 =	sadd.s32 $0x10, s22  }
0x138: {  	[tilespmem:v7+s10+$0x0] =	vst.idx.msk vm13, v6;
	v6 =	vor.u32 s31, v1  }
0x139: {  	[tilespmem:v7+s11+$0x0] =	vst.idx.msk vm13, v6  }
0x13a: {  	v6 =	vld [tilespmem:s23+$0x0];
	_ =	sdelay $0x4  }
0x13b: {  	v7 =	vshrl.u32 v6, $0x14  }
0x13c: {  	v7 =	vand.u32 $0x3FF, v7  }
0x13d: {  	vm14 =	vle.s32 v7, v5  }
0x13e: {  	v7 =	vsel vm14, $0x1, v0  }
0x13f: {  	(xrf0) =	vadd.scan.msk.s32 $0xffff, v7  }
0x140: {  	s0 =	spop (v2sf)  }
0x141: {  	s24 =	sadd.s32 s24, s0  }
0x142: {  	v7 =	vmov s24  }
0x143: {  	v7 =	vadd.s32 $0xFFFFFFFF, v7  }
0x144: {  	v7 =	vbroadcast v7, $0x0  }
0x145: {  	v63, _, _ =	vpop (xrf0)  }
0x146: {  	v7 =	vadd.s32 v63, v7;
	_ =	sdelay $0x3  }
0x147: {  	s6 =	sadd.s32 $0x20, s22  }
0x148: {  	[tilespmem:v7+s10+$0x0] =	vst.idx.msk vm14, v6;
	v6 =	vor.u32 s6, v1  }
0x149: {  	[tilespmem:v7+s11+$0x0] =	vst.idx.msk vm14, v6  }
0x14a: {  	v6 =	vld [tilespmem:s23+$0x10];
	_ =	sdelay $0x4  }
0x14b: {  	v7 =	vshrl.u32 v6, $0x14  }
0x14c: {  	v7 =	vand.u32 $0x3FF, v7  }
0x14d: {  	vm15 =	vle.s32 v7, v5  }
0x14e: {  	v5 =	vsel vm15, $0x1, v0  }
0x14f: {  	(xrf0) =	vadd.scan.msk.s32 $0xffff, v5;
	_ =	sdelay $0x5  }
0x150: {  	(v2sf) =	vpush v63, $0xF;
	v5, _, _ =	vpop (xrf0)  }
0x151: {  	(v2sf) =	vpush v5, $0xF;
	_ =	sdelay $0xd  }
0x152: {  	s26 =	spop (v2sf)  }
0x153: {  	s23 =	sadd.s32 s24, s26;
	s28 =	spop (v2sf)  }
0x154: {  	s29 =	sadd.s32 s23, s28  }
0x155: {  	s24 =	sadd.s32 $0xF, s29  }
0x156: {  	s30 =	sand.u32 $0xF, s24  }
0x157: {  	s31 =	sshra.s32 s24, $0x1F;
	p2 =	slt.s32 s24, $0x1;
	p1 =	sne.s32 s30, $0x0  }
0x158: {  	s26 =	sshrl.u32 s31, $0x1C;
	p1 =	por !p2, !p1  }
0x159: {  	s24 =	sadd.s32 s26, s24;
	s26 =	simm.s32 $0x1;
	p1 =	por !p1, !p1  }
0x15a: {  	v7 =	vmov s23;
	s23 =	sshra.s32 s24, $0x4;
	s26 =	simm.s32 @!p1 $0x0  }
0x15b: {  	v7 =	vadd.s32 $0xFFFFFFFF, v7;
	s24 =	ssub.s32 s23, s26  }
0x15c: {  	v7 =	vbroadcast v7, $0x0;
	s26 =	sshll.u32 s24, $0x4  }
0x15d: {  	s26 =	sadd.s32 $0xFFFFFFF0, s26  }
0x15e: {  	v5 =	vadd.s32 v5, v7;
	v7 =	vor.u32 s26, v1  }
0x15f: {  	vm1 =	vge.s32 v7, s29  }
0x160: {  	v7 =	vand.u32 v3, v7;
	_ =	sdelay $0x1  }
0x161: {  	s22 =	sadd.s32 $0x30, s22  }
0x162: {  	[tilespmem:v5+s10+$0x0] =	vst.idx.msk vm15, v6;
	v6 =	vor.u32 s22, v1  }
0x163: {  	s22 =	simm.s32 $0xFFFFFFFF;
	[tilespmem:v5+s11+$0x0] =	vst.idx.msk vm15, v6  }
0x164: {  	s25 =	simm.s32 $0x0;
	s22 =	simm.s32 @!p1 $0x0;
	[tilespmem:v7+s10+$0x0] =	vst.idx.msk vm1, v4  }
.LBB2_21:
0x165: {  	p1 =	seq.s32 s25, $0xFC0  }
.Ltmp10:
0x166: {  	_ = 	snop;
	(pc) =	sbr.rel @!p1 .LBB2_21-.Ltmp10, $3  }
0x167: {  	_ =	sdelay $0x1  }
0x168: {  	s26 =	sshra.s32 s25, $0x2  }
0x169: {  	s25 =	sadd.s32 $0x40, s25;
	[tilespmem:s26+$0x14000] =	vst v0  }
0x16a: {  	s25 =	simm.s32 $0xFFFFFFFC;
	s26 =	simm.s32 $0xA020  }
.LBB2_23:
0x16b: {  	v5 =	vld [tilespmem:s26+$0xFFFFFFE0];
	_ =	sdelay $0x4  }
0x16c: {  	v5 =	vand.u32 $0x3FF, v5  }
0x16d: {  	(xrf1) =	vunique.msk.u32 $0xffff, v5;
	_ =	sdelay $0xd  }
0x16e: {  	_, v6, vm0 =	vpop (xrf1);
	_ =	sdelay $0x5  }
0x16f: {  	[tilespmem:v5+s9+$0x0] =	vst.idx.add.s32.msk vm0, v6  }
0x170: {  	v5 =	vld [tilespmem:s26+$0xFFFFFFF0];
	_ =	sdelay $0x4  }
0x171: {  	v5 =	vand.u32 $0x3FF, v5  }
0x172: {  	(xrf1) =	vunique.msk.u32 $0xffff, v5;
	_ =	sdelay $0xd  }
0x173: {  	_, v6, vm0 =	vpop (xrf1);
	_ =	sdelay $0x5  }
0x174: {  	[tilespmem:v5+s9+$0x0] =	vst.idx.add.s32.msk vm0, v6  }
0x175: {  	v5 =	vld [tilespmem:s26+$0x0];
	_ =	sdelay $0x4  }
0x176: {  	v5 =	vand.u32 $0x3FF, v5  }
0x177: {  	(xrf1) =	vunique.msk.u32 $0xffff, v5;
	_ =	sdelay $0xd  }
0x178: {  	_, v6, vm0 =	vpop (xrf1);
	_ =	sdelay $0x5  }
0x179: {  	[tilespmem:v5+s9+$0x0] =	vst.idx.add.s32.msk vm0, v6  }
0x17a: {  	v5 =	vld [tilespmem:s26+$0x10];
	_ =	sdelay $0x4  }
0x17b: {  	v5 =	vand.u32 $0x3FF, v5  }
0x17c: {  	(xrf1) =	vunique.msk.u32 $0xffff, v5;
	_ =	sdelay $0xd  }
0x17d: {  	s25 =	sadd.s32 $0x4, s25;
	_, v6, vm0 =	vpop (xrf1)  }
0x17e: {  	p1 =	slt.u32 s25, $0x17C  }
.Ltmp11:
0x17f: {  	_ = 	snop;
	(pc) =	sbr.rel @p1 .LBB2_23-.Ltmp11, $2  }
0x180: {  	_ =	sdelay $0x2  }
0x181: {  	s26 =	sadd.s32 $0x40, s26;
	[tilespmem:v5+s9+$0x0] =	vst.idx.add.s32.msk vm0, v6  }
0x182: {  	p1 =	slt.s32 s24, $0x181  }
.Ltmp12:
0x183: {  	_ = 	snop;
	(pc) =	sbr.rel @p1 .LBB2_28-.Ltmp12, $3  }
0x184: {  	_ =	sdelay $0x1  }
0x185: {  	s22 =	sadd.s32 s22, s23  }
0x186: {  	s22 =	sadd.s32 $0xFFFFFE80, s22  }
0x187: {  	p2 =	sne.s32 s22, $0x1  }
.Ltmp13:
0x188: {  	_ = 	snop;
	(pc) =	sbr.rel @!p2 .LBB2_27-.Ltmp13, $3  }
0x189: {  	_ =	sdelay $0x1  }
0x18a: {  	s23 =	simm.s32 $0xB800  }
0x18b: {  	s24 =	sadd.s32 $0xFFFFFFFF, s22;
	v5 =	vld [tilespmem:s23+$0x0]  }
.LBB2_26:
0x18c: {  	p2 =	sne.s32 s24, $0x1;
	_ =	sdelay $0x3  }
0x18d: {  	v5 =	vand.u32 $0x3FF, v5  }
0x18e: {  	(xrf1) =	vunique.msk.u32 $0xffff, v5;
	_ =	sdelay $0xd  }
0x18f: {  	_, v6, vm0 =	vpop (xrf1);
	_ =	sdelay $0x2  }
.Ltmp14:
0x190: {  	(pc) =	sbr.rel @p2 .LBB2_26-.Ltmp14, $3  }
0x191: {  	_ =	sdelay $0x1  }
0x192: {  	s23 =	sadd.s32 $0x10, s23;
	[tilespmem:v5+s9+$0x0] =	vst.idx.add.s32.msk vm0, v6  }
0x193: {  	s24 =	sadd.s32 $0xFFFFFFFF, s24;
	v5 =	vld [tilespmem:s23+$0x0]  }
.LBB2_27:
0x194: {  	_ =	sdelay $0x3  }
0x195: {  	v5 =	vand.u32 $0x3FF, v5  }
0x196: {  	(xrf1) =	vunique.msk.u32 $0xffff, v5;
	_ =	sdelay $0xd  }
0x197: {  	_, v6, vm0 =	vpop (xrf1);
	_ =	sdelay $0x5  }
0x198: {  	[tilespmem:v5+s9+$0x0] =	vst.idx.add.s32.msk vm0, v6  }
.LBB2_28:
0x199: {  	p5 =	por $0x0, $0x0  }
.Ltmp15:
0x19a: {  	_ = 	snop;
	(pc) =	sbr.rel @p5 .LBB2_29-.Ltmp15, $3  }
0x19b: {  	_ =	sdelay $0x1  }
0x19c: {  	s23 =	simm.s32 $0x0;
	s24 =	simm.s32 $0x0  }
0x19d: {  	p2 =	por $0x0, $0x0;
	p3 =	por $0x0, $0x0;
	p4 =	por $0x0, $0x0;
	v7 =	vld [tilespmem:s24+$0x14000]  }
0x19e: {  	s25 =	simm.s32 $0x10;
	p5 =	por $0x0, $0x0  }
.Ltmp16:
0x19f: {  	v6 =	vld [tilespmem:s25+$0x14000];
	(pc) =	sbr.rel @p5 .LBB2_31-.Ltmp16, $2  }
0x1a0: {  	_ =	sdelay $0x2  }
0x1a1: {  	p2 =	por $0x1, $0x1;
	(xrf0) =	vadd.scan.msk.s32 $0xffff, v7  }
0x1a2: {  	_ =	sdelay $0x4  }
0x1a3: {  	v8, _, _ =	vpop (xrf0)  }
0x1a4: {  	(v2sf) =	vpush v8, $0xF;
	_ =	sdelay $0x4  }
0x1a5: {  	s28 =	simm.s32 $0x20;
	p5 =	por $0x0, $0x0  }
.Ltmp17:
0x1a6: {  	v13 =	vld [tilespmem:s28+$0x14000];
	(pc) =	sbr.rel @p5 .LBB2_33-.Ltmp17, $2  }
0x1a7: {  	_ =	sdelay $0x2  }
0x1a8: {  	p3 =	por $0x1, $0x1;
	(xrf0) =	vadd.scan.msk.s32 $0xffff, v6  }
0x1a9: {  	_ =	sdelay $0x4  }
0x1aa: {  	v9, _, _ =	vpop (xrf0)  }
0x1ab: {  	(v2sf) =	vpush v9, $0xF;
	_ =	sdelay $0x3  }
0x1ac: {  	s31 =	simm.s32 $0x30;
	p5 =	por $0x0, $0x0;
	(xrf0) =	vadd.scan.msk.s32 $0xffff, v13  }
.Ltmp18:
0x1ad: {  	v5 =	vld [tilespmem:s31+$0x14000];
	(pc) =	sbr.rel @p5 .LBB2_35-.Ltmp18, $3  }
0x1ae: {  	_ =	sdelay $0x1  }
0x1af: {  	s30 =	simm.s32 $0x100  }
0x1b0: {  	p4 =	por $0x1, $0x1;
	s26 =	simm.s32 $0x0;
	v10 =	vmov v7;
	v11 =	vmov v8;
	s29 =	simm.s32 $0x0  }
.LBB2_36:
0x1b1: {  	s0 =	sshra.s32 s30, $0x2;
	p5 =	seq.s32 s30, $0xFC0;
	s30 =	sadd.s32 $0x40, s30;
	(xrf0) =	vadd.scan.msk.s32 $0xffff, v5;
	v12, _, _ =	vpop (xrf0);
	v14 =	vsub.s32 s26, v10;
	v10 =	vmov v6;
	v6 =	vmov v13  }
.Ltmp19:
0x1b2: {  	v13 =	vmovc v5;
	(v2sf) =	vpush v12, $0xF;
	v14 =	vadd.s32 v11, v14;
	v11 =	vmovc v9;
	v9 =	vmov v12;
	v5 =	vld [tilespmem:s0+$0x14000];
	(pc) =	sbr.rel @!p5 .LBB2_36-.Ltmp19, $4  }
0x1b3: {  	[tilespmem:s29+$0x14400] =	vst v14;
	s29 =	smov.u32 s25;
	s25 =	smov.u32 s28;
	s28 =	smov.u32 s31  }
0x1b4: {  	s31 =	smov.u32 s0  }
0x1b5: {  	s0 =	spop (v2sf)  }
0x1b6: {  	s26 =	sadd.s32 s26, s0  }
0x1b7: {  	v12 =	vmov v6;
	s30 =	smov.u32 s25;
	v6 =	vmov v13;
	s25 =	smov.u32 s31  }
.LBB2_38:
0x1b8: {  	(xrf0) =	vadd.scan.msk.s32 $0xffff, v5  }
0x1b9: {  	v13, _, _ =	vpop @p2 (xrf0)  }
0x1ba: {  	(v2sf) =	vpush @p2 v13, $0xF;
	_ =	sdelay $0x3  }
0x1bb: {  	v14, _, _ =	vpop (xrf0)  }
0x1bc: {  	(v2sf) =	vpush v14, $0xF;
	_ =	sdelay $0x5  }
0x1bd: {  	s0 =	spop @p4 (v2sf)  }
0x1be: {  	s31 =	simm.s32 $0x0;
	s0 =	sadd.s32 @p4 s26, s0  }
0x1bf: {  	s31 =	smov.u32 @p4 s0;
	s0 =	spop @p3 (v2sf)  }
0x1c0: {  	v6 =	vpsel p2, v6, v7;
	v12 =	vpsel p3, v12, v0;
	s6 =	simm.s32 $0x0;
	s0 =	sadd.s32 @p3 s31, s0  }
0x1c1: {  	v10 =	vsub.s32 @p4 s26, v10;
	v9 =	vpsel p3, v9, v0;
	v7 =	vmovc @p2 v13;
	s26 =	smov.u32 @p2 s28;
	v6 =	vpsel p2, v6, v0;
	s6 =	smov.u32 @p3 s0;
	s0 =	spop @p2 (v2sf)  }
0x1c2: {  	v7 =	vpsel p2, v7, v8;
	s24 =	smov.u32 @p2 s26;
	v8 =	vadd.s32 @p4 v11, v10;
	s26 =	smov.u32 @p3 s30;
	v12 =	vsub.s32 @p3 s31, v12;
	s0 =	sadd.s32 @p2 s6, s0  }
0x1c3: {  	[tilespmem:s29+$0x14400] =	vst @p4 v8;
	s26 =	smov.u32 @p3 s26;
	v7 =	vpsel p2, v7, v0;
	v8 =	vadd.s32 @p3 v9, v12;
	v6 =	vsub.s32 @p2 s6, v6;
	s23 =	smov.u32 @p2 s0  }
0x1c4: {  	[tilespmem:s26+$0x14400] =	vst @p3 v8;
	v6 =	vadd.s32 @p2 v7, v6;
	s0 =	smov.u32 @p2 s24;
	v5 =	vsub.s32 s23, v5  }
0x1c5: {  	s24 =	simm.s32 $0xA020;
	[tilespmem:s0+$0x14400] =	vst @p2 v6;
	v5 =	vadd.s32 v14, v5  }
0x1c6: {  	s23 =	simm.s32 $0xFFFFFFFC;
	[tilespmem:s25+$0x14400] =	vst v5;
	s25 =	simm.s32 $0xF020;
	s31 =	spop (v2sf)  }
.LBB2_39:
0x1c7: {  	v5 =	vld [tilespmem:s24+$0xFFFFFFE0];
	_ =	sdelay $0x4  }
0x1c8: {  	v6 =	vand.u32 $0x3FF, v5  }
0x1c9: {  	(xrf1) =	vunique.msk.u32 $0xffff, v6;
	_ =	sdelay $0x9  }
0x1ca: {  	v7 =	vld.idx.msk [tilespmem:v6+s13+$0x0], $0xffff;
	_ =	sdelay $0x3  }
0x1cb: {  	_, v8, vm0 =	vpop (xrf1)  }
0x1cc: {  	v7 =	vadd.s32 v8, v7  }
0x1cd: {  	v7 =	vadd.s32 $0xFFFFFFFF, v7  }
0x1ce: {  	v9 =	vld [tilespmem:s25+$0xFFFFFFE0];
	_ =	sdelay $0x3  }
0x1cf: {  	[tilespmem:v7+s1+$0x0] =	vst.idx.msk $0xffff, v5  }
0x1d0: {  	[tilespmem:v7+s14+$0x0] =	vst.idx.msk $0xffff, v9  }
0x1d1: {  	[tilespmem:v6+s13+$0x0] =	vst.idx.add.s32.msk vm0, v8  }
0x1d2: {  	v5 =	vld [tilespmem:s24+$0xFFFFFFF0];
	_ =	sdelay $0x4  }
0x1d3: {  	v6 =	vand.u32 $0x3FF, v5  }
0x1d4: {  	(xrf1) =	vunique.msk.u32 $0xffff, v6;
	_ =	sdelay $0x9  }
0x1d5: {  	v7 =	vld.idx.msk [tilespmem:v6+s13+$0x0], $0xffff;
	_ =	sdelay $0x3  }
0x1d6: {  	_, v8, vm0 =	vpop (xrf1)  }
0x1d7: {  	v7 =	vadd.s32 v8, v7  }
0x1d8: {  	v7 =	vadd.s32 $0xFFFFFFFF, v7  }
0x1d9: {  	v9 =	vld [tilespmem:s25+$0xFFFFFFF0];
	_ =	sdelay $0x3  }
0x1da: {  	[tilespmem:v7+s1+$0x0] =	vst.idx.msk $0xffff, v5  }
0x1db: {  	[tilespmem:v7+s14+$0x0] =	vst.idx.msk $0xffff, v9  }
0x1dc: {  	[tilespmem:v6+s13+$0x0] =	vst.idx.add.s32.msk vm0, v8  }
0x1dd: {  	v5 =	vld [tilespmem:s24+$0x0];
	_ =	sdelay $0x4  }
0x1de: {  	v6 =	vand.u32 $0x3FF, v5  }
0x1df: {  	(xrf1) =	vunique.msk.u32 $0xffff, v6;
	_ =	sdelay $0x9  }
0x1e0: {  	v7 =	vld.idx.msk [tilespmem:v6+s13+$0x0], $0xffff;
	_ =	sdelay $0x3  }
0x1e1: {  	_, v8, vm0 =	vpop (xrf1)  }
0x1e2: {  	v7 =	vadd.s32 v8, v7  }
0x1e3: {  	v7 =	vadd.s32 $0xFFFFFFFF, v7  }
0x1e4: {  	v9 =	vld [tilespmem:s25+$0x0];
	_ =	sdelay $0x3  }
0x1e5: {  	[tilespmem:v7+s1+$0x0] =	vst.idx.msk $0xffff, v5  }
0x1e6: {  	[tilespmem:v7+s14+$0x0] =	vst.idx.msk $0xffff, v9  }
0x1e7: {  	[tilespmem:v6+s13+$0x0] =	vst.idx.add.s32.msk vm0, v8  }
0x1e8: {  	v5 =	vld [tilespmem:s24+$0x10];
	_ =	sdelay $0x4  }
0x1e9: {  	v6 =	vand.u32 $0x3FF, v5  }
0x1ea: {  	(xrf1) =	vunique.msk.u32 $0xffff, v6;
	_ =	sdelay $0x9  }
0x1eb: {  	v7 =	vld.idx.msk [tilespmem:v6+s13+$0x0], $0xffff;
	_ =	sdelay $0x3  }
0x1ec: {  	_, v8, vm0 =	vpop (xrf1)  }
0x1ed: {  	v7 =	vadd.s32 v8, v7  }
0x1ee: {  	v7 =	vadd.s32 $0xFFFFFFFF, v7  }
0x1ef: {  	s23 =	sadd.s32 $0x4, s23;
	v9 =	vld [tilespmem:s25+$0x10]  }
0x1f0: {  	p2 =	slt.u32 s23, $0x17C  }
.Ltmp20:
0x1f1: {  	_ = 	snop;
	(pc) =	sbr.rel @p2 .LBB2_39-.Ltmp20, $4  }
0x1f2: {  	_ = 	snop  }
0x1f3: {  	[tilespmem:v7+s1+$0x0] =	vst.idx.msk $0xffff, v5  }
0x1f4: {  	[tilespmem:v7+s14+$0x0] =	vst.idx.msk $0xffff, v9  }
0x1f5: {  	s24 =	sadd.s32 $0x40, s24;
	s25 =	sadd.s32 $0x40, s25;
	[tilespmem:v6+s13+$0x0] =	vst.idx.add.s32.msk vm0, v8  }
.Ltmp21:
0x1f6: {  	(pc) =	sbr.rel @p1 .LBB2_44-.Ltmp21, $1  }
0x1f7: {  	_ =	sdelay $0x3  }
0x1f8: {  	p2 =	sne.s32 s22, $0x1  }
.Ltmp22:
0x1f9: {  	_ = 	snop;
	(pc) =	sbr.rel @!p2 .LBB2_43-.Ltmp22, $4  }
0x1fa: {  	s23 =	simm.s32 $0xB800  }
0x1fb: {  	v5 =	vld [tilespmem:s23+$0x0]  }
0x1fc: {  	s24 =	simm.s32 $0x10800  }
0x1fd: {  	s25 =	sadd.s32 $0xFFFFFFFF, s22;
	v6 =	vld [tilespmem:s24+$0x0]  }
.LBB2_42:
0x1fe: {  	p2 =	sne.s32 s25, $0x1;
	_ =	sdelay $0x1  }
0x1ff: {  	v7 =	vand.u32 $0x3FF, v5  }
0x200: {  	(xrf1) =	vunique.msk.u32 $0xffff, v7;
	_ =	sdelay $0x8  }
0x201: {  	v8 =	vld.idx.msk [tilespmem:v7+s13+$0x0], $0xffff;
	_ =	sdelay $0x4  }
0x202: {  	_, v9, vm0 =	vpop (xrf1)  }
0x203: {  	v8 =	vadd.s32 v9, v8  }
0x204: {  	v8 =	vadd.s32 $0xFFFFFFFF, v8;
	_ =	sdelay $0x4  }
0x205: {  	[tilespmem:v8+s1+$0x0] =	vst.idx.msk $0xffff, v5  }
.Ltmp23:
0x206: {  	[tilespmem:v8+s14+$0x0] =	vst.idx.msk $0xffff, v6;
	(pc) =	sbr.rel @p2 .LBB2_42-.Ltmp23, $4  }
0x207: {  	s23 =	sadd.s32 $0x10, s23;
	[tilespmem:v7+s13+$0x0] =	vst.idx.add.s32.msk vm0, v9  }
0x208: {  	s24 =	sadd.s32 $0x10, s24;
	v5 =	vld [tilespmem:s23+$0x0]  }
0x209: {  	v6 =	vld [tilespmem:s24+$0x0]  }
0x20a: {  	s25 =	sadd.s32 $0xFFFFFFFF, s25  }
.LBB2_43:
0x20b: {  	_ =	sdelay $0x1  }
0x20c: {  	v7 =	vand.u32 $0x3FF, v5  }
0x20d: {  	(xrf1) =	vunique.msk.u32 $0xffff, v7;
	_ =	sdelay $0x9  }
0x20e: {  	v8 =	vld.idx.msk [tilespmem:v7+s13+$0x0], $0xffff;
	_ =	sdelay $0x3  }
0x20f: {  	_, v9, vm0 =	vpop (xrf1)  }
0x210: {  	v8 =	vadd.s32 v9, v8  }
0x211: {  	v8 =	vadd.s32 $0xFFFFFFFF, v8;
	_ =	sdelay $0x4  }
0x212: {  	[tilespmem:v8+s1+$0x0] =	vst.idx.msk $0xffff, v5  }
0x213: {  	[tilespmem:v8+s14+$0x0] =	vst.idx.msk $0xffff, v6  }
0x214: {  	[tilespmem:v7+s13+$0x0] =	vst.idx.add.s32.msk vm0, v9  }
.LBB2_44:
0x215: {  	s23 =	simm.s32 $0x0  }
.LBB2_45:
0x216: {  	p2 =	seq.s32 s23, $0xFC0  }
.Ltmp24:
0x217: {  	_ = 	snop;
	(pc) =	sbr.rel @!p2 .LBB2_45-.Ltmp24, $3  }
0x218: {  	_ =	sdelay $0x1  }
0x219: {  	s0 =	sshra.s32 s23, $0x2  }
0x21a: {  	s23 =	sadd.s32 $0x40, s23;
	[tilespmem:s0+$0x14000] =	vst v0  }
0x21b: {  	s23 =	simm.s32 $0xFFFFFFFC;
	s24 =	simm.s32 $0x20  }
.LBB2_47:
0x21c: {  	v5 =	vld [tilespmem:s24+$0xFFFFFFE0];
	_ =	sdelay $0x4  }
0x21d: {  	v5 =	vshrl.u32 v5, $0xA  }
0x21e: {  	v5 =	vand.u32 $0x3FF, v5  }
0x21f: {  	(xrf1) =	vunique.msk.u32 $0xffff, v5;
	_ =	sdelay $0xd  }
0x220: {  	_, v6, vm0 =	vpop (xrf1);
	_ =	sdelay $0x5  }
0x221: {  	[tilespmem:v5+s9+$0x0] =	vst.idx.add.s32.msk vm0, v6  }
0x222: {  	v5 =	vld [tilespmem:s24+$0xFFFFFFF0];
	_ =	sdelay $0x4  }
0x223: {  	v5 =	vshrl.u32 v5, $0xA  }
0x224: {  	v5 =	vand.u32 $0x3FF, v5  }
0x225: {  	(xrf1) =	vunique.msk.u32 $0xffff, v5;
	_ =	sdelay $0xd  }
0x226: {  	_, v6, vm0 =	vpop (xrf1);
	_ =	sdelay $0x5  }
0x227: {  	[tilespmem:v5+s9+$0x0] =	vst.idx.add.s32.msk vm0, v6  }
0x228: {  	v5 =	vld [tilespmem:s24+$0x0];
	_ =	sdelay $0x4  }
0x229: {  	v5 =	vshrl.u32 v5, $0xA  }
0x22a: {  	v5 =	vand.u32 $0x3FF, v5  }
0x22b: {  	(xrf1) =	vunique.msk.u32 $0xffff, v5;
	_ =	sdelay $0xd  }
0x22c: {  	_, v6, vm0 =	vpop (xrf1);
	_ =	sdelay $0x5  }
0x22d: {  	[tilespmem:v5+s9+$0x0] =	vst.idx.add.s32.msk vm0, v6  }
0x22e: {  	v5 =	vld [tilespmem:s24+$0x10];
	_ =	sdelay $0x4  }
0x22f: {  	v5 =	vshrl.u32 v5, $0xA  }
0x230: {  	v5 =	vand.u32 $0x3FF, v5  }
0x231: {  	(xrf1) =	vunique.msk.u32 $0xffff, v5;
	_ =	sdelay $0xd  }
0x232: {  	s23 =	sadd.s32 $0x4, s23;
	_, v6, vm0 =	vpop (xrf1)  }
0x233: {  	p2 =	slt.u32 s23, $0x17C  }
.Ltmp25:
0x234: {  	_ = 	snop;
	(pc) =	sbr.rel @p2 .LBB2_47-.Ltmp25, $2  }
0x235: {  	_ =	sdelay $0x2  }
0x236: {  	s24 =	sadd.s32 $0x40, s24;
	[tilespmem:v5+s9+$0x0] =	vst.idx.add.s32.msk vm0, v6  }
.Ltmp26:
0x237: {  	(pc) =	sbr.rel @p1 .LBB2_52-.Ltmp26, $1  }
0x238: {  	_ =	sdelay $0x3  }
0x239: {  	p2 =	sne.s32 s22, $0x1  }
.Ltmp27:
0x23a: {  	_ = 	snop;
	(pc) =	sbr.rel @!p2 .LBB2_51-.Ltmp27, $3  }
0x23b: {  	_ =	sdelay $0x1  }
0x23c: {  	s23 =	simm.s32 $0x1800  }
0x23d: {  	s24 =	sadd.s32 $0xFFFFFFFF, s22;
	v5 =	vld [tilespmem:s23+$0x0]  }
.LBB2_50:
0x23e: {  	p2 =	sne.s32 s24, $0x1;
	_ =	sdelay $0x3  }
0x23f: {  	v5 =	vshrl.u32 v5, $0xA  }
0x240: {  	v5 =	vand.u32 $0x3FF, v5  }
0x241: {  	(xrf1) =	vunique.msk.u32 $0xffff, v5;
	_ =	sdelay $0xd  }
0x242: {  	_, v6, vm0 =	vpop (xrf1);
	_ =	sdelay $0x2  }
.Ltmp28:
0x243: {  	(pc) =	sbr.rel @p2 .LBB2_50-.Ltmp28, $3  }
0x244: {  	_ =	sdelay $0x1  }
0x245: {  	s23 =	sadd.s32 $0x10, s23;
	[tilespmem:v5+s9+$0x0] =	vst.idx.add.s32.msk vm0, v6  }
0x246: {  	s24 =	sadd.s32 $0xFFFFFFFF, s24;
	v5 =	vld [tilespmem:s23+$0x0]  }
.LBB2_51:
0x247: {  	_ =	sdelay $0x3  }
0x248: {  	v5 =	vshrl.u32 v5, $0xA  }
0x249: {  	v5 =	vand.u32 $0x3FF, v5  }
0x24a: {  	(xrf1) =	vunique.msk.u32 $0xffff, v5;
	_ =	sdelay $0xd  }
0x24b: {  	_, v6, vm0 =	vpop (xrf1);
	_ =	sdelay $0x5  }
0x24c: {  	[tilespmem:v5+s9+$0x0] =	vst.idx.add.s32.msk vm0, v6  }
.LBB2_52:
0x24d: {  	p5 =	por $0x0, $0x0  }
.Ltmp29:
0x24e: {  	_ = 	snop;
	(pc) =	sbr.rel @p5 .LBB2_53-.Ltmp29, $3  }
0x24f: {  	_ =	sdelay $0x1  }
0x250: {  	s23 =	simm.s32 $0x0;
	s24 =	simm.s32 $0x0  }
0x251: {  	p2 =	por $0x0, $0x0;
	p3 =	por $0x0, $0x0;
	p4 =	por $0x0, $0x0;
	v7 =	vld [tilespmem:s24+$0x14000]  }
0x252: {  	s25 =	simm.s32 $0x10;
	p5 =	por $0x0, $0x0  }
.Ltmp30:
0x253: {  	v6 =	vld [tilespmem:s25+$0x14000];
	(pc) =	sbr.rel @p5 .LBB2_55-.Ltmp30, $2  }
0x254: {  	_ =	sdelay $0x2  }
0x255: {  	p2 =	por $0x1, $0x1;
	(xrf0) =	vadd.scan.msk.s32 $0xffff, v7  }
0x256: {  	_ =	sdelay $0x4  }
0x257: {  	v8, _, _ =	vpop (xrf0)  }
0x258: {  	(v2sf) =	vpush v8, $0xF;
	_ =	sdelay $0x4  }
0x259: {  	s28 =	simm.s32 $0x20;
	p5 =	por $0x0, $0x0  }
.Ltmp31:
0x25a: {  	v13 =	vld [tilespmem:s28+$0x14000];
	(pc) =	sbr.rel @p5 .LBB2_57-.Ltmp31, $2  }
0x25b: {  	_ =	sdelay $0x2  }
0x25c: {  	p3 =	por $0x1, $0x1;
	(xrf0) =	vadd.scan.msk.s32 $0xffff, v6  }
0x25d: {  	_ =	sdelay $0x4  }
0x25e: {  	v9, _, _ =	vpop (xrf0)  }
0x25f: {  	(v2sf) =	vpush v9, $0xF;
	_ =	sdelay $0x3  }
0x260: {  	s31 =	simm.s32 $0x30;
	p5 =	por $0x0, $0x0;
	(xrf0) =	vadd.scan.msk.s32 $0xffff, v13  }
.Ltmp32:
0x261: {  	v5 =	vld [tilespmem:s31+$0x14000];
	(pc) =	sbr.rel @p5 .LBB2_59-.Ltmp32, $3  }
0x262: {  	_ =	sdelay $0x1  }
0x263: {  	s30 =	simm.s32 $0x100  }
0x264: {  	p4 =	por $0x1, $0x1;
	s26 =	simm.s32 $0x0;
	v10 =	vmov v7;
	v11 =	vmov v8;
	s29 =	simm.s32 $0x0  }
.LBB2_60:
0x265: {  	s0 =	sshra.s32 s30, $0x2;
	p5 =	seq.s32 s30, $0xFC0;
	s30 =	sadd.s32 $0x40, s30;
	(xrf0) =	vadd.scan.msk.s32 $0xffff, v5;
	v12, _, _ =	vpop (xrf0);
	v14 =	vsub.s32 s26, v10;
	v10 =	vmov v6;
	v6 =	vmov v13  }
.Ltmp33:
0x266: {  	v13 =	vmovc v5;
	(v2sf) =	vpush v12, $0xF;
	v14 =	vadd.s32 v11, v14;
	v11 =	vmovc v9;
	v9 =	vmov v12;
	v5 =	vld [tilespmem:s0+$0x14000];
	(pc) =	sbr.rel @!p5 .LBB2_60-.Ltmp33, $4  }
0x267: {  	[tilespmem:s29+$0x14400] =	vst v14;
	s29 =	smov.u32 s25;
	s25 =	smov.u32 s28;
	s28 =	smov.u32 s31  }
0x268: {  	s31 =	smov.u32 s0  }
0x269: {  	s0 =	spop (v2sf)  }
0x26a: {  	s26 =	sadd.s32 s26, s0  }
0x26b: {  	v12 =	vmov v6;
	s30 =	smov.u32 s25;
	v6 =	vmov v13;
	s25 =	smov.u32 s31  }
.LBB2_62:
0x26c: {  	(xrf0) =	vadd.scan.msk.s32 $0xffff, v5  }
0x26d: {  	v13, _, _ =	vpop @p2 (xrf0)  }
0x26e: {  	(v2sf) =	vpush @p2 v13, $0xF;
	_ =	sdelay $0x3  }
0x26f: {  	v14, _, _ =	vpop (xrf0)  }
0x270: {  	(v2sf) =	vpush v14, $0xF;
	_ =	sdelay $0x5  }
0x271: {  	s0 =	spop @p4 (v2sf)  }
0x272: {  	s6 =	simm.s32 $0x0;
	s0 =	sadd.s32 @p4 s26, s0  }
0x273: {  	s6 =	smov.u32 @p4 s0;
	s0 =	spop @p3 (v2sf)  }
0x274: {  	v6 =	vpsel p2, v6, v7;
	v12 =	vpsel p3, v12, v0;
	s31 =	simm.s32 $0x0;
	s0 =	sadd.s32 @p3 s6, s0  }
0x275: {  	v10 =	vsub.s32 @p4 s26, v10;
	v9 =	vpsel p3, v9, v0;
	v7 =	vmovc @p2 v13;
	v12 =	vsub.s32 @p3 s6, v12;
	s6 =	smov.u32 @p2 s28;
	s31 =	smov.u32 @p3 s0;
	s0 =	spop @p2 (v2sf)  }
0x276: {  	v6 =	vpsel p2, v6, v0;
	v7 =	vpsel p2, v7, v8;
	v8 =	vadd.s32 @p4 v11, v10;
	s24 =	smov.u32 @p2 s6;
	s6 =	smov.u32 @p3 s30;
	s0 =	sadd.s32 @p2 s31, s0  }
0x277: {  	[tilespmem:s29+$0x14400] =	vst @p4 v8;
	v7 =	vpsel p2, v7, v0;
	v8 =	vadd.s32 @p3 v9, v12;
	s6 =	smov.u32 @p3 s6;
	v6 =	vsub.s32 @p2 s31, v6;
	s23 =	smov.u32 @p2 s0  }
0x278: {  	[tilespmem:s6+$0x14400] =	vst @p3 v8;
	v6 =	vadd.s32 @p2 v7, v6;
	s0 =	smov.u32 @p2 s24;
	v5 =	vsub.s32 s23, v5  }
0x279: {  	s24 =	simm.s32 $0x20;
	[tilespmem:s0+$0x14400] =	vst @p2 v6;
	v5 =	vadd.s32 v14, v5  }
0x27a: {  	s23 =	simm.s32 $0xFFFFFFFC;
	[tilespmem:s25+$0x14400] =	vst v5;
	s25 =	simm.s32 $0x5020;
	s31 =	spop (v2sf)  }
.LBB2_63:
0x27b: {  	v5 =	vld [tilespmem:s24+$0xFFFFFFE0];
	_ =	sdelay $0x4  }
0x27c: {  	v6 =	vshrl.u32 v5, $0xA  }
0x27d: {  	v6 =	vand.u32 $0x3FF, v6  }
0x27e: {  	(xrf1) =	vunique.msk.u32 $0xffff, v6;
	_ =	sdelay $0x9  }
0x27f: {  	v7 =	vld.idx.msk [tilespmem:v6+s13+$0x0], $0xffff;
	_ =	sdelay $0x3  }
0x280: {  	_, v8, vm0 =	vpop (xrf1)  }
0x281: {  	v7 =	vadd.s32 v8, v7  }
0x282: {  	v7 =	vadd.s32 $0xFFFFFFFF, v7  }
0x283: {  	v9 =	vld [tilespmem:s25+$0xFFFFFFE0];
	_ =	sdelay $0x3  }
0x284: {  	[tilespmem:v7+s10+$0x0] =	vst.idx.msk $0xffff, v5  }
0x285: {  	[tilespmem:v7+s11+$0x0] =	vst.idx.msk $0xffff, v9  }
0x286: {  	[tilespmem:v6+s13+$0x0] =	vst.idx.add.s32.msk vm0, v8  }
0x287: {  	v5 =	vld [tilespmem:s24+$0xFFFFFFF0];
	_ =	sdelay $0x4  }
0x288: {  	v6 =	vshrl.u32 v5, $0xA  }
0x289: {  	v6 =	vand.u32 $0x3FF, v6  }
0x28a: {  	(xrf1) =	vunique.msk.u32 $0xffff, v6;
	_ =	sdelay $0x9  }
0x28b: {  	v7 =	vld.idx.msk [tilespmem:v6+s13+$0x0], $0xffff;
	_ =	sdelay $0x3  }
0x28c: {  	_, v8, vm0 =	vpop (xrf1)  }
0x28d: {  	v7 =	vadd.s32 v8, v7  }
0x28e: {  	v7 =	vadd.s32 $0xFFFFFFFF, v7  }
0x28f: {  	v9 =	vld [tilespmem:s25+$0xFFFFFFF0];
	_ =	sdelay $0x3  }
0x290: {  	[tilespmem:v7+s10+$0x0] =	vst.idx.msk $0xffff, v5  }
0x291: {  	[tilespmem:v7+s11+$0x0] =	vst.idx.msk $0xffff, v9  }
0x292: {  	[tilespmem:v6+s13+$0x0] =	vst.idx.add.s32.msk vm0, v8  }
0x293: {  	v5 =	vld [tilespmem:s24+$0x0];
	_ =	sdelay $0x4  }
0x294: {  	v6 =	vshrl.u32 v5, $0xA  }
0x295: {  	v6 =	vand.u32 $0x3FF, v6  }
0x296: {  	(xrf1) =	vunique.msk.u32 $0xffff, v6;
	_ =	sdelay $0x9  }
0x297: {  	v7 =	vld.idx.msk [tilespmem:v6+s13+$0x0], $0xffff;
	_ =	sdelay $0x3  }
0x298: {  	_, v8, vm0 =	vpop (xrf1)  }
0x299: {  	v7 =	vadd.s32 v8, v7  }
0x29a: {  	v7 =	vadd.s32 $0xFFFFFFFF, v7  }
0x29b: {  	v9 =	vld [tilespmem:s25+$0x0];
	_ =	sdelay $0x3  }
0x29c: {  	[tilespmem:v7+s10+$0x0] =	vst.idx.msk $0xffff, v5  }
0x29d: {  	[tilespmem:v7+s11+$0x0] =	vst.idx.msk $0xffff, v9  }
0x29e: {  	[tilespmem:v6+s13+$0x0] =	vst.idx.add.s32.msk vm0, v8  }
0x29f: {  	v5 =	vld [tilespmem:s24+$0x10];
	_ =	sdelay $0x4  }
0x2a0: {  	v6 =	vshrl.u32 v5, $0xA  }
0x2a1: {  	v6 =	vand.u32 $0x3FF, v6  }
0x2a2: {  	(xrf1) =	vunique.msk.u32 $0xffff, v6;
	_ =	sdelay $0x9  }
0x2a3: {  	v7 =	vld.idx.msk [tilespmem:v6+s13+$0x0], $0xffff;
	_ =	sdelay $0x3  }
0x2a4: {  	_, v8, vm0 =	vpop (xrf1)  }
0x2a5: {  	v7 =	vadd.s32 v8, v7  }
0x2a6: {  	v7 =	vadd.s32 $0xFFFFFFFF, v7  }
0x2a7: {  	s23 =	sadd.s32 $0x4, s23;
	v9 =	vld [tilespmem:s25+$0x10]  }
0x2a8: {  	p2 =	slt.u32 s23, $0x17C  }
.Ltmp34:
0x2a9: {  	_ = 	snop;
	(pc) =	sbr.rel @p2 .LBB2_63-.Ltmp34, $4  }
0x2aa: {  	_ = 	snop  }
0x2ab: {  	[tilespmem:v7+s10+$0x0] =	vst.idx.msk $0xffff, v5  }
0x2ac: {  	[tilespmem:v7+s11+$0x0] =	vst.idx.msk $0xffff, v9  }
0x2ad: {  	s24 =	sadd.s32 $0x40, s24;
	s25 =	sadd.s32 $0x40, s25;
	[tilespmem:v6+s13+$0x0] =	vst.idx.add.s32.msk vm0, v8  }
.Ltmp35:
0x2ae: {  	(pc) =	sbr.rel @p1 .LBB2_68-.Ltmp35, $1  }
0x2af: {  	_ =	sdelay $0x3  }
0x2b0: {  	p2 =	sne.s32 s22, $0x1  }
.Ltmp36:
0x2b1: {  	_ = 	snop;
	(pc) =	sbr.rel @!p2 .LBB2_67-.Ltmp36, $4  }
0x2b2: {  	s23 =	simm.s32 $0x1800  }
0x2b3: {  	v5 =	vld [tilespmem:s23+$0x0]  }
0x2b4: {  	s24 =	simm.s32 $0x6800  }
0x2b5: {  	s25 =	sadd.s32 $0xFFFFFFFF, s22;
	v6 =	vld [tilespmem:s24+$0x0]  }
.LBB2_66:
0x2b6: {  	p2 =	sne.s32 s25, $0x1;
	_ =	sdelay $0x1  }
0x2b7: {  	v7 =	vshrl.u32 v5, $0xA  }
0x2b8: {  	v7 =	vand.u32 $0x3FF, v7  }
0x2b9: {  	(xrf1) =	vunique.msk.u32 $0xffff, v7;
	_ =	sdelay $0x8  }
0x2ba: {  	v8 =	vld.idx.msk [tilespmem:v7+s13+$0x0], $0xffff;
	_ =	sdelay $0x4  }
0x2bb: {  	_, v9, vm0 =	vpop (xrf1)  }
0x2bc: {  	v8 =	vadd.s32 v9, v8  }
0x2bd: {  	v8 =	vadd.s32 $0xFFFFFFFF, v8;
	_ =	sdelay $0x4  }
0x2be: {  	[tilespmem:v8+s10+$0x0] =	vst.idx.msk $0xffff, v5  }
.Ltmp37:
0x2bf: {  	[tilespmem:v8+s11+$0x0] =	vst.idx.msk $0xffff, v6;
	(pc) =	sbr.rel @p2 .LBB2_66-.Ltmp37, $4  }
0x2c0: {  	s23 =	sadd.s32 $0x10, s23;
	[tilespmem:v7+s13+$0x0] =	vst.idx.add.s32.msk vm0, v9  }
0x2c1: {  	s24 =	sadd.s32 $0x10, s24;
	v5 =	vld [tilespmem:s23+$0x0]  }
0x2c2: {  	v6 =	vld [tilespmem:s24+$0x0]  }
0x2c3: {  	s25 =	sadd.s32 $0xFFFFFFFF, s25  }
.LBB2_67:
0x2c4: {  	_ =	sdelay $0x1  }
0x2c5: {  	v7 =	vshrl.u32 v5, $0xA  }
0x2c6: {  	v7 =	vand.u32 $0x3FF, v7  }
0x2c7: {  	(xrf1) =	vunique.msk.u32 $0xffff, v7;
	_ =	sdelay $0x9  }
0x2c8: {  	v8 =	vld.idx.msk [tilespmem:v7+s13+$0x0], $0xffff;
	_ =	sdelay $0x3  }
0x2c9: {  	_, v9, vm0 =	vpop (xrf1)  }
0x2ca: {  	v8 =	vadd.s32 v9, v8  }
0x2cb: {  	v8 =	vadd.s32 $0xFFFFFFFF, v8;
	_ =	sdelay $0x4  }
0x2cc: {  	[tilespmem:v8+s10+$0x0] =	vst.idx.msk $0xffff, v5  }
0x2cd: {  	[tilespmem:v8+s11+$0x0] =	vst.idx.msk $0xffff, v6  }
0x2ce: {  	[tilespmem:v7+s13+$0x0] =	vst.idx.add.s32.msk vm0, v9  }
.LBB2_68:
0x2cf: {  	s23 =	simm.s32 $0x0  }
.LBB2_69:
0x2d0: {  	p2 =	seq.s32 s23, $0xFC0  }
.Ltmp38:
0x2d1: {  	_ = 	snop;
	(pc) =	sbr.rel @!p2 .LBB2_69-.Ltmp38, $3  }
0x2d2: {  	_ =	sdelay $0x1  }
0x2d3: {  	s0 =	sshra.s32 s23, $0x2  }
0x2d4: {  	s23 =	sadd.s32 $0x40, s23;
	[tilespmem:s0+$0x14000] =	vst v0  }
0x2d5: {  	s23 =	simm.s32 $0xFFFFFFFC;
	s24 =	simm.s32 $0xA020  }
.LBB2_71:
0x2d6: {  	v5 =	vld [tilespmem:s24+$0xFFFFFFE0];
	_ =	sdelay $0x4  }
0x2d7: {  	v5 =	vshrl.u32 v5, $0x14  }
0x2d8: {  	v5 =	vand.u32 $0x3FF, v5  }
0x2d9: {  	(xrf1) =	vunique.msk.u32 $0xffff, v5;
	_ =	sdelay $0xd  }
0x2da: {  	_, v6, vm0 =	vpop (xrf1);
	_ =	sdelay $0x5  }
0x2db: {  	[tilespmem:v5+s9+$0x0] =	vst.idx.add.s32.msk vm0, v6  }
0x2dc: {  	v5 =	vld [tilespmem:s24+$0xFFFFFFF0];
	_ =	sdelay $0x4  }
0x2dd: {  	v5 =	vshrl.u32 v5, $0x14  }
0x2de: {  	v5 =	vand.u32 $0x3FF, v5  }
0x2df: {  	(xrf1) =	vunique.msk.u32 $0xffff, v5;
	_ =	sdelay $0xd  }
0x2e0: {  	_, v6, vm0 =	vpop (xrf1);
	_ =	sdelay $0x5  }
0x2e1: {  	[tilespmem:v5+s9+$0x0] =	vst.idx.add.s32.msk vm0, v6  }
0x2e2: {  	v5 =	vld [tilespmem:s24+$0x0];
	_ =	sdelay $0x4  }
0x2e3: {  	v5 =	vshrl.u32 v5, $0x14  }
0x2e4: {  	v5 =	vand.u32 $0x3FF, v5  }
0x2e5: {  	(xrf1) =	vunique.msk.u32 $0xffff, v5;
	_ =	sdelay $0xd  }
0x2e6: {  	_, v6, vm0 =	vpop (xrf1);
	_ =	sdelay $0x5  }
0x2e7: {  	[tilespmem:v5+s9+$0x0] =	vst.idx.add.s32.msk vm0, v6  }
0x2e8: {  	v5 =	vld [tilespmem:s24+$0x10];
	_ =	sdelay $0x4  }
0x2e9: {  	v5 =	vshrl.u32 v5, $0x14  }
0x2ea: {  	v5 =	vand.u32 $0x3FF, v5  }
0x2eb: {  	(xrf1) =	vunique.msk.u32 $0xffff, v5;
	_ =	sdelay $0xd  }
0x2ec: {  	s23 =	sadd.s32 $0x4, s23;
	_, v6, vm0 =	vpop (xrf1)  }
0x2ed: {  	p2 =	slt.u32 s23, $0x17C  }
.Ltmp39:
0x2ee: {  	_ = 	snop;
	(pc) =	sbr.rel @p2 .LBB2_71-.Ltmp39, $2  }
0x2ef: {  	_ =	sdelay $0x2  }
0x2f0: {  	s24 =	sadd.s32 $0x40, s24;
	[tilespmem:v5+s9+$0x0] =	vst.idx.add.s32.msk vm0, v6  }
.Ltmp40:
0x2f1: {  	(pc) =	sbr.rel @p1 .LBB2_76-.Ltmp40, $1  }
0x2f2: {  	_ =	sdelay $0x3  }
0x2f3: {  	p2 =	sne.s32 s22, $0x1  }
.Ltmp41:
0x2f4: {  	_ = 	snop;
	(pc) =	sbr.rel @!p2 .LBB2_75-.Ltmp41, $3  }
0x2f5: {  	_ =	sdelay $0x1  }
0x2f6: {  	s23 =	simm.s32 $0xB800  }
0x2f7: {  	s24 =	sadd.s32 $0xFFFFFFFF, s22;
	v5 =	vld [tilespmem:s23+$0x0]  }
.LBB2_74:
0x2f8: {  	p2 =	sne.s32 s24, $0x1;
	_ =	sdelay $0x3  }
0x2f9: {  	v5 =	vshrl.u32 v5, $0x14  }
0x2fa: {  	v5 =	vand.u32 $0x3FF, v5  }
0x2fb: {  	(xrf1) =	vunique.msk.u32 $0xffff, v5;
	_ =	sdelay $0xd  }
0x2fc: {  	_, v6, vm0 =	vpop (xrf1);
	_ =	sdelay $0x2  }
.Ltmp42:
0x2fd: {  	(pc) =	sbr.rel @p2 .LBB2_74-.Ltmp42, $3  }
0x2fe: {  	_ =	sdelay $0x1  }
0x2ff: {  	s23 =	sadd.s32 $0x10, s23;
	[tilespmem:v5+s9+$0x0] =	vst.idx.add.s32.msk vm0, v6  }
0x300: {  	s24 =	sadd.s32 $0xFFFFFFFF, s24;
	v5 =	vld [tilespmem:s23+$0x0]  }
.LBB2_75:
0x301: {  	_ =	sdelay $0x3  }
0x302: {  	v5 =	vshrl.u32 v5, $0x14  }
0x303: {  	v5 =	vand.u32 $0x3FF, v5  }
0x304: {  	(xrf1) =	vunique.msk.u32 $0xffff, v5;
	_ =	sdelay $0xd  }
0x305: {  	_, v6, vm0 =	vpop (xrf1);
	_ =	sdelay $0x5  }
0x306: {  	[tilespmem:v5+s9+$0x0] =	vst.idx.add.s32.msk vm0, v6  }
.LBB2_76:
0x307: {  	p5 =	por $0x0, $0x0  }
.Ltmp43:
0x308: {  	_ = 	snop;
	(pc) =	sbr.rel @p5 .LBB2_77-.Ltmp43, $3  }
0x309: {  	_ =	sdelay $0x1  }
0x30a: {  	s23 =	simm.s32 $0x0;
	s24 =	simm.s32 $0x0  }
0x30b: {  	p2 =	por $0x0, $0x0;
	p3 =	por $0x0, $0x0;
	p4 =	por $0x0, $0x0;
	v7 =	vld [tilespmem:s24+$0x14000]  }
0x30c: {  	s25 =	simm.s32 $0x10;
	p5 =	por $0x0, $0x0  }
.Ltmp44:
0x30d: {  	v6 =	vld [tilespmem:s25+$0x14000];
	(pc) =	sbr.rel @p5 .LBB2_79-.Ltmp44, $2  }
0x30e: {  	_ =	sdelay $0x2  }
0x30f: {  	p2 =	por $0x1, $0x1;
	(xrf0) =	vadd.scan.msk.s32 $0xffff, v7  }
0x310: {  	_ =	sdelay $0x4  }
0x311: {  	v8, _, _ =	vpop (xrf0)  }
0x312: {  	(v2sf) =	vpush v8, $0xF;
	_ =	sdelay $0x4  }
0x313: {  	s28 =	simm.s32 $0x20;
	p5 =	por $0x0, $0x0  }
.Ltmp45:
0x314: {  	v13 =	vld [tilespmem:s28+$0x14000];
	(pc) =	sbr.rel @p5 .LBB2_81-.Ltmp45, $2  }
0x315: {  	_ =	sdelay $0x2  }
0x316: {  	p3 =	por $0x1, $0x1;
	(xrf0) =	vadd.scan.msk.s32 $0xffff, v6  }
0x317: {  	_ =	sdelay $0x4  }
0x318: {  	v9, _, _ =	vpop (xrf0)  }
0x319: {  	(v2sf) =	vpush v9, $0xF;
	_ =	sdelay $0x3  }
0x31a: {  	s31 =	simm.s32 $0x30;
	p5 =	por $0x0, $0x0;
	(xrf0) =	vadd.scan.msk.s32 $0xffff, v13  }
.Ltmp46:
0x31b: {  	v5 =	vld [tilespmem:s31+$0x14000];
	(pc) =	sbr.rel @p5 .LBB2_83-.Ltmp46, $3  }
0x31c: {  	_ =	sdelay $0x1  }
0x31d: {  	s30 =	simm.s32 $0x100  }
0x31e: {  	p4 =	por $0x1, $0x1;
	s26 =	simm.s32 $0x0;
	v10 =	vmov v7;
	v11 =	vmov v8;
	s29 =	simm.s32 $0x0  }
.LBB2_84:
0x31f: {  	s0 =	sshra.s32 s30, $0x2;
	p5 =	seq.s32 s30, $0xFC0;
	s30 =	sadd.s32 $0x40, s30;
	(xrf0) =	vadd.scan.msk.s32 $0xffff, v5;
	v12, _, _ =	vpop (xrf0);
	v14 =	vsub.s32 s26, v10;
	v10 =	vmov v6;
	v6 =	vmov v13  }
.Ltmp47:
0x320: {  	v13 =	vmovc v5;
	(v2sf) =	vpush v12, $0xF;
	v14 =	vadd.s32 v11, v14;
	v11 =	vmovc v9;
	v9 =	vmov v12;
	v5 =	vld [tilespmem:s0+$0x14000];
	(pc) =	sbr.rel @!p5 .LBB2_84-.Ltmp47, $4  }
0x321: {  	[tilespmem:s29+$0x14400] =	vst v14;
	s29 =	smov.u32 s25;
	s25 =	smov.u32 s28;
	s28 =	smov.u32 s31  }
0x322: {  	s31 =	smov.u32 s0  }
0x323: {  	s0 =	spop (v2sf)  }
0x324: {  	s26 =	sadd.s32 s26, s0  }
0x325: {  	v12 =	vmov v6;
	s30 =	smov.u32 s25;
	v6 =	vmov v13;
	s25 =	smov.u32 s31  }
.LBB2_86:
0x326: {  	(xrf0) =	vadd.scan.msk.s32 $0xffff, v5  }
0x327: {  	v13, _, _ =	vpop @p2 (xrf0)  }
0x328: {  	(v2sf) =	vpush @p2 v13, $0xF;
	_ =	sdelay $0x3  }
0x329: {  	v14, _, _ =	vpop (xrf0)  }
0x32a: {  	(v2sf) =	vpush v14, $0xF;
	_ =	sdelay $0x5  }
0x32b: {  	s0 =	spop @p4 (v2sf)  }
0x32c: {  	s6 =	simm.s32 $0x0;
	s0 =	sadd.s32 @p4 s26, s0  }
0x32d: {  	s6 =	smov.u32 @p4 s0;
	s0 =	spop @p3 (v2sf)  }
0x32e: {  	v6 =	vpsel p2, v6, v7;
	v12 =	vpsel p3, v12, v0;
	s31 =	simm.s32 $0x0;
	s0 =	sadd.s32 @p3 s6, s0  }
0x32f: {  	v10 =	vsub.s32 @p4 s26, v10;
	v9 =	vpsel p3, v9, v0;
	v7 =	vmovc @p2 v13;
	v12 =	vsub.s32 @p3 s6, v12;
	s6 =	smov.u32 @p2 s28;
	s31 =	smov.u32 @p3 s0;
	s0 =	spop @p2 (v2sf)  }
0x330: {  	v6 =	vpsel p2, v6, v0;
	v7 =	vpsel p2, v7, v8;
	v8 =	vadd.s32 @p4 v11, v10;
	s24 =	smov.u32 @p2 s6;
	s6 =	smov.u32 @p3 s30;
	s0 =	sadd.s32 @p2 s31, s0  }
0x331: {  	[tilespmem:s29+$0x14400] =	vst @p4 v8;
	v7 =	vpsel p2, v7, v0;
	v8 =	vadd.s32 @p3 v9, v12;
	s6 =	smov.u32 @p3 s6;
	v6 =	vsub.s32 @p2 s31, v6;
	s23 =	smov.u32 @p2 s0  }
0x332: {  	[tilespmem:s6+$0x14400] =	vst @p3 v8;
	v6 =	vadd.s32 @p2 v7, v6;
	s0 =	smov.u32 @p2 s24;
	v5 =	vsub.s32 s23, v5  }
0x333: {  	s24 =	simm.s32 $0xA020;
	[tilespmem:s0+$0x14400] =	vst @p2 v6;
	v5 =	vadd.s32 v14, v5  }
0x334: {  	s23 =	simm.s32 $0xFFFFFFFC;
	[tilespmem:s25+$0x14400] =	vst v5;
	s25 =	simm.s32 $0xF020;
	s31 =	spop (v2sf)  }
.LBB2_87:
0x335: {  	v5 =	vld [tilespmem:s24+$0xFFFFFFE0];
	_ =	sdelay $0x4  }
0x336: {  	v6 =	vshrl.u32 v5, $0x14  }
0x337: {  	v6 =	vand.u32 $0x3FF, v6  }
0x338: {  	(xrf1) =	vunique.msk.u32 $0xffff, v6;
	_ =	sdelay $0x9  }
0x339: {  	v7 =	vld.idx.msk [tilespmem:v6+s13+$0x0], $0xffff;
	_ =	sdelay $0x3  }
0x33a: {  	_, v8, vm0 =	vpop (xrf1)  }
0x33b: {  	v7 =	vadd.s32 v8, v7  }
0x33c: {  	v7 =	vadd.s32 $0xFFFFFFFF, v7  }
0x33d: {  	v9 =	vld [tilespmem:s25+$0xFFFFFFE0];
	_ =	sdelay $0x3  }
0x33e: {  	[tilespmem:v7+s1+$0x0] =	vst.idx.msk $0xffff, v5  }
0x33f: {  	[tilespmem:v7+s14+$0x0] =	vst.idx.msk $0xffff, v9  }
0x340: {  	[tilespmem:v6+s13+$0x0] =	vst.idx.add.s32.msk vm0, v8  }
0x341: {  	v5 =	vld [tilespmem:s24+$0xFFFFFFF0];
	_ =	sdelay $0x4  }
0x342: {  	v6 =	vshrl.u32 v5, $0x14  }
0x343: {  	v6 =	vand.u32 $0x3FF, v6  }
0x344: {  	(xrf1) =	vunique.msk.u32 $0xffff, v6;
	_ =	sdelay $0x9  }
0x345: {  	v7 =	vld.idx.msk [tilespmem:v6+s13+$0x0], $0xffff;
	_ =	sdelay $0x3  }
0x346: {  	_, v8, vm0 =	vpop (xrf1)  }
0x347: {  	v7 =	vadd.s32 v8, v7  }
0x348: {  	v7 =	vadd.s32 $0xFFFFFFFF, v7  }
0x349: {  	v9 =	vld [tilespmem:s25+$0xFFFFFFF0];
	_ =	sdelay $0x3  }
0x34a: {  	[tilespmem:v7+s1+$0x0] =	vst.idx.msk $0xffff, v5  }
0x34b: {  	[tilespmem:v7+s14+$0x0] =	vst.idx.msk $0xffff, v9  }
0x34c: {  	[tilespmem:v6+s13+$0x0] =	vst.idx.add.s32.msk vm0, v8  }
0x34d: {  	v5 =	vld [tilespmem:s24+$0x0];
	_ =	sdelay $0x4  }
0x34e: {  	v6 =	vshrl.u32 v5, $0x14  }
0x34f: {  	v6 =	vand.u32 $0x3FF, v6  }
0x350: {  	(xrf1) =	vunique.msk.u32 $0xffff, v6;
	_ =	sdelay $0x9  }
0x351: {  	v7 =	vld.idx.msk [tilespmem:v6+s13+$0x0], $0xffff;
	_ =	sdelay $0x3  }
0x352: {  	_, v8, vm0 =	vpop (xrf1)  }
0x353: {  	v7 =	vadd.s32 v8, v7  }
0x354: {  	v7 =	vadd.s32 $0xFFFFFFFF, v7  }
0x355: {  	v9 =	vld [tilespmem:s25+$0x0];
	_ =	sdelay $0x3  }
0x356: {  	[tilespmem:v7+s1+$0x0] =	vst.idx.msk $0xffff, v5  }
0x357: {  	[tilespmem:v7+s14+$0x0] =	vst.idx.msk $0xffff, v9  }
0x358: {  	[tilespmem:v6+s13+$0x0] =	vst.idx.add.s32.msk vm0, v8  }
0x359: {  	v5 =	vld [tilespmem:s24+$0x10];
	_ =	sdelay $0x4  }
0x35a: {  	v6 =	vshrl.u32 v5, $0x14  }
0x35b: {  	v6 =	vand.u32 $0x3FF, v6  }
0x35c: {  	(xrf1) =	vunique.msk.u32 $0xffff, v6;
	_ =	sdelay $0x9  }
0x35d: {  	v7 =	vld.idx.msk [tilespmem:v6+s13+$0x0], $0xffff;
	_ =	sdelay $0x3  }
0x35e: {  	_, v8, vm0 =	vpop (xrf1)  }
0x35f: {  	v7 =	vadd.s32 v8, v7  }
0x360: {  	v7 =	vadd.s32 $0xFFFFFFFF, v7  }
0x361: {  	s23 =	sadd.s32 $0x4, s23;
	v9 =	vld [tilespmem:s25+$0x10]  }
0x362: {  	p2 =	slt.u32 s23, $0x17C  }
.Ltmp48:
0x363: {  	_ = 	snop;
	(pc) =	sbr.rel @p2 .LBB2_87-.Ltmp48, $4  }
0x364: {  	_ = 	snop  }
0x365: {  	[tilespmem:v7+s1+$0x0] =	vst.idx.msk $0xffff, v5  }
0x366: {  	[tilespmem:v7+s14+$0x0] =	vst.idx.msk $0xffff, v9  }
0x367: {  	s24 =	sadd.s32 $0x40, s24;
	s25 =	sadd.s32 $0x40, s25;
	[tilespmem:v6+s13+$0x0] =	vst.idx.add.s32.msk vm0, v8  }
.Ltmp49:
0x368: {  	(pc) =	sbr.rel @p1 .LBB2_92-.Ltmp49, $1  }
0x369: {  	_ =	sdelay $0x3  }
0x36a: {  	p1 =	sne.s32 s22, $0x1  }
.Ltmp50:
0x36b: {  	_ = 	snop;
	(pc) =	sbr.rel @!p1 .LBB2_91-.Ltmp50, $4  }
0x36c: {  	s23 =	simm.s32 $0xB800  }
0x36d: {  	v5 =	vld [tilespmem:s23+$0x0]  }
0x36e: {  	s24 =	simm.s32 $0x10800  }
0x36f: {  	s22 =	sadd.s32 $0xFFFFFFFF, s22;
	v6 =	vld [tilespmem:s24+$0x0]  }
.LBB2_90:
0x370: {  	p1 =	sne.s32 s22, $0x1;
	_ =	sdelay $0x1  }
0x371: {  	v7 =	vshrl.u32 v5, $0x14  }
0x372: {  	v7 =	vand.u32 $0x3FF, v7  }
0x373: {  	(xrf1) =	vunique.msk.u32 $0xffff, v7;
	_ =	sdelay $0x8  }
0x374: {  	v8 =	vld.idx.msk [tilespmem:v7+s13+$0x0], $0xffff;
	_ =	sdelay $0x4  }
0x375: {  	_, v9, vm0 =	vpop (xrf1)  }
0x376: {  	v8 =	vadd.s32 v9, v8  }
0x377: {  	v8 =	vadd.s32 $0xFFFFFFFF, v8;
	_ =	sdelay $0x4  }
0x378: {  	[tilespmem:v8+s1+$0x0] =	vst.idx.msk $0xffff, v5  }
.Ltmp51:
0x379: {  	[tilespmem:v8+s14+$0x0] =	vst.idx.msk $0xffff, v6;
	(pc) =	sbr.rel @p1 .LBB2_90-.Ltmp51, $4  }
0x37a: {  	s23 =	sadd.s32 $0x10, s23;
	[tilespmem:v7+s13+$0x0] =	vst.idx.add.s32.msk vm0, v9  }
0x37b: {  	s24 =	sadd.s32 $0x10, s24;
	v5 =	vld [tilespmem:s23+$0x0]  }
0x37c: {  	v6 =	vld [tilespmem:s24+$0x0]  }
0x37d: {  	s22 =	sadd.s32 $0xFFFFFFFF, s22  }
.LBB2_91:
0x37e: {  	_ =	sdelay $0x1  }
0x37f: {  	v7 =	vshrl.u32 v5, $0x14  }
0x380: {  	v7 =	vand.u32 $0x3FF, v7  }
0x381: {  	(xrf1) =	vunique.msk.u32 $0xffff, v7;
	_ =	sdelay $0x9  }
0x382: {  	v8 =	vld.idx.msk [tilespmem:v7+s13+$0x0], $0xffff;
	_ =	sdelay $0x3  }
0x383: {  	_, v9, vm0 =	vpop (xrf1)  }
0x384: {  	v8 =	vadd.s32 v9, v8  }
0x385: {  	v8 =	vadd.s32 $0xFFFFFFFF, v8;
	_ =	sdelay $0x4  }
0x386: {  	[tilespmem:v8+s1+$0x0] =	vst.idx.msk $0xffff, v5  }
0x387: {  	[tilespmem:v8+s14+$0x0] =	vst.idx.msk $0xffff, v6  }
0x388: {  	[tilespmem:v7+s13+$0x0] =	vst.idx.add.s32.msk vm0, v9  }
.LBB2_92:
0x389: {  	s0 =	simm.s32 $0x5040  }
0x38a: {  	v5 =	vld [tilespmem:s0+$0xFFFFFFC0];
	_ =	sdelay $0x3  }
0x38b: {  	s22 =	simm.s32 $0x14840  }
0x38c: {  	[tilespmem:s22+$0xFFFFFFC0] =	vst v5  }
0x38d: {  	v5 =	vld [tilespmem:s0+$0xFFFFFFD0];
	_ =	sdelay $0x4  }
0x38e: {  	[tilespmem:s22+$0xFFFFFFD0] =	vst v5  }
0x38f: {  	v5 =	vld [tilespmem:s0+$0xFFFFFFE0];
	_ =	sdelay $0x4  }
0x390: {  	[tilespmem:s22+$0xFFFFFFE0] =	vst v5  }
0x391: {  	v5 =	vld [tilespmem:s0+$0xFFFFFFF0];
	_ =	sdelay $0x4  }
0x392: {  	[tilespmem:s22+$0xFFFFFFF0] =	vst v5  }
0x393: {  	v5 =	vld [tilespmem:s0+$0x0];
	_ =	sdelay $0x4  }
0x394: {  	[tilespmem:s22+$0x0] =	vst v5  }
0x395: {  	v5 =	vld [tilespmem:s0+$0x10];
	_ =	sdelay $0x4  }
0x396: {  	[tilespmem:s22+$0x10] =	vst v5  }
0x397: {  	v5 =	vld [tilespmem:s0+$0x20];
	_ =	sdelay $0x4  }
0x398: {  	[tilespmem:s22+$0x20] =	vst v5  }
0x399: {  	v5 =	vld [tilespmem:s0+$0x30];
	_ =	sdelay $0x4  }
0x39a: {  	s23 =	simm.s32 $0x0;
	s24 =	simm.s32 $0x50C0;
	[tilespmem:s22+$0x30] =	vst v5  }
.LBB2_93:
0x39b: {  	v5 =	vld [tilespmem:s24+$0xFFFFFFC0];
	s23 =	sadd.s32 $0x8, s23  }
0x39c: {  	p1 =	slt.u32 s23, $0x178;
	_ =	sdelay $0x2  }
0x39d: {  	s22 =	sadd.s32 $0x80, s22  }
0x39e: {  	[tilespmem:s22+$0xFFFFFFC0] =	vst v5  }
0x39f: {  	v5 =	vld [tilespmem:s24+$0xFFFFFFD0];
	_ =	sdelay $0x4  }
0x3a0: {  	[tilespmem:s22+$0xFFFFFFD0] =	vst v5  }
0x3a1: {  	v5 =	vld [tilespmem:s24+$0xFFFFFFE0];
	_ =	sdelay $0x4  }
0x3a2: {  	[tilespmem:s22+$0xFFFFFFE0] =	vst v5  }
0x3a3: {  	v5 =	vld [tilespmem:s24+$0xFFFFFFF0];
	_ =	sdelay $0x4  }
0x3a4: {  	[tilespmem:s22+$0xFFFFFFF0] =	vst v5  }
0x3a5: {  	v5 =	vld [tilespmem:s24+$0x0];
	_ =	sdelay $0x4  }
0x3a6: {  	[tilespmem:s22+$0x0] =	vst v5  }
0x3a7: {  	v5 =	vld [tilespmem:s24+$0x10];
	_ =	sdelay $0x4  }
0x3a8: {  	[tilespmem:s22+$0x10] =	vst v5  }
0x3a9: {  	v5 =	vld [tilespmem:s24+$0x20];
	_ =	sdelay $0x4  }
0x3aa: {  	[tilespmem:s22+$0x20] =	vst v5  }
0x3ab: {  	v5 =	vld [tilespmem:s24+$0x30]  }
.Ltmp52:
0x3ac: {  	(pc) =	sbr.rel @p1 .LBB2_93-.Ltmp52, $2  }
0x3ad: {  	_ =	sdelay $0x2  }
0x3ae: {  	s24 =	sadd.s32 $0x80, s24;
	[tilespmem:s22+$0x30] =	vst v5  }
0x3af: {  	[tilespmem:s17], [sflag:$0x1] =	stream.indirect.gather [hbm4b:s2+s15], $0x1, s16, s15, $0xb8;
	[tilespmem:$0x1C000] =	vst v63  }
0x3b0: {  	s0 =	sadd.s32 $0x9C4, s2  }
0x3b1: {  	[tilespmem:s18], [sflag:$0x1] =	stream.indirect.gather [hbm4b:s0+s15], $0x1, s16, s15, $0xb8;
	[tilespmem:$0x1C000] =	vst v63  }
0x3b2: {  	s31 =	sadd.s32 $0x1388, s2  }
0x3b3: {  	[tilespmem:s19], [sflag:$0x1] =	stream.indirect.gather [hbm4b:s31+s15], $0x1, s16, s15, $0xb8;
	[tilespmem:$0x1C000] =	vst v63  }
0x3b4: {  	s6 =	sadd.s32 $0x1D4C, s2  }
0x3b5: {  	[tilespmem:s20], [sflag:$0x1] =	stream.indirect.gather [hbm4b:s6+s15], $0x1, s16, s15, $0xb8;
	[tilespmem:$0x1C000] =	vst v63  }
0x3b6: {  	_ =	swait.ge [sflag:s12], $0x1800  }
0x3b7: {  	[sflag:s12] =	ssyncset.done $0x0  }
0x3b8: {  	[sflag:s12] =	ssyncadd.s32 $0xFFFFE800  }
0x3b9: {  	[hbm4b:s3+s1] =	stream.linear.scatter [tilespmem:s17], [sflag:$0x2], $0x1800, $0x38;
	[tilespmem:$0x1C000] =	vst v63  }
0x3ba: {  	_ =	swait.ge [sflag:s8], $0x1800  }
0x3bb: {  	[sflag:s8] =	ssyncset.done $0x0  }
0x3bc: {  	[sflag:s8] =	ssyncadd.s32 $0xFFFFE800  }
0x3bd: {  	_ =	swait.ge [sflag:s12], $0x1800  }
0x3be: {  	[sflag:s12] =	ssyncset.done $0x0  }
0x3bf: {  	s22 =	sadd.s32 $0x300, s3;
	[sflag:s12] =	ssyncadd.s32 $0xFFFFE800  }
0x3c0: {  	[hbm4b:s22+s1] =	stream.linear.scatter [tilespmem:s18], [sflag:$0x2], $0x1800, $0x38;
	[tilespmem:$0x1C000] =	vst v63  }
0x3c1: {  	_ =	swait.ge [sflag:s8], $0x1800  }
0x3c2: {  	[sflag:s8] =	ssyncset.done $0x0  }
0x3c3: {  	[sflag:s8] =	ssyncadd.s32 $0xFFFFE800  }
0x3c4: {  	_ =	swait.ge [sflag:s12], $0x1800  }
0x3c5: {  	[sflag:s12] =	ssyncset.done $0x0  }
0x3c6: {  	s23 =	sadd.s32 $0x600, s3;
	[sflag:s12] =	ssyncadd.s32 $0xFFFFE800  }
0x3c7: {  	[hbm4b:s23+s1] =	stream.linear.scatter [tilespmem:s19], [sflag:$0x2], $0x1800, $0x38;
	[tilespmem:$0x1C000] =	vst v63  }
0x3c8: {  	_ =	swait.ge [sflag:s8], $0x1800  }
0x3c9: {  	[sflag:s8] =	ssyncset.done $0x0  }
0x3ca: {  	[sflag:s8] =	ssyncadd.s32 $0xFFFFE800  }
0x3cb: {  	_ =	swait.ge [sflag:s12], $0x1800  }
0x3cc: {  	[sflag:s12] =	ssyncset.done $0x0  }
0x3cd: {  	s24 =	sadd.s32 $0x900, s3;
	[sflag:s12] =	ssyncadd.s32 $0xFFFFE800  }
0x3ce: {  	[hbm4b:s24+s1] =	stream.linear.scatter [tilespmem:s20], [sflag:$0x2], $0x1800, $0x38;
	[tilespmem:$0x1C000] =	vst v63  }
0x3cf: {  	_ =	swait.ge [sflag:s8], $0x1800  }
0x3d0: {  	[sflag:s8] =	ssyncset.done $0x0  }
0x3d1: {  	[sflag:s8] =	ssyncadd.s32 $0xFFFFE800  }
0x3d2: {  	[tilespmem:s17], [sflag:$0x1] =	stream.indirect.gather [hbm4b:s4+s15], $0x1, s16, s15, $0xb8;
	[tilespmem:$0x1C000] =	vst v63  }
0x3d3: {  	s25 =	sadd.s32 $0x9C4, s4  }
0x3d4: {  	[tilespmem:s18], [sflag:$0x1] =	stream.indirect.gather [hbm4b:s25+s15], $0x1, s16, s15, $0xb8;
	[tilespmem:$0x1C000] =	vst v63  }
0x3d5: {  	s26 =	sadd.s32 $0x1388, s4  }
0x3d6: {  	[tilespmem:s19], [sflag:$0x1] =	stream.indirect.gather [hbm4b:s26+s15], $0x1, s16, s15, $0xb8;
	[tilespmem:$0x1C000] =	vst v63  }
0x3d7: {  	s28 =	sadd.s32 $0x1D4C, s4  }
0x3d8: {  	[tilespmem:s20], [sflag:$0x1] =	stream.indirect.gather [hbm4b:s28+s15], $0x1, s16, s15, $0xb8;
	[tilespmem:$0x1C000] =	vst v63  }
0x3d9: {  	_ =	swait.ge [sflag:s12], $0x1800  }
0x3da: {  	[sflag:s12] =	ssyncset.done $0x0  }
0x3db: {  	[sflag:s12] =	ssyncadd.s32 $0xFFFFE800  }
0x3dc: {  	[hbm4b:s5+s1] =	stream.linear.scatter [tilespmem:s17], [sflag:$0x2], $0x1800, $0x38;
	[tilespmem:$0x1C000] =	vst v63  }
0x3dd: {  	_ =	swait.ge [sflag:s8], $0x1800  }
0x3de: {  	[sflag:s8] =	ssyncset.done $0x0  }
0x3df: {  	[sflag:s8] =	ssyncadd.s32 $0xFFFFE800  }
0x3e0: {  	_ =	swait.ge [sflag:s12], $0x1800  }
0x3e1: {  	[sflag:s12] =	ssyncset.done $0x0  }
0x3e2: {  	s29 =	sadd.s32 $0x300, s5;
	[sflag:s12] =	ssyncadd.s32 $0xFFFFE800  }
0x3e3: {  	[hbm4b:s29+s1] =	stream.linear.scatter [tilespmem:s18], [sflag:$0x2], $0x1800, $0x38;
	[tilespmem:$0x1C000] =	vst v63  }
0x3e4: {  	_ =	swait.ge [sflag:s8], $0x1800  }
0x3e5: {  	[sflag:s8] =	ssyncset.done $0x0  }
0x3e6: {  	[sflag:s8] =	ssyncadd.s32 $0xFFFFE800  }
0x3e7: {  	_ =	swait.ge [sflag:s12], $0x1800  }
0x3e8: {  	[sflag:s12] =	ssyncset.done $0x0  }
0x3e9: {  	s30 =	sadd.s32 $0x600, s5;
	[sflag:s12] =	ssyncadd.s32 $0xFFFFE800  }
0x3ea: {  	[hbm4b:s30+s1] =	stream.linear.scatter [tilespmem:s19], [sflag:$0x2], $0x1800, $0x38;
	[tilespmem:$0x1C000] =	vst v63  }
0x3eb: {  	_ =	swait.ge [sflag:s8], $0x1800  }
0x3ec: {  	[sflag:s8] =	ssyncset.done $0x0  }
0x3ed: {  	[sflag:s8] =	ssyncadd.s32 $0xFFFFE800  }
0x3ee: {  	_ =	swait.ge [sflag:s12], $0x1800  }
0x3ef: {  	s21 =	sadd.s32 $0x1, s21;
	[sflag:s12] =	ssyncset.done $0x0  }
0x3f0: {  	p1 =	sne.s32 s21, s7;
	s31 =	sadd.s32 $0x900, s5;
	[sflag:s12] =	ssyncadd.s32 $0xFFFFE800  }
0x3f1: {  	[hbm4b:s31+s1] =	stream.linear.scatter [tilespmem:s20], [sflag:$0x2], $0x1800, $0x38;
	[tilespmem:$0x1C000] =	vst v63  }
.Ltmp53:
0x3f2: {  	_ = 	snop;
	(pc) =	sbr.rel @p1 .LBB2_2-.Ltmp53, $4  }
.Ltmp54:
0x3f3: {  	_ = 	snop;
	(pc) =	sbr.rel @!p1 .LBB2_95-.Ltmp54, $4  }
0x3f4: {  	_ =	swait.ge [sflag:s8], $0x1800  }
0x3f5: {  	[sflag:s8] =	ssyncset.done $0x0  }
0x3f6: {  	[sflag:s8] =	ssyncadd.s32 $0xFFFFE800  }
0x3f7: {  	_ = 	snop  }
.LBB2_7:
.Ltmp55:
0x3f8: {  	_ = 	snop;
	(pc) =	sbr.rel .LBB2_16-.Ltmp55, $2  }
0x3f9: {  	_ =	sdelay $0x2  }
0x3fa: {  	s25 =	simm.s32 $0x0;
	s24 =	simm.s32 $0x0;
	v5 =	vmov v6  }
.LBB2_29:
.Ltmp56:
0x3fb: {  	_ = 	snop;
	(pc) =	sbr.rel .LBB2_38-.Ltmp56, $2  }
0x3fc: {  	_ =	sdelay $0x2  }
0x3fd: {  	s26 =	simm.s32 $0x0;
	s25 =	simm.s32 $0x0;
	v5 =	vmov v7  }
.LBB2_53:
.Ltmp57:
0x3fe: {  	_ = 	snop;
	(pc) =	sbr.rel .LBB2_62-.Ltmp57, $2  }
0x3ff: {  	_ =	sdelay $0x2  }
0x400: {  	s26 =	simm.s32 $0x0;
	s25 =	simm.s32 $0x0;
	v5 =	vmov v7  }
.LBB2_77:
.Ltmp58:
0x401: {  	_ = 	snop;
	(pc) =	sbr.rel .LBB2_86-.Ltmp58, $2  }
0x402: {  	_ =	sdelay $0x2  }
0x403: {  	s26 =	simm.s32 $0x0;
	s25 =	simm.s32 $0x0;
	v5 =	vmov v7  }
.LBB2_9:
.Ltmp59:
0x404: {  	(pc) =	sbr.rel .LBB2_16-.Ltmp59, $2  }
0x405: {  	_ =	sdelay $0x2  }
0x406: {  	v5 =	vmov v7;
	v7 =	vmov v6;
	s25 =	simm.s32 $0x0;
	s28 =	simm.s32 $0x0  }
.LBB2_31:
.Ltmp60:
0x407: {  	(pc) =	sbr.rel .LBB2_38-.Ltmp60, $2  }
0x408: {  	_ =	sdelay $0x2  }
0x409: {  	v5 =	vmov v6;
	v6 =	vmov v7;
	s26 =	simm.s32 $0x0;
	s28 =	simm.s32 $0x0  }
.LBB2_55:
.Ltmp61:
0x40a: {  	(pc) =	sbr.rel .LBB2_62-.Ltmp61, $2  }
0x40b: {  	_ =	sdelay $0x2  }
0x40c: {  	v5 =	vmov v6;
	v6 =	vmov v7;
	s26 =	simm.s32 $0x0;
	s28 =	simm.s32 $0x0  }
.LBB2_79:
.Ltmp62:
0x40d: {  	(pc) =	sbr.rel .LBB2_86-.Ltmp62, $2  }
0x40e: {  	_ =	sdelay $0x2  }
0x40f: {  	v5 =	vmov v6;
	v6 =	vmov v7;
	s26 =	simm.s32 $0x0;
	s28 =	simm.s32 $0x0  }
.LBB2_11:
.Ltmp63:
0x410: {  	(pc) =	sbr.rel .LBB2_16-.Ltmp63, $3  }
0x411: {  	_ =	sdelay $0x1  }
0x412: {  	s25 =	simm.s32 $0x0  }
0x413: {  	v5 =	vmov v13;
	v12 =	vmov v6;
	v9 =	vmov v8;
	s29 =	simm.s32 $0x0;
	s28 =	simm.s32 $0x10;
	s24 =	simm.s32 $0x20  }
.LBB2_33:
.Ltmp64:
0x414: {  	(pc) =	sbr.rel .LBB2_38-.Ltmp64, $3  }
0x415: {  	_ =	sdelay $0x1  }
0x416: {  	s26 =	simm.s32 $0x0  }
0x417: {  	v5 =	vmov v13;
	v12 =	vmov v7;
	v9 =	vmov v8;
	s30 =	simm.s32 $0x0;
	s28 =	simm.s32 $0x10;
	s25 =	simm.s32 $0x20  }
.LBB2_57:
.Ltmp65:
0x418: {  	(pc) =	sbr.rel .LBB2_62-.Ltmp65, $3  }
0x419: {  	_ =	sdelay $0x1  }
0x41a: {  	s26 =	simm.s32 $0x0  }
0x41b: {  	v5 =	vmov v13;
	v12 =	vmov v7;
	v9 =	vmov v8;
	s30 =	simm.s32 $0x0;
	s28 =	simm.s32 $0x10;
	s25 =	simm.s32 $0x20  }
.LBB2_81:
.Ltmp66:
0x41c: {  	(pc) =	sbr.rel .LBB2_86-.Ltmp66, $3  }
0x41d: {  	_ =	sdelay $0x1  }
0x41e: {  	s26 =	simm.s32 $0x0  }
0x41f: {  	v5 =	vmov v13;
	v12 =	vmov v7;
	v9 =	vmov v8;
	s30 =	simm.s32 $0x0;
	s28 =	simm.s32 $0x10;
	s25 =	simm.s32 $0x20  }
.LBB2_13:
.Ltmp67:
0x420: {  	(pc) =	sbr.rel .LBB2_16-.Ltmp67, $3  }
0x421: {  	_ =	sdelay $0x1  }
0x422: {  	s25 =	simm.s32 $0x0  }
0x423: {  	v12 =	vmovc v7;
	v10 =	vmov v6;
	v7 =	vmov v13;
	v11 =	vmov v8;
	s26 =	simm.s32 $0x0;
	s29 =	simm.s32 $0x10;
	s24 =	simm.s32 $0x30  }
.LBB2_35:
.Ltmp68:
0x424: {  	(pc) =	sbr.rel .LBB2_38-.Ltmp68, $3  }
0x425: {  	_ =	sdelay $0x1  }
0x426: {  	s26 =	simm.s32 $0x0  }
0x427: {  	v12 =	vmovc v6;
	v10 =	vmov v7;
	v6 =	vmov v13;
	v11 =	vmov v8;
	s29 =	simm.s32 $0x0;
	s30 =	simm.s32 $0x10;
	s25 =	simm.s32 $0x30  }
.LBB2_59:
.Ltmp69:
0x428: {  	(pc) =	sbr.rel .LBB2_62-.Ltmp69, $3  }
0x429: {  	_ =	sdelay $0x1  }
0x42a: {  	s26 =	simm.s32 $0x0  }
0x42b: {  	v12 =	vmovc v6;
	v10 =	vmov v7;
	v6 =	vmov v13;
	v11 =	vmov v8;
	s29 =	simm.s32 $0x0;
	s30 =	simm.s32 $0x10;
	s25 =	simm.s32 $0x30  }
.LBB2_83:
.Ltmp70:
0x42c: {  	(pc) =	sbr.rel .LBB2_86-.Ltmp70, $3  }
0x42d: {  	_ =	sdelay $0x1  }
0x42e: {  	s26 =	simm.s32 $0x0  }
0x42f: {  	v12 =	vmovc v6;
	v10 =	vmov v7;
	v6 =	vmov v13;
	v11 =	vmov v8;
	s29 =	simm.s32 $0x0;
	s30 =	simm.s32 $0x10;
	s25 =	simm.s32 $0x30  }
.Lfunc_end2:
_tile_overlayer_lowered:
.L_overlay_start_2:
0x430: {  	(tag) =	ssettag $0x2  }
0x431: {  	s0 =	rddreg [dreg:$0x0];
	s2 =	stileid.u32  }
0x432: {  	s1 =	rddreg [dreg:$0x1];
	p0 =	sne.s32 s2, $0x0  }
0x433: {  	s3 =	rddreg [dreg:$0x2];
	[bflag:$0x3] =	sbarrier.arrive $0xFFFF;
	s2 =	simm.s32 @!p0 $0x1C02  }
0x434: {  	[timem:s3], [sflag:s2] =	dma.local @!p0 [hbm:s0], s1  }
0x435: {  	s0 =	simm.s32 @!p0 $0x2  }
0x436: {  	_ =	swait.ge @!p0 [sflag:s0], s1  }
0x437: {  	s1 =	ssub.s32 @!p0 $0x0, s1;
	[sflag:s0] =	ssyncset.done @!p0 $0x0  }
0x438: {  	[sflag:s0] =	ssyncadd.s32 @!p0 s1  }
0x439: {  	[bflag:$0x3] =	sbarrier.arrive $0xFFFF  }
0x43a: {  	_ =	shalt  }

</sc_bundles>
